<compile_context>
chip_gen: v7x
topology: tpu7x:2x2x1
jax: 0.10.2.dev20260603
libtpu: 0.0.44.dev20260713+nightly
codegen_flags: <defaults>
</compile_context>

<pallas_src>
import jax
import jax.numpy as jnp
from jax import lax
from jax.experimental import pallas as pl
from jax.experimental.pallas import tpu as pltpu
from jax.experimental.pallas import tpu_sc as plsc

N = 50000
D = 128
H = 64
K = 5
T = 64
TC_COLS = T * K
R = 2000
NB = N // R

NW = 32
CHUNK = 1568
NGRP = CHUNK // 16

_NT = (((1,), (1,)), ((), ()))
_NN = (((1,), (0,)), ((), ()))


def _sc_hist_kernel(ids_hbm, out_hbm, chunk_v):
    wid = lax.axis_index("s") * 2 + lax.axis_index("c")
    base = jnp.minimum(wid * CHUNK, N - CHUNK)
    pltpu.sync_copy(ids_hbm.at[pl.ds(base, CHUNK)], chunk_v)
    acc_lo = jnp.zeros((16,), jnp.int32)
    acc_hi = jnp.zeros((16,), jnp.int32)
    one16 = jnp.ones((16,), jnp.int32)
    zero16 = jnp.zeros((16,), jnp.int32)
    for j in range(NGRP):
        v = chunk_v[pl.ds(16 * j, 16)]
        bit = lax.shift_left(one16, v & 31)
        acc_lo = acc_lo | jnp.where(v < 32, bit, zero16)
        acc_hi = acc_hi | jnp.where(v >= 32, bit, zero16)
    chunk_v[pl.ds(0, 16)] = acc_lo
    chunk_v[pl.ds(16, 16)] = acc_hi
    zero16 = jnp.zeros((16,), jnp.int32)
    for k in range(2, 8):
        chunk_v[pl.ds(16 * k, 16)] = zero16
    pltpu.sync_copy(chunk_v.at[pl.ds(0, 128)], out_hbm.at[wid])


def _sc_hist(ids):
    run = pl.kernel(
        _sc_hist_kernel,
        mesh=plsc.VectorSubcoreMesh(core_axis_name="c", subcore_axis_name="s"),
        out_type=jax.ShapeDtypeStruct((NW, 128), jnp.int32),
        scratch_types=[
            pltpu.VMEM((CHUNK,), jnp.int32),
        ],
    )
    return run(ids)


def _main_kernel(x_ref, ids_ref, tbl_ref, w1_ref, b1_ref, w2_ref, b2_ref,
                 s_ref, cid_ref, m_ref, rank_ref):
    @pl.when(pl.program_id(0) == 0)
    def _build_lut():
        masks = tbl_ref[...]
        acc = masks[0:1, :]
        for w in range(1, NW):
            acc = acc | masks[w:w + 1, :]
        lo = acc[:, 0:16]
        hi = acc[:, 16:32]
        for half in (8, 4, 2, 1):
            lo = lo[:, 0:half] | lo[:, half:2 * half]
            hi = hi[:, 0:half] | hi[:, half:2 * half]
        lane = lax.broadcasted_iota(jnp.int32, (1, T), 1)
        word = jnp.where(lane < 32, lo, hi)
        pres_row = ((lax.shift_right_logical(word, lane & 31) & 1)
                    ).astype(jnp.float32)
        ri = lax.broadcasted_iota(jnp.int32, (T, T), 0)
        ci = lax.broadcasted_iota(jnp.int32, (T, T), 1)
        diag = jnp.where(ri == ci, pres_row, 0.0)
        ones_col = jnp.zeros((T, 1), jnp.float32) + 1.0
        pres_col = lax.dot_general(diag, ones_col, _NN,
                                   preferred_element_type=jnp.float32)
        ltri = (ci < ri).astype(jnp.float32)
        rank = lax.dot_general(ltri, pres_col, _NN,
                               preferred_element_type=jnp.float32)
        rank_ref[...] = rank
        ranki = rank.astype(jnp.int32)
        colb = lax.broadcasted_iota(jnp.int32, (T, TC_COLS), 1) // K
        m_ref[...] = (colb == ranki).astype(jnp.float32)

    x = x_ref[...]
    h = lax.dot_general(x, w1_ref[...], _NT,
                        preferred_element_type=jnp.float32)
    h = jnp.maximum(h + b1_ref[...], 0.0)
    logits = lax.dot_general(h, w2_ref[...], _NT,
                             preferred_element_type=jnp.float32)
    logits = logits + b2_ref[...]
    mx = jnp.max(logits, axis=1, keepdims=True)
    e = jnp.exp(logits - mx)
    sl = e / jnp.sum(e, axis=1, keepdims=True)

    ids_row = ids_ref[...].reshape(1, R)
    ids = jnp.transpose(ids_row, (1, 0))
    onehot = (ids == lax.broadcasted_iota(jnp.int32, (1, T), 1)
              ).astype(jnp.float32)
    row_mask = lax.dot_general(onehot, m_ref[...], _NN,
                               preferred_element_type=jnp.float32)

    pj = lax.broadcasted_iota(jnp.int32, (K, TC_COLS), 0)
    pc = lax.broadcasted_iota(jnp.int32, (K, TC_COLS), 1)
    p = (pc % K == pj).astype(jnp.float32)
    tiled = lax.dot_general(sl, p, _NN,
                            preferred_element_type=jnp.float32)
    s_ref[...] = row_mask * tiled

    ranks = lax.dot_general(onehot, rank_ref[...], _NN,
                            preferred_element_type=jnp.float32)
    lane = lax.broadcasted_iota(jnp.int32, (1, K), 1).astype(jnp.float32)
    cand = jnp.where(sl == jnp.max(sl, axis=1, keepdims=True), lane,
                     jnp.float32(K))
    am = jnp.min(cand, axis=1, keepdims=True)
    cid_f = ranks * K + am
    cid_row = jnp.transpose(cid_f, (1, 0)).astype(jnp.int32)
    cid_ref[...] = cid_row.reshape(1, 1, R)


def kernel(x, transformer_ids, W1, b1, W2, b2):
    ids = transformer_ids.astype(jnp.int32)
    ids3 = ids.reshape(NB, 1, R)
    b1r = b1.reshape(1, H)
    b2r = b2.reshape(1, K)

    tbl = _sc_hist(ids)

    s, cid = pl.pallas_call(
        _main_kernel,
        grid=(NB,),
        in_specs=[
            pl.BlockSpec((R, D), lambda i: (i, 0)),
            pl.BlockSpec((1, 1, R), lambda i: (i, 0, 0)),
            pl.BlockSpec((NW, 128), lambda i: (0, 0)),
            pl.BlockSpec((H, D), lambda i: (0, 0)),
            pl.BlockSpec((1, H), lambda i: (0, 0)),
            pl.BlockSpec((K, H), lambda i: (0, 0)),
            pl.BlockSpec((1, K), lambda i: (0, 0)),
        ],
        out_specs=[
            pl.BlockSpec((R, TC_COLS), lambda i: (i, 0)),
            pl.BlockSpec((1, 1, R), lambda i: (i, 0, 0)),
        ],
        out_shape=[
            jax.ShapeDtypeStruct((N, TC_COLS), jnp.float32),
            jax.ShapeDtypeStruct((NB, 1, R), jnp.int32),
        ],
        scratch_shapes=[
            pltpu.VMEM((T, TC_COLS), jnp.float32),
            pltpu.VMEM((T, 1), jnp.float32),
        ],
    )(x, ids3, tbl, W1, b1r, W2, b2r)

    return (s, cid.reshape(N))

# --- scband reference (transcript-rebuilt; emitter-appended) ---
"""Pipeline reference for scband-transformer-constrained-pooling-4363686773148 (READ-ONLY COPY).

The authoritative reference and input builder live on the scoring server;
editing this copy changes nothing except your own understanding.
"""

import jax, jax.numpy as jnp
import numpy as np

N = 50000
D = 128
K = 5  # max_clusters_per_transformer
T = 64  # number of transformer regions


def setup_inputs(seed: int = 0) -> dict:
    key = jax.random.key(seed)
    k1, k2, k3, k4, k5, k6 = jax.random.split(key, 6)
    x = jax.random.normal(k1, (N, D), dtype=jnp.float32)
    transformer_ids = jax.random.randint(k2, (N,), 0, T, dtype=jnp.int64)
    # local_assign: Linear(D, D//2) -> ReLU -> Linear(D//2, K)
    H = D // 2
    W1 = jax.random.normal(k3, (H, D), dtype=jnp.float32) * (1.0 / np.sqrt(D))
    b1 = jax.random.normal(k4, (H,), dtype=jnp.float32) * 0.01
    W2 = jax.random.normal(k5, (K, H), dtype=jnp.float32) * (1.0 / np.sqrt(H))
    b2 = jax.random.normal(k6, (K,), dtype=jnp.float32) * 0.01
    return {"x": x, "transformer_ids": transformer_ids, "W1": W1, "b1": b1, "W2": W2, "b2": b2}


def reference(x, transformer_ids, W1, b1, W2, b2):
    # Faithful translation: per-transformer local assignment, scattered into
    # a global assignment matrix with block offsets ordered by sorted unique ids.
    n = x.shape[0]
    unique_t = jnp.unique(transformer_ids, size=T, fill_value=T)  # sorted, matches torch.unique
    total_clusters = unique_t.shape[0] * K
    # rank of each node's transformer id among the sorted unique ids -> block offset
    ranks = jnp.searchsorted(unique_t, transformer_ids)
    # local_assign applied per node (identical math to applying it per-group)
    h = jnp.maximum(x @ W1.T + b1, 0.0)
    logits = h @ W2.T + b2
    S_local = jax.nn.softmax(logits, axis=1)  # [N, K]
    # scatter-overwrite each node's K-wide block at column offset ranks[i]*K
    S = jnp.zeros((n, total_clusters), dtype=x.dtype)
    rows = jnp.arange(n)[:, None]
    cols = ranks[:, None] * K + jnp.arange(K)[None, :]
    S = S.at[rows, cols].set(S_local)
    cluster_ids = jnp.argmax(S, axis=1)
    return (S, cluster_ids)

if __name__ == "__main__":
    import jax
    _d = setup_inputs()
    print(jax.jit(kernel)(*tuple(_d.values())))

</pallas_src>

<mosaic_0001>
#map = affine_map<(d0, d1) -> (0)>
#map1 = affine_map<(d0, d1) -> (0, 0)>
module attributes {stable_mosaic.version = 14 : i64} {
  func.func @_sc_hist_kernel(%arg0: i32, %arg1: i32, %arg2: memref<50000xi32, #tpu.memory_space<hbm>>, %arg3: memref<32x128xi32, #tpu.memory_space<hbm>>, %arg4: memref<1568xi32, #tpu.memory_space<vmem>>) attributes {dimension_semantics = [#tpu.dimension_semantics<core_parallel>, #tpu.dimension_semantics<subcore_parallel>], iteration_bounds = array<i64: 2, 16>, scalar_prefetch = 0 : i64, scratch_operands = 1 : i64, tpu.core_type = #tpu.core_type<sc_vector_subcore>, window_params = [{transform_indices = #map}, {transform_indices = #map1}]} {
    %mul3A = arith.constant 2 : i32
    %mul3A_0 = arith.muli %arg1, %mul3A : i32
    %add3A = arith.addi %mul3A_0, %arg0 : i32
    %mul3A_1 = arith.constant 1568 : i32
    %mul3A_2 = arith.muli %add3A, %mul3A_1 : i32
    %min3A = arith.constant 48432 : i32
    %min3A_3 = arith.minsi %mul3A_2, %min3A : i32
    "tpu.region"() ({
      %run_scoped3A = tpu.sem_alloc : memref<!tpu.dma_semaphore, #tpu.memory_space<semaphore_mem>>
      %dma_start3A = tpu.memref_slice %arg2[%min3A_3] : memref<50000xi32, #tpu.memory_space<hbm>> -> memref<1568xi32, #tpu.memory_space<hbm>>
      %dma_start3A_1703 = tpu.memref_slice %arg2[%min3A_3] : memref<50000xi32, #tpu.memory_space<hbm>> -> memref<1568xi32, #tpu.memory_space<hbm>>
      tpu.enqueue_dma source(%dma_start3A_1703 : memref<1568xi32, #tpu.memory_space<hbm>>) target(%arg4 : memref<1568xi32, #tpu.memory_space<vmem>>) target_semaphore(%run_scoped3A : memref<!tpu.dma_semaphore, #tpu.memory_space<semaphore_mem>>)
      %dma_wait3A = tpu.memref_slice %arg2[%min3A_3] : memref<50000xi32, #tpu.memory_space<hbm>> -> memref<1568xi32, #tpu.memory_space<hbm>>
      %dma_wait3A_1704 = tpu.memref_slice %arg2[%min3A_3] : memref<50000xi32, #tpu.memory_space<hbm>> -> memref<1568xi32, #tpu.memory_space<hbm>>
      tpu.wait_dma2 semaphore(%run_scoped3A : memref<!tpu.dma_semaphore, #tpu.memory_space<semaphore_mem>>) src(%dma_wait3A_1704 : memref<1568xi32, #tpu.memory_space<hbm>>) dst(%arg4 : memref<1568xi32, #tpu.memory_space<vmem>>)
      tpu.yield
    }) : () -> ()
    %broadcast_in_dim3A = arith.constant 0 : i32
    %broadcast_in_dim3A_4 = vector.broadcast %broadcast_in_dim3A : i32 to vector<16xi32>
    %broadcast_in_dim3A_5 = arith.constant 0 : i32
    %broadcast_in_dim3A_6 = vector.broadcast %broadcast_in_dim3A_5 : i32 to vector<16xi32>
    %broadcast_in_dim3A_7 = arith.constant 1 : i32
    %broadcast_in_dim3A_8 = vector.broadcast %broadcast_in_dim3A_7 : i32 to vector<16xi32>
    %broadcast_in_dim3A_9 = arith.constant 0 : i32
    %broadcast_in_dim3A_10 = vector.broadcast %broadcast_in_dim3A_9 : i32 to vector<16xi32>
    %get3A = arith.constant 0 : index
    %get3A_11 = tpu.vector_load %arg4[%get3A] {strides = array<i32>} : memref<1568xi32, #tpu.memory_space<vmem>>, vector<16xi32>,
    %get3A_12 = vector.shape_cast %get3A_11 : vector<16xi32> to vector<16xi32>
    %and3A = arith.constant 31 : i32
    %and3A_13 = vector.broadcast %and3A : i32 to vector<16xi32>
    %and3A_14 = arith.andi %get3A_12, %and3A_13 : vector<16xi32>
    %shift_left3A = arith.shli %broadcast_in_dim3A_8, %and3A_14 : vector<16xi32>
    %lt3A = arith.constant 32 : i32
    %lt3A_15 = vector.broadcast %lt3A : i32 to vector<16xi32>
    %lt3A_16 = arith.cmpi slt, %get3A_12, %lt3A_15 : vector<16xi32>
    %select_n3A = arith.select %lt3A_16, %shift_left3A, %broadcast_in_dim3A_10 : vector<16xi1>, vector<16xi32>
    %or3A = arith.ori %broadcast_in_dim3A_4, %select_n3A : vector<16xi32>
    %ge3A = arith.constant 32 : i32
    %ge3A_17 = vector.broadcast %ge3A : i32 to vector<16xi32>
    %ge3A_18 = arith.cmpi sge, %get3A_12, %ge3A_17 : vector<16xi32>
    %select_n3A_19 = arith.select %ge3A_18, %shift_left3A, %broadcast_in_dim3A_10 : vector<16xi1>, vector<16xi32>
    %or3A_20 = arith.ori %broadcast_in_dim3A_6, %select_n3A_19 : vector<16xi32>
    %get3A_21 = arith.constant 16 : index
    %get3A_22 = tpu.vector_load %arg4[%get3A_21] {strides = array<i32>} : memref<1568xi32, #tpu.memory_space<vmem>>, vector<16xi32>,
    %get3A_23 = vector.shape_cast %get3A_22 : vector<16xi32> to vector<16xi32>
    %and3A_24 = arith.constant 31 : i32
    %and3A_25 = vector.broadcast %and3A_24 : i32 to vector<16xi32>
    %and3A_26 = arith.andi %get3A_23, %and3A_25 : vector<16xi32>
    %shift_left3A_27 = arith.shli %broadcast_in_dim3A_8, %and3A_26 : vector<16xi32>
    %lt3A_28 = arith.constant 32 : i32
    %lt3A_29 = vector.broadcast %lt3A_28 : i32 to vector<16xi32>
    %lt3A_30 = arith.cmpi slt, %get3A_23, %lt3A_29 : vector<16xi32>
    %select_n3A_31 = arith.select %lt3A_30, %shift_left3A_27, %broadcast_in_dim3A_10 : vector<16xi1>, vector<16xi32>
    %or3A_32 = arith.ori %or3A, %select_n3A_31 : vector<16xi32>
    %ge3A_33 = arith.constant 32 : i32
    %ge3A_34 = vector.broadcast %ge3A_33 : i32 to vector<16xi32>
    %ge3A_35 = arith.cmpi sge, %get3A_23, %ge3A_34 : vector<16xi32>
    %select_n3A_36 = arith.select %ge3A_35, %shift_left3A_27, %broadcast_in_dim3A_10 : vector<16xi1>, vector<16xi32>
    %or3A_37 = arith.ori %or3A_20, %select_n3A_36 : vector<16xi32>
    %get3A_38 = arith.constant 32 : index
    %get3A_39 = tpu.vector_load %arg4[%get3A_38] {strides = array<i32>} : memref<1568xi32, #tpu.memory_space<vmem>>, vector<16xi32>,
    %get3A_40 = vector.shape_cast %get3A_39 : vector<16xi32> to vector<16xi32>
    %and3A_41 = arith.constant 31 : i32
    %and3A_42 = vector.broadcast %and3A_41 : i32 to vector<16xi32>
    %and3A_43 = arith.andi %get3A_40, %and3A_42 : vector<16xi32>
    %shift_left3A_44 = arith.shli %broadcast_in_dim3A_8, %and3A_43 : vector<16xi32>
    %lt3A_45 = arith.constant 32 : i32
    %lt3A_46 = vector.broadcast %lt3A_45 : i32 to vector<16xi32>
    %lt3A_47 = arith.cmpi slt, %get3A_40, %lt3A_46 : vector<16xi32>
    %select_n3A_48 = arith.select %lt3A_47, %shift_left3A_44, %broadcast_in_dim3A_10 : vector<16xi1>, vector<16xi32>
    %or3A_49 = arith.ori %or3A_32, %select_n3A_48 : vector<16xi32>
    %ge3A_50 = arith.constant 32 : i32
    %ge3A_51 = vector.broadcast %ge3A_50 : i32 to vector<16xi32>
    %ge3A_52 = arith.cmpi sge, %get3A_40, %ge3A_51 : vector<16xi32>
    %select_n3A_53 = arith.select %ge3A_52, %shift_left3A_44, %broadcast_in_dim3A_10 : vector<16xi1>, vector<16xi32>
    %or3A_54 = arith.ori %or3A_37, %select_n3A_53 : vector<16xi32>
    %get3A_55 = arith.constant 48 : index
    %get3A_56 = tpu.vector_load %arg4[%get3A_55] {strides = array<i32>} : memref<1568xi32, #tpu.memory_space<vmem>>, vector<16xi32>,
    %get3A_57 = vector.shape_cast %get3A_56 : vector<16xi32> to vector<16xi32>
    %and3A_58 = arith.constant 31 : i32
    %and3A_59 = vector.broadcast %and3A_58 : i32 to vector<16xi32>
    %and3A_60 = arith.andi %get3A_57, %and3A_59 : vector<16xi32>
    %shift_left3A_61 = arith.shli %broadcast_in_dim3A_8, %and3A_60 : vector<16xi32>
    %lt3A_62 = arith.constant 32 : i32
    %lt3A_63 = vector.broadcast %lt3A_62 : i32 to vector<16xi32>
    %lt3A_64 = arith.cmpi slt, %get3A_57, %lt3A_63 : vector<16xi32>
    %select_n3A_65 = arith.select %lt3A_64, %shift_left3A_61, %broadcast_in_dim3A_10 : vector<16xi1>, vector<16xi32>
    %or3A_66 = arith.ori %or3A_49, %select_n3A_65 : vector<16xi32>
    %ge3A_67 = arith.constant 32 : i32
    %ge3A_68 = vector.broadcast %ge3A_67 : i32 to vector<16xi32>
    %ge3A_69 = arith.cmpi sge, %get3A_57, %ge3A_68 : vector<16xi32>
    %select_n3A_70 = arith.select %ge3A_69, %shift_left3A_61, %broadcast_in_dim3A_10 : vector<16xi1>, vector<16xi32>
    %or3A_71 = arith.ori %or3A_54, %select_n3A_70 : vector<16xi32>
    %get3A_72 = arith.constant 64 : index
    %get3A_73 = tpu.vector_load %arg4[%get3A_72] {strides = array<i32>} : memref<1568xi32, #tpu.memory_space<vmem>>, vector<16xi32>,
    %get3A_74 = vector.shape_cast %get3A_73 : vector<16xi32> to vector<16xi32>
    %and3A_75 = arith.constant 31 : i32
    %and3A_76 = vector.broadcast %and3A_75 : i32 to vector<16xi32>
    %and3A_77 = arith.andi %get3A_74, %and3A_76 : vector<16xi32>
    %shift_left3A_78 = arith.shli %broadcast_in_dim3A_8, %and3A_77 : vector<16xi32>
    %lt3A_79 = arith.constant 32 : i32
    %lt3A_80 = vector.broadcast %lt3A_79 : i32 to vector<16xi32>
    %lt3A_81 = arith.cmpi slt, %get3A_74, %lt3A_80 : vector<16xi32>
    %select_n3A_82 = arith.select %lt3A_81, %shift_left3A_78, %broadcast_in_dim3A_10 : vector<16xi1>, vector<16xi32>
    %or3A_83 = arith.ori %or3A_66, %select_n3A_82 : vector<16xi32>
    %ge3A_84 = arith.constant 32 : i32
    %ge3A_85 = vector.broadcast %ge3A_84 : i32 to vector<16xi32>
    %ge3A_86 = arith.cmpi sge, %get3A_74, %ge3A_85 : vector<16xi32>
    %select_n3A_87 = arith.select %ge3A_86, %shift_left3A_78, %broadcast_in_dim3A_10 : vector<16xi1>, vector<16xi32>
    %or3A_88 = arith.ori %or3A_71, %select_n3A_87 : vector<16xi32>
    %get3A_89 = arith.constant 80 : index
    %get3A_90 = tpu.vector_load %arg4[%get3A_89] {strides = array<i32>} : memref<1568xi32, #tpu.memory_space<vmem>>, vector<16xi32>,
    %get3A_91 = vector.shape_cast %get3A_90 : vector<16xi32> to vector<16xi32>
    %and3A_92 = arith.constant 31 : i32
    %and3A_93 = vector.broadcast %and3A_92 : i32 to vector<16xi32>
    %and3A_94 = arith.andi %get3A_91, %and3A_93 : vector<16xi32>
    %shift_left3A_95 = arith.shli %broadcast_in_dim3A_8, %and3A_94 : vector<16xi32>
    %lt3A_96 = arith.constant 32 : i32
    %lt3A_97 = vector.broadcast %lt3A_96 : i32 to vector<16xi32>
    %lt3A_98 = arith.cmpi slt, %get3A_91, %lt3A_97 : vector<16xi32>
    %select_n3A_99 = arith.select %lt3A_98, %shift_left3A_95, %broadcast_in_dim3A_10 : vector<16xi1>, vector<16xi32>
    %or3A_100 = arith.ori %or3A_83, %select_n3A_99 : vector<16xi32>
    %ge3A_101 = arith.constant 32 : i32
    %ge3A_102 = vector.broadcast %ge3A_101 : i32 to vector<16xi32>
    %ge3A_103 = arith.cmpi sge, %get3A_91, %ge3A_102 : vector<16xi32>
    %select_n3A_104 = arith.select %ge3A_103, %shift_left3A_95, %broadcast_in_dim3A_10 : vector<16xi1>, vector<16xi32>
    %or3A_105 = arith.ori %or3A_88, %select_n3A_104 : vector<16xi32>
    %get3A_106 = arith.constant 96 : index
    %get3A_107 = tpu.vector_load %arg4[%get3A_106] {strides = array<i32>} : memref<1568xi32, #tpu.memory_space<vmem>>, vector<16xi32>,
    %get3A_108 = vector.shape_cast %get3A_107 : vector<16xi32> to vector<16xi32>
    %and3A_109 = arith.constant 31 : i32
    %and3A_110 = vector.broadcast %and3A_109 : i32 to vector<16xi32>
    %and3A_111 = arith.andi %get3A_108, %and3A_110 : vector<16xi32>
    %shift_left3A_112 = arith.shli %broadcast_in_dim3A_8, %and3A_111 : vector<16xi32>
    %lt3A_113 = arith.constant 32 : i32
    %lt3A_114 = vector.broadcast %lt3A_113 : i32 to vector<16xi32>
    %lt3A_115 = arith.cmpi slt, %get3A_108, %lt3A_114 : vector<16xi32>
    %select_n3A_116 = arith.select %lt3A_115, %shift_left3A_112, %broadcast_in_dim3A_10 : vector<16xi1>, vector<16xi32>
    %or3A_117 = arith.ori %or3A_100, %select_n3A_116 : vector<16xi32>
    %ge3A_118 = arith.constant 32 : i32
    %ge3A_119 = vector.broadcast %ge3A_118 : i32 to vector<16xi32>
    %ge3A_120 = arith.cmpi sge, %get3A_108, %ge3A_119 : vector<16xi32>
    %select_n3A_121 = arith.select %ge3A_120, %shift_left3A_112, %broadcast_in_dim3A_10 : vector<16xi1>, vector<16xi32>
    %or3A_122 = arith.ori %or3A_105, %select_n3A_121 : vector<16xi32>
    %get3A_123 = arith.constant 112 : index
    %get3A_124 = tpu.vector_load %arg4[%get3A_123] {strides = array<i32>} : memref<1568xi32, #tpu.memory_space<vmem>>, vector<16xi32>,
    %get3A_125 = vector.shape_cast %get3A_124 : vector<16xi32> to vector<16xi32>
    %and3A_126 = arith.constant 31 : i32
    %and3A_127 = vector.broadcast %and3A_126 : i32 to vector<16xi32>
    %and3A_128 = arith.andi %get3A_125, %and3A_127 : vector<16xi32>
    %shift_left3A_129 = arith.shli %broadcast_in_dim3A_8, %and3A_128 : vector<16xi32>
    %lt3A_130 = arith.constant 32 : i32
    %lt3A_131 = vector.broadcast %lt3A_130 : i32 to vector<16xi32>
    %lt3A_132 = arith.cmpi slt, %get3A_125, %lt3A_131 : vector<16xi32>
    %select_n3A_133 = arith.select %lt3A_132, %shift_left3A_129, %broadcast_in_dim3A_10 : vector<16xi1>, vector<16xi32>
    %or3A_134 = arith.ori %or3A_117, %select_n3A_133 : vector<16xi32>
    %ge3A_135 = arith.constant 32 : i32
    %ge3A_136 = vector.broadcast %ge3A_135 : i32 to vector<16xi32>
    %ge3A_137 = arith.cmpi sge, %get3A_125, %ge3A_136 : vector<16xi32>
    %select_n3A_138 = arith.select %ge3A_137, %shift_left3A_129, %broadcast_in_dim3A_10 : vector<16xi1>, vector<16xi32>
    %or3A_139 = arith.ori %or3A_122, %select_n3A_138 : vector<16xi32>
    %get3A_140 = arith.constant 128 : index
    %get3A_141 = tpu.vector_load %arg4[%get3A_140] {strides = array<i32>} : memref<1568xi32, #tpu.memory_space<vmem>>, vector<16xi32>,
    %get3A_142 = vector.shape_cast %get3A_141 : vector<16xi32> to vector<16xi32>
    %and3A_143 = arith.constant 31 : i32
    %and3A_144 = vector.broadcast %and3A_143 : i32 to vector<16xi32>
    %and3A_145 = arith.andi %get3A_142, %and3A_144 : vector<16xi32>
    %shift_left3A_146 = arith.shli %broadcast_in_dim3A_8, %and3A_145 : vector<16xi32>
    %lt3A_147 = arith.constant 32 : i32
    %lt3A_148 = vector.broadcast %lt3A_147 : i32 to vector<16xi32>
    %lt3A_149 = arith.cmpi slt, %get3A_142, %lt3A_148 : vector<16xi32>
    %select_n3A_150 = arith.select %lt3A_149, %shift_left3A_146, %broadcast_in_dim3A_10 : vector<16xi1>, vector<16xi32>
    %or3A_151 = arith.ori %or3A_134, %select_n3A_150 : vector<16xi32>
    %ge3A_152 = arith.constant 32 : i32
    %ge3A_153 = vector.broadcast %ge3A_152 : i32 to vector<16xi32>
    %ge3A_154 = arith.cmpi sge, %get3A_142, %ge3A_153 : vector<16xi32>
    %select_n3A_155 = arith.select %ge3A_154, %shift_left3A_146, %broadcast_in_dim3A_10 : vector<16xi1>, vector<16xi32>
    %or3A_156 = arith.ori %or3A_139, %select_n3A_155 : vector<16xi32>
    %get3A_157 = arith.constant 144 : index
    %get3A_158 = tpu.vector_load %arg4[%get3A_157] {strides = array<i32>} : memref<1568xi32, #tpu.memory_space<vmem>>, vector<16xi32>,
    %get3A_159 = vector.shape_cast %get3A_158 : vector<16xi32> to vector<16xi32>
    %and3A_160 = arith.constant 31 : i32
    %and3A_161 = vector.broadcast %and3A_160 : i32 to vector<16xi32>
    %and3A_162 = arith.andi %get3A_159, %and3A_161 : vector<16xi32>
    %shift_left3A_163 = arith.shli %broadcast_in_dim3A_8, %and3A_162 : vector<16xi32>
    %lt3A_164 = arith.constant 32 : i32
    %lt3A_165 = vector.broadcast %lt3A_164 : i32 to vector<16xi32>
    %lt3A_166 = arith.cmpi slt, %get3A_159, %lt3A_165 : vector<16xi32>
    %select_n3A_167 = arith.select %lt3A_166, %shift_left3A_163, %broadcast_in_dim3A_10 : vector<16xi1>, vector<16xi32>
    %or3A_168 = arith.ori %or3A_151, %select_n3A_167 : vector<16xi32>
    %ge3A_169 = arith.constant 32 : i32
    %ge3A_170 = vector.broadcast %ge3A_169 : i32 to vector<16xi32>
    %ge3A_171 = arith.cmpi sge, %get3A_159, %ge3A_170 : vector<16xi32>
    %select_n3A_172 = arith.select %ge3A_171, %shift_left3A_163, %broadcast_in_dim3A_10 : vector<16xi1>, vector<16xi32>
    %or3A_173 = arith.ori %or3A_156, %select_n3A_172 : vector<16xi32>
    %get3A_174 = arith.constant 160 : index
    %get3A_175 = tpu.vector_load %arg4[%get3A_174] {strides = array<i32>} : memref<1568xi32, #tpu.memory_space<vmem>>, vector<16xi32>,
    %get3A_176 = vector.shape_cast %get3A_175 : vector<16xi32> to vector<16xi32>
    %and3A_177 = arith.constant 31 : i32
    %and3A_178 = vector.broadcast %and3A_177 : i32 to vector<16xi32>
    %and3A_179 = arith.andi %get3A_176, %and3A_178 : vector<16xi32>
    %shift_left3A_180 = arith.shli %broadcast_in_dim3A_8, %and3A_179 : vector<16xi32>
    %lt3A_181 = arith.constant 32 : i32
    %lt3A_182 = vector.broadcast %lt3A_181 : i32 to vector<16xi32>
    %lt3A_183 = arith.cmpi slt, %get3A_176, %lt3A_182 : vector<16xi32>
    %select_n3A_184 = arith.select %lt3A_183, %shift_left3A_180, %broadcast_in_dim3A_10 : vector<16xi1>, vector<16xi32>
    %or3A_185 = arith.ori %or3A_168, %select_n3A_184 : vector<16xi32>
    %ge3A_186 = arith.constant 32 : i32
    %ge3A_187 = vector.broadcast %ge3A_186 : i32 to vector<16xi32>
    %ge3A_188 = arith.cmpi sge, %get3A_176, %ge3A_187 : vector<16xi32>
    %select_n3A_189 = arith.select %ge3A_188, %shift_left3A_180, %broadcast_in_dim3A_10 : vector<16xi1>, vector<16xi32>
    %or3A_190 = arith.ori %or3A_173, %select_n3A_189 : vector<16xi32>
    %get3A_191 = arith.constant 176 : index
    %get3A_192 = tpu.vector_load %arg4[%get3A_191] {strides = array<i32>} : memref<1568xi32, #tpu.memory_space<vmem>>, vector<16xi32>,
    %get3A_193 = vector.shape_cast %get3A_192 : vector<16xi32> to vector<16xi32>
    %and3A_194 = arith.constant 31 : i32
    %and3A_195 = vector.broadcast %and3A_194 : i32 to vector<16xi32>
    %and3A_196 = arith.andi %get3A_193, %and3A_195 : vector<16xi32>
    %shift_left3A_197 = arith.shli %broadcast_in_dim3A_8, %and3A_196 : vector<16xi32>
    %lt3A_198 = arith.constant 32 : i32
    %lt3A_199 = vector.broadcast %lt3A_198 : i32 to vector<16xi32>
    %lt3A_200 = arith.cmpi slt, %get3A_193, %lt3A_199 : vector<16xi32>
    %select_n3A_201 = arith.select %lt3A_200, %shift_left3A_197, %broadcast_in_dim3A_10 : vector<16xi1>, vector<16xi32>
    %or3A_202 = arith.ori %or3A_185, %select_n3A_201 : vector<16xi32>
    %ge3A_203 = arith.constant 32 : i32
    %ge3A_204 = vector.broadcast %ge3A_203 : i32 to vector<16xi32>
    %ge3A_205 = arith.cmpi sge, %get3A_193, %ge3A_204 : vector<16xi32>
    %select_n3A_206 = arith.select %ge3A_205, %shift_left3A_197, %broadcast_in_dim3A_10 : vector<16xi1>, vector<16xi32>
    %or3A_207 = arith.ori %or3A_190, %select_n3A_206 : vector<16xi32>
    %get3A_208 = arith.constant 192 : index
    %get3A_209 = tpu.vector_load %arg4[%get3A_208] {strides = array<i32>} : memref<1568xi32, #tpu.memory_space<vmem>>, vector<16xi32>,
    %get3A_210 = vector.shape_cast %get3A_209 : vector<16xi32> to vector<16xi32>
    %and3A_211 = arith.constant 31 : i32
    %and3A_212 = vector.broadcast %and3A_211 : i32 to vector<16xi32>
    %and3A_213 = arith.andi %get3A_210, %and3A_212 : vector<16xi32>
    %shift_left3A_214 = arith.shli %broadcast_in_dim3A_8, %and3A_213 : vector<16xi32>
    %lt3A_215 = arith.constant 32 : i32
    %lt3A_216 = vector.broadcast %lt3A_215 : i32 to vector<16xi32>
    %lt3A_217 = arith.cmpi slt, %get3A_210, %lt3A_216 : vector<16xi32>
    %select_n3A_218 = arith.select %lt3A_217, %shift_left3A_214, %broadcast_in_dim3A_10 : vector<16xi1>, vector<16xi32>
    %or3A_219 = arith.ori %or3A_202, %select_n3A_218 : vector<16xi32>
    %ge3A_220 = arith.constant 32 : i32
    %ge3A_221 = vector.broadcast %ge3A_220 : i32 to vector<16xi32>
    %ge3A_222 = arith.cmpi sge, %get3A_210, %ge3A_221 : vector<16xi32>
    %select_n3A_223 = arith.select %ge3A_222, %shift_left3A_214, %broadcast_in_dim3A_10 : vector<16xi1>, vector<16xi32>
    %or3A_224 = arith.ori %or3A_207, %select_n3A_223 : vector<16xi32>
    %get3A_225 = arith.constant 208 : index
    %get3A_226 = tpu.vector_load %arg4[%get3A_225] {strides = array<i32>} : memref<1568xi32, #tpu.memory_space<vmem>>, vector<16xi32>,
    %get3A_227 = vector.shape_cast %get3A_226 : vector<16xi32> to vector<16xi32>
    %and3A_228 = arith.constant 31 : i32
    %and3A_229 = vector.broadcast %and3A_228 : i32 to vector<16xi32>
    %and3A_230 = arith.andi %get3A_227, %and3A_229 : vector<16xi32>
    %shift_left3A_231 = arith.shli %broadcast_in_dim3A_8, %and3A_230 : vector<16xi32>
    %lt3A_232 = arith.constant 32 : i32
    %lt3A_233 = vector.broadcast %lt3A_232 : i32 to vector<16xi32>
    %lt3A_234 = arith.cmpi slt, %get3A_227, %lt3A_233 : vector<16xi32>
    %select_n3A_235 = arith.select %lt3A_234, %shift_left3A_231, %broadcast_in_dim3A_10 : vector<16xi1>, vector<16xi32>
    %or3A_236 = arith.ori %or3A_219, %select_n3A_235 : vector<16xi32>
    %ge3A_237 = arith.constant 32 : i32
    %ge3A_238 = vector.broadcast %ge3A_237 : i32 to vector<16xi32>
    %ge3A_239 = arith.cmpi sge, %get3A_227, %ge3A_238 : vector<16xi32>
    %select_n3A_240 = arith.select %ge3A_239, %shift_left3A_231, %broadcast_in_dim3A_10 : vector<16xi1>, vector<16xi32>
    %or3A_241 = arith.ori %or3A_224, %select_n3A_240 : vector<16xi32>
    %get3A_242 = arith.constant 224 : index
    %get3A_243 = tpu.vector_load %arg4[%get3A_242] {strides = array<i32>} : memref<1568xi32, #tpu.memory_space<vmem>>, vector<16xi32>,
    %get3A_244 = vector.shape_cast %get3A_243 : vector<16xi32> to vector<16xi32>
    %and3A_245 = arith.constant 31 : i32
    %and3A_246 = vector.broadcast %and3A_245 : i32 to vector<16xi32>
    %and3A_247 = arith.andi %get3A_244, %and3A_246 : vector<16xi32>
    %shift_left3A_248 = arith.shli %broadcast_in_dim3A_8, %and3A_247 : vector<16xi32>
    %lt3A_249 = arith.constant 32 : i32
    %lt3A_250 = vector.broadcast %lt3A_249 : i32 to vector<16xi32>
    %lt3A_251 = arith.cmpi slt, %get3A_244, %lt3A_250 : vector<16xi32>
    %select_n3A_252 = arith.select %lt3A_251, %shift_left3A_248, %broadcast_in_dim3A_10 : vector<16xi1>, vector<16xi32>
    %or3A_253 = arith.ori %or3A_236, %select_n3A_252 : vector<16xi32>
    %ge3A_254 = arith.constant 32 : i32
    %ge3A_255 = vector.broadcast %ge3A_254 : i32 to vector<16xi32>
    %ge3A_256 = arith.cmpi sge, %get3A_244, %ge3A_255 : vector<16xi32>
    %select_n3A_257 = arith.select %ge3A_256, %shift_left3A_248, %broadcast_in_dim3A_10 : vector<16xi1>, vector<16xi32>
    %or3A_258 = arith.ori %or3A_241, %select_n3A_257 : vector<16xi32>
    %get3A_259 = arith.constant 240 : index
    %get3A_260 = tpu.vector_load %arg4[%get3A_259] {strides = array<i32>} : memref<1568xi32, #tpu.memory_space<vmem>>, vector<16xi32>,
    %get3A_261 = vector.shape_cast %get3A_260 : vector<16xi32> to vector<16xi32>
    %and3A_262 = arith.constant 31 : i32
    %and3A_263 = vector.broadcast %and3A_262 : i32 to vector<16xi32>
    %and3A_264 = arith.andi %get3A_261, %and3A_263 : vector<16xi32>
    %shift_left3A_265 = arith.shli %broadcast_in_dim3A_8, %and3A_264 : vector<16xi32>
    %lt3A_266 = arith.constant 32 : i32
    %lt3A_267 = vector.broadcast %lt3A_266 : i32 to vector<16xi32>
    %lt3A_268 = arith.cmpi slt, %get3A_261, %lt3A_267 : vector<16xi32>
    %select_n3A_269 = arith.select %lt3A_268, %shift_left3A_265, %broadcast_in_dim3A_10 : vector<16xi1>, vector<16xi32>
    %or3A_270 = arith.ori %or3A_253, %select_n3A_269 : vector<16xi32>
    %ge3A_271 = arith.constant 32 : i32
    %ge3A_272 = vector.broadcast %ge3A_271 : i32 to vector<16xi32>
    %ge3A_273 = arith.cmpi sge, %get3A_261, %ge3A_272 : vector<16xi32>
    %select_n3A_274 = arith.select %ge3A_273, %shift_left3A_265, %broadcast_in_dim3A_10 : vector<16xi1>, vector<16xi32>
    %or3A_275 = arith.ori %or3A_258, %select_n3A_274 : vector<16xi32>
    %get3A_276 = arith.constant 256 : index
    %get3A_277 = tpu.vector_load %arg4[%get3A_276] {strides = array<i32>} : memref<1568xi32, #tpu.memory_space<vmem>>, vector<16xi32>,
    %get3A_278 = vector.shape_cast %get3A_277 : vector<16xi32> to vector<16xi32>
    %and3A_279 = arith.constant 31 : i32
    %and3A_280 = vector.broadcast %and3A_279 : i32 to vector<16xi32>
    %and3A_281 = arith.andi %get3A_278, %and3A_280 : vector<16xi32>
    %shift_left3A_282 = arith.shli %broadcast_in_dim3A_8, %and3A_281 : vector<16xi32>
    %lt3A_283 = arith.constant 32 : i32
    %lt3A_284 = vector.broadcast %lt3A_283 : i32 to vector<16xi32>
    %lt3A_285 = arith.cmpi slt, %get3A_278, %lt3A_284 : vector<16xi32>
    %select_n3A_286 = arith.select %lt3A_285, %shift_left3A_282, %broadcast_in_dim3A_10 : vector<16xi1>, vector<16xi32>
    %or3A_287 = arith.ori %or3A_270, %select_n3A_286 : vector<16xi32>
    %ge3A_288 = arith.constant 32 : i32
    %ge3A_289 = vector.broadcast %ge3A_288 : i32 to vector<16xi32>
    %ge3A_290 = arith.cmpi sge, %get3A_278, %ge3A_289 : vector<16xi32>
    %select_n3A_291 = arith.select %ge3A_290, %shift_left3A_282, %broadcast_in_dim3A_10 : vector<16xi1>, vector<16xi32>
    %or3A_292 = arith.ori %or3A_275, %select_n3A_291 : vector<16xi32>
    %get3A_293 = arith.constant 272 : index
    %get3A_294 = tpu.vector_load %arg4[%get3A_293] {strides = array<i32>} : memref<1568xi32, #tpu.memory_space<vmem>>, vector<16xi32>,
    %get3A_295 = vector.shape_cast %get3A_294 : vector<16xi32> to vector<16xi32>
    %and3A_296 = arith.constant 31 : i32
    %and3A_297 = vector.broadcast %and3A_296 : i32 to vector<16xi32>
    %and3A_298 = arith.andi %get3A_295, %and3A_297 : vector<16xi32>
    %shift_left3A_299 = arith.shli %broadcast_in_dim3A_8, %and3A_298 : vector<16xi32>
    %lt3A_300 = arith.constant 32 : i32
    %lt3A_301 = vector.broadcast %lt3A_300 : i32 to vector<16xi32>
    %lt3A_302 = arith.cmpi slt, %get3A_295, %lt3A_301 : vector<16xi32>
    %select_n3A_303 = arith.select %lt3A_302, %shift_left3A_299, %broadcast_in_dim3A_10 : vector<16xi1>, vector<16xi32>
    %or3A_304 = arith.ori %or3A_287, %select_n3A_303 : vector<16xi32>
    %ge3A_305 = arith.constant 32 : i32
    %ge3A_306 = vector.broadcast %ge3A_305 : i32 to vector<16xi32>
    %ge3A_307 = arith.cmpi sge, %get3A_295, %ge3A_306 : vector<16xi32>
    %select_n3A_308 = arith.select %ge3A_307, %shift_left3A_299, %broadcast_in_dim3A_10 : vector<16xi1>, vector<16xi32>
    %or3A_309 = arith.ori %or3A_292, %select_n3A_308 : vector<16xi32>
    %get3A_310 = arith.constant 288 : index
    %get3A_311 = tpu.vector_load %arg4[%get3A_310] {strides = array<i32>} : memref<1568xi32, #tpu.memory_space<vmem>>, vector<16xi32>,
    %get3A_312 = vector.shape_cast %get3A_311 : vector<16xi32> to vector<16xi32>
    %and3A_313 = arith.constant 31 : i32
    %and3A_314 = vector.broadcast %and3A_313 : i32 to vector<16xi32>
    %and3A_315 = arith.andi %get3A_312, %and3A_314 : vector<16xi32>
    %shift_left3A_316 = arith.shli %broadcast_in_dim3A_8, %and3A_315 : vector<16xi32>
    %lt3A_317 = arith.constant 32 : i32
    %lt3A_318 = vector.broadcast %lt3A_317 : i32 to vector<16xi32>
    %lt3A_319 = arith.cmpi slt, %get3A_312, %lt3A_318 : vector<16xi32>
    %select_n3A_320 = arith.select %lt3A_319, %shift_left3A_316, %broadcast_in_dim3A_10 : vector<16xi1>, vector<16xi32>
    %or3A_321 = arith.ori %or3A_304, %select_n3A_320 : vector<16xi32>
    %ge3A_322 = arith.constant 32 : i32
    %ge3A_323 = vector.broadcast %ge3A_322 : i32 to vector<16xi32>
    %ge3A_324 = arith.cmpi sge, %get3A_312, %ge3A_323 : vector<16xi32>
    %select_n3A_325 = arith.select %ge3A_324, %shift_left3A_316, %broadcast_in_dim3A_10 : vector<16xi1>, vector<16xi32>
    %or3A_326 = arith.ori %or3A_309, %select_n3A_325 : vector<16xi32>
    %get3A_327 = arith.constant 304 : index
    %get3A_328 = tpu.vector_load %arg4[%get3A_327] {strides = array<i32>} : memref<1568xi32, #tpu.memory_space<vmem>>, vector<16xi32>,
    %get3A_329 = vector.shape_cast %get3A_328 : vector<16xi32> to vector<16xi32>
    %and3A_330 = arith.constant 31 : i32
    %and3A_331 = vector.broadcast %and3A_330 : i32 to vector<16xi32>
    %and3A_332 = arith.andi %get3A_329, %and3A_331 : vector<16xi32>
    %shift_left3A_333 = arith.shli %broadcast_in_dim3A_8, %and3A_332 : vector<16xi32>
    %lt3A_334 = arith.constant 32 : i32
    %lt3A_335 = vector.broadcast %lt3A_334 : i32 to vector<16xi32>
    %lt3A_336 = arith.cmpi slt, %get3A_329, %lt3A_335 : vector<16xi32>
    %select_n3A_337 = arith.select %lt3A_336, %shift_left3A_333, %broadcast_in_dim3A_10 : vector<16xi1>, vector<16xi32>
    %or3A_338 = arith.ori %or3A_321, %select_n3A_337 : vector<16xi32>
    %ge3A_339 = arith.constant 32 : i32
    %ge3A_340 = vector.broadcast %ge3A_339 : i32 to vector<16xi32>
    %ge3A_341 = arith.cmpi sge, %get3A_329, %ge3A_340 : vector<16xi32>
    %select_n3A_342 = arith.select %ge3A_341, %shift_left3A_333, %broadcast_in_dim3A_10 : vector<16xi1>, vector<16xi32>
    %or3A_343 = arith.ori %or3A_326, %select_n3A_342 : vector<16xi32>
    %get3A_344 = arith.constant 320 : index
    %get3A_345 = tpu.vector_load %arg4[%get3A_344] {strides = array<i32>} : memref<1568xi32, #tpu.memory_space<vmem>>, vector<16xi32>,
    %get3A_346 = vector.shape_cast %get3A_345 : vector<16xi32> to vector<16xi32>
    %and3A_347 = arith.constant 31 : i32
    %and3A_348 = vector.broadcast %and3A_347 : i32 to vector<16xi32>
    %and3A_349 = arith.andi %get3A_346, %and3A_348 : vector<16xi32>
    %shift_left3A_350 = arith.shli %broadcast_in_dim3A_8, %and3A_349 : vector<16xi32>
    %lt3A_351 = arith.constant 32 : i32
    %lt3A_352 = vector.broadcast %lt3A_351 : i32 to vector<16xi32>
    %lt3A_353 = arith.cmpi slt, %get3A_346, %lt3A_352 : vector<16xi32>
    %select_n3A_354 = arith.select %lt3A_353, %shift_left3A_350, %broadcast_in_dim3A_10 : vector<16xi1>, vector<16xi32>
    %or3A_355 = arith.ori %or3A_338, %select_n3A_354 : vector<16xi32>
    %ge3A_356 = arith.constant 32 : i32
    %ge3A_357 = vector.broadcast %ge3A_356 : i32 to vector<16xi32>
    %ge3A_358 = arith.cmpi sge, %get3A_346, %ge3A_357 : vector<16xi32>
    %select_n3A_359 = arith.select %ge3A_358, %shift_left3A_350, %broadcast_in_dim3A_10 : vector<16xi1>, vector<16xi32>
    %or3A_360 = arith.ori %or3A_343, %select_n3A_359 : vector<16xi32>
    %get3A_361 = arith.constant 336 : index
    %get3A_362 = tpu.vector_load %arg4[%get3A_361] {strides = array<i32>} : memref<1568xi32, #tpu.memory_space<vmem>>, vector<16xi32>,
    %get3A_363 = vector.shape_cast %get3A_362 : vector<16xi32> to vector<16xi32>
    %and3A_364 = arith.constant 31 : i32
    %and3A_365 = vector.broadcast %and3A_364 : i32 to vector<16xi32>
    %and3A_366 = arith.andi %get3A_363, %and3A_365 : vector<16xi32>
    %shift_left3A_367 = arith.shli %broadcast_in_dim3A_8, %and3A_366 : vector<16xi32>
    %lt3A_368 = arith.constant 32 : i32
    %lt3A_369 = vector.broadcast %lt3A_368 : i32 to vector<16xi32>
    %lt3A_370 = arith.cmpi slt, %get3A_363, %lt3A_369 : vector<16xi32>
    %select_n3A_371 = arith.select %lt3A_370, %shift_left3A_367, %broadcast_in_dim3A_10 : vector<16xi1>, vector<16xi32>
    %or3A_372 = arith.ori %or3A_355, %select_n3A_371 : vector<16xi32>
    %ge3A_373 = arith.constant 32 : i32
    %ge3A_374 = vector.broadcast %ge3A_373 : i32 to vector<16xi32>
    %ge3A_375 = arith.cmpi sge, %get3A_363, %ge3A_374 : vector<16xi32>
    %select_n3A_376 = arith.select %ge3A_375, %shift_left3A_367, %broadcast_in_dim3A_10 : vector<16xi1>, vector<16xi32>
    %or3A_377 = arith.ori %or3A_360, %select_n3A_376 : vector<16xi32>
    %get3A_378 = arith.constant 352 : index
    %get3A_379 = tpu.vector_load %arg4[%get3A_378] {strides = array<i32>} : memref<1568xi32, #tpu.memory_space<vmem>>, vector<16xi32>,
    %get3A_380 = vector.shape_cast %get3A_379 : vector<16xi32> to vector<16xi32>
    %and3A_381 = arith.constant 31 : i32
    %and3A_382 = vector.broadcast %and3A_381 : i32 to vector<16xi32>
    %and3A_383 = arith.andi %get3A_380, %and3A_382 : vector<16xi32>
    %shift_left3A_384 = arith.shli %broadcast_in_dim3A_8, %and3A_383 : vector<16xi32>
    %lt3A_385 = arith.constant 32 : i32
    %lt3A_386 = vector.broadcast %lt3A_385 : i32 to vector<16xi32>
    %lt3A_387 = arith.cmpi slt, %get3A_380, %lt3A_386 : vector<16xi32>
    %select_n3A_388 = arith.select %lt3A_387, %shift_left3A_384, %broadcast_in_dim3A_10 : vector<16xi1>, vector<16xi32>
    %or3A_389 = arith.ori %or3A_372, %select_n3A_388 : vector<16xi32>
    %ge3A_390 = arith.constant 32 : i32
    %ge3A_391 = vector.broadcast %ge3A_390 : i32 to vector<16xi32>
    %ge3A_392 = arith.cmpi sge, %get3A_380, %ge3A_391 : vector<16xi32>
    %select_n3A_393 = arith.select %ge3A_392, %shift_left3A_384, %broadcast_in_dim3A_10 : vector<16xi1>, vector<16xi32>
    %or3A_394 = arith.ori %or3A_377, %select_n3A_393 : vector<16xi32>
    %get3A_395 = arith.constant 368 : index
    %get3A_396 = tpu.vector_load %arg4[%get3A_395] {strides = array<i32>} : memref<1568xi32, #tpu.memory_space<vmem>>, vector<16xi32>,
    %get3A_397 = vector.shape_cast %get3A_396 : vector<16xi32> to vector<16xi32>
    %and3A_398 = arith.constant 31 : i32
    %and3A_399 = vector.broadcast %and3A_398 : i32 to vector<16xi32>
    %and3A_400 = arith.andi %get3A_397, %and3A_399 : vector<16xi32>
    %shift_left3A_401 = arith.shli %broadcast_in_dim3A_8, %and3A_400 : vector<16xi32>
    %lt3A_402 = arith.constant 32 : i32
    %lt3A_403 = vector.broadcast %lt3A_402 : i32 to vector<16xi32>
    %lt3A_404 = arith.cmpi slt, %get3A_397, %lt3A_403 : vector<16xi32>
    %select_n3A_405 = arith.select %lt3A_404, %shift_left3A_401, %broadcast_in_dim3A_10 : vector<16xi1>, vector<16xi32>
    %or3A_406 = arith.ori %or3A_389, %select_n3A_405 : vector<16xi32>
    %ge3A_407 = arith.constant 32 : i32
    %ge3A_408 = vector.broadcast %ge3A_407 : i32 to vector<16xi32>
    %ge3A_409 = arith.cmpi sge, %get3A_397, %ge3A_408 : vector<16xi32>
    %select_n3A_410 = arith.select %ge3A_409, %shift_left3A_401, %broadcast_in_dim3A_10 : vector<16xi1>, vector<16xi32>
    %or3A_411 = arith.ori %or3A_394, %select_n3A_410 : vector<16xi32>
    %get3A_412 = arith.constant 384 : index
    %get3A_413 = tpu.vector_load %arg4[%get3A_412] {strides = array<i32>} : memref<1568xi32, #tpu.memory_space<vmem>>, vector<16xi32>,
    %get3A_414 = vector.shape_cast %get3A_413 : vector<16xi32> to vector<16xi32>
    %and3A_415 = arith.constant 31 : i32
    %and3A_416 = vector.broadcast %and3A_415 : i32 to vector<16xi32>
    %and3A_417 = arith.andi %get3A_414, %and3A_416 : vector<16xi32>
    %shift_left3A_418 = arith.shli %broadcast_in_dim3A_8, %and3A_417 : vector<16xi32>
    %lt3A_419 = arith.constant 32 : i32
    %lt3A_420 = vector.broadcast %lt3A_419 : i32 to vector<16xi32>
    %lt3A_421 = arith.cmpi slt, %get3A_414, %lt3A_420 : vector<16xi32>
    %select_n3A_422 = arith.select %lt3A_421, %shift_left3A_418, %broadcast_in_dim3A_10 : vector<16xi1>, vector<16xi32>
    %or3A_423 = arith.ori %or3A_406, %select_n3A_422 : vector<16xi32>
    %ge3A_424 = arith.constant 32 : i32
    %ge3A_425 = vector.broadcast %ge3A_424 : i32 to vector<16xi32>
    %ge3A_426 = arith.cmpi sge, %get3A_414, %ge3A_425 : vector<16xi32>
    %select_n3A_427 = arith.select %ge3A_426, %shift_left3A_418, %broadcast_in_dim3A_10 : vector<16xi1>, vector<16xi32>
    %or3A_428 = arith.ori %or3A_411, %select_n3A_427 : vector<16xi32>
    %get3A_429 = arith.constant 400 : index
    %get3A_430 = tpu.vector_load %arg4[%get3A_429] {strides = array<i32>} : memref<1568xi32, #tpu.memory_space<vmem>>, vector<16xi32>,
    %get3A_431 = vector.shape_cast %get3A_430 : vector<16xi32> to vector<16xi32>
    %and3A_432 = arith.constant 31 : i32
    %and3A_433 = vector.broadcast %and3A_432 : i32 to vector<16xi32>
    %and3A_434 = arith.andi %get3A_431, %and3A_433 : vector<16xi32>
    %shift_left3A_435 = arith.shli %broadcast_in_dim3A_8, %and3A_434 : vector<16xi32>
    %lt3A_436 = arith.constant 32 : i32
    %lt3A_437 = vector.broadcast %lt3A_436 : i32 to vector<16xi32>
    %lt3A_438 = arith.cmpi slt, %get3A_431, %lt3A_437 : vector<16xi32>
    %select_n3A_439 = arith.select %lt3A_438, %shift_left3A_435, %broadcast_in_dim3A_10 : vector<16xi1>, vector<16xi32>
    %or3A_440 = arith.ori %or3A_423, %select_n3A_439 : vector<16xi32>
    %ge3A_441 = arith.constant 32 : i32
    %ge3A_442 = vector.broadcast %ge3A_441 : i32 to vector<16xi32>
    %ge3A_443 = arith.cmpi sge, %get3A_431, %ge3A_442 : vector<16xi32>
    %select_n3A_444 = arith.select %ge3A_443, %shift_left3A_435, %broadcast_in_dim3A_10 : vector<16xi1>, vector<16xi32>
    %or3A_445 = arith.ori %or3A_428, %select_n3A_444 : vector<16xi32>
    %get3A_446 = arith.constant 416 : index
    %get3A_447 = tpu.vector_load %arg4[%get3A_446] {strides = array<i32>} : memref<1568xi32, #tpu.memory_space<vmem>>, vector<16xi32>,
    %get3A_448 = vector.shape_cast %get3A_447 : vector<16xi32> to vector<16xi32>
    %and3A_449 = arith.constant 31 : i32
    %and3A_450 = vector.broadcast %and3A_449 : i32 to vector<16xi32>
    %and3A_451 = arith.andi %get3A_448, %and3A_450 : vector<16xi32>
    %shift_left3A_452 = arith.shli %broadcast_in_dim3A_8, %and3A_451 : vector<16xi32>
    %lt3A_453 = arith.constant 32 : i32
    %lt3A_454 = vector.broadcast %lt3A_453 : i32 to vector<16xi32>
    %lt3A_455 = arith.cmpi slt, %get3A_448, %lt3A_454 : vector<16xi32>
    %select_n3A_456 = arith.select %lt3A_455, %shift_left3A_452, %broadcast_in_dim3A_10 : vector<16xi1>, vector<16xi32>
    %or3A_457 = arith.ori %or3A_440, %select_n3A_456 : vector<16xi32>
    %ge3A_458 = arith.constant 32 : i32
    %ge3A_459 = vector.broadcast %ge3A_458 : i32 to vector<16xi32>
    %ge3A_460 = arith.cmpi sge, %get3A_448, %ge3A_459 : vector<16xi32>
    %select_n3A_461 = arith.select %ge3A_460, %shift_left3A_452, %broadcast_in_dim3A_10 : vector<16xi1>, vector<16xi32>
    %or3A_462 = arith.ori %or3A_445, %select_n3A_461 : vector<16xi32>
    %get3A_463 = arith.constant 432 : index
    %get3A_464 = tpu.vector_load %arg4[%get3A_463] {strides = array<i32>} : memref<1568xi32, #tpu.memory_space<vmem>>, vector<16xi32>,
    %get3A_465 = vector.shape_cast %get3A_464 : vector<16xi32> to vector<16xi32>
    %and3A_466 = arith.constant 31 : i32
    %and3A_467 = vector.broadcast %and3A_466 : i32 to vector<16xi32>
    %and3A_468 = arith.andi %get3A_465, %and3A_467 : vector<16xi32>
    %shift_left3A_469 = arith.shli %broadcast_in_dim3A_8, %and3A_468 : vector<16xi32>
    %lt3A_470 = arith.constant 32 : i32
    %lt3A_471 = vector.broadcast %lt3A_470 : i32 to vector<16xi32>
    %lt3A_472 = arith.cmpi slt, %get3A_465, %lt3A_471 : vector<16xi32>
    %select_n3A_473 = arith.select %lt3A_472, %shift_left3A_469, %broadcast_in_dim3A_10 : vector<16xi1>, vector<16xi32>
    %or3A_474 = arith.ori %or3A_457, %select_n3A_473 : vector<16xi32>
    %ge3A_475 = arith.constant 32 : i32
    %ge3A_476 = vector.broadcast %ge3A_475 : i32 to vector<16xi32>
    %ge3A_477 = arith.cmpi sge, %get3A_465, %ge3A_476 : vector<16xi32>
    %select_n3A_478 = arith.select %ge3A_477, %shift_left3A_469, %broadcast_in_dim3A_10 : vector<16xi1>, vector<16xi32>
    %or3A_479 = arith.ori %or3A_462, %select_n3A_478 : vector<16xi32>
    %get3A_480 = arith.constant 448 : index
    %get3A_481 = tpu.vector_load %arg4[%get3A_480] {strides = array<i32>} : memref<1568xi32, #tpu.memory_space<vmem>>, vector<16xi32>,
    %get3A_482 = vector.shape_cast %get3A_481 : vector<16xi32> to vector<16xi32>
    %and3A_483 = arith.constant 31 : i32
    %and3A_484 = vector.broadcast %and3A_483 : i32 to vector<16xi32>
    %and3A_485 = arith.andi %get3A_482, %and3A_484 : vector<16xi32>
    %shift_left3A_486 = arith.shli %broadcast_in_dim3A_8, %and3A_485 : vector<16xi32>
    %lt3A_487 = arith.constant 32 : i32
    %lt3A_488 = vector.broadcast %lt3A_487 : i32 to vector<16xi32>
    %lt3A_489 = arith.cmpi slt, %get3A_482, %lt3A_488 : vector<16xi32>
    %select_n3A_490 = arith.select %lt3A_489, %shift_left3A_486, %broadcast_in_dim3A_10 : vector<16xi1>, vector<16xi32>
    %or3A_491 = arith.ori %or3A_474, %select_n3A_490 : vector<16xi32>
    %ge3A_492 = arith.constant 32 : i32
    %ge3A_493 = vector.broadcast %ge3A_492 : i32 to vector<16xi32>
    %ge3A_494 = arith.cmpi sge, %get3A_482, %ge3A_493 : vector<16xi32>
    %select_n3A_495 = arith.select %ge3A_494, %shift_left3A_486, %broadcast_in_dim3A_10 : vector<16xi1>, vector<16xi32>
    %or3A_496 = arith.ori %or3A_479, %select_n3A_495 : vector<16xi32>
    %get3A_497 = arith.constant 464 : index
    %get3A_498 = tpu.vector_load %arg4[%get3A_497] {strides = array<i32>} : memref<1568xi32, #tpu.memory_space<vmem>>, vector<16xi32>,
    %get3A_499 = vector.shape_cast %get3A_498 : vector<16xi32> to vector<16xi32>
    %and3A_500 = arith.constant 31 : i32
    %and3A_501 = vector.broadcast %and3A_500 : i32 to vector<16xi32>
    %and3A_502 = arith.andi %get3A_499, %and3A_501 : vector<16xi32>
    %shift_left3A_503 = arith.shli %broadcast_in_dim3A_8, %and3A_502 : vector<16xi32>
    %lt3A_504 = arith.constant 32 : i32
    %lt3A_505 = vector.broadcast %lt3A_504 : i32 to vector<16xi32>
    %lt3A_506 = arith.cmpi slt, %get3A_499, %lt3A_505 : vector<16xi32>
    %select_n3A_507 = arith.select %lt3A_506, %shift_left3A_503, %broadcast_in_dim3A_10 : vector<16xi1>, vector<16xi32>
    %or3A_508 = arith.ori %or3A_491, %select_n3A_507 : vector<16xi32>
    %ge3A_509 = arith.constant 32 : i32
    %ge3A_510 = vector.broadcast %ge3A_509 : i32 to vector<16xi32>
    %ge3A_511 = arith.cmpi sge, %get3A_499, %ge3A_510 : vector<16xi32>
    %select_n3A_512 = arith.select %ge3A_511, %shift_left3A_503, %broadcast_in_dim3A_10 : vector<16xi1>, vector<16xi32>
    %or3A_513 = arith.ori %or3A_496, %select_n3A_512 : vector<16xi32>
    %get3A_514 = arith.constant 480 : index
    %get3A_515 = tpu.vector_load %arg4[%get3A_514] {strides = array<i32>} : memref<1568xi32, #tpu.memory_space<vmem>>, vector<16xi32>,
    %get3A_516 = vector.shape_cast %get3A_515 : vector<16xi32> to vector<16xi32>
    %and3A_517 = arith.constant 31 : i32
    %and3A_518 = vector.broadcast %and3A_517 : i32 to vector<16xi32>
    %and3A_519 = arith.andi %get3A_516, %and3A_518 : vector<16xi32>
    %shift_left3A_520 = arith.shli %broadcast_in_dim3A_8, %and3A_519 : vector<16xi32>
    %lt3A_521 = arith.constant 32 : i32
    %lt3A_522 = vector.broadcast %lt3A_521 : i32 to vector<16xi32>
    %lt3A_523 = arith.cmpi slt, %get3A_516, %lt3A_522 : vector<16xi32>
    %select_n3A_524 = arith.select %lt3A_523, %shift_left3A_520, %broadcast_in_dim3A_10 : vector<16xi1>, vector<16xi32>
    %or3A_525 = arith.ori %or3A_508, %select_n3A_524 : vector<16xi32>
    %ge3A_526 = arith.constant 32 : i32
    %ge3A_527 = vector.broadcast %ge3A_526 : i32 to vector<16xi32>
    %ge3A_528 = arith.cmpi sge, %get3A_516, %ge3A_527 : vector<16xi32>
    %select_n3A_529 = arith.select %ge3A_528, %shift_left3A_520, %broadcast_in_dim3A_10 : vector<16xi1>, vector<16xi32>
    %or3A_530 = arith.ori %or3A_513, %select_n3A_529 : vector<16xi32>
    %get3A_531 = arith.constant 496 : index
    %get3A_532 = tpu.vector_load %arg4[%get3A_531] {strides = array<i32>} : memref<1568xi32, #tpu.memory_space<vmem>>, vector<16xi32>,
    %get3A_533 = vector.shape_cast %get3A_532 : vector<16xi32> to vector<16xi32>
    %and3A_534 = arith.constant 31 : i32
    %and3A_535 = vector.broadcast %and3A_534 : i32 to vector<16xi32>
    %and3A_536 = arith.andi %get3A_533, %and3A_535 : vector<16xi32>
    %shift_left3A_537 = arith.shli %broadcast_in_dim3A_8, %and3A_536 : vector<16xi32>
    %lt3A_538 = arith.constant 32 : i32
    %lt3A_539 = vector.broadcast %lt3A_538 : i32 to vector<16xi32>
    %lt3A_540 = arith.cmpi slt, %get3A_533, %lt3A_539 : vector<16xi32>
    %select_n3A_541 = arith.select %lt3A_540, %shift_left3A_537, %broadcast_in_dim3A_10 : vector<16xi1>, vector<16xi32>
    %or3A_542 = arith.ori %or3A_525, %select_n3A_541 : vector<16xi32>
    %ge3A_543 = arith.constant 32 : i32
    %ge3A_544 = vector.broadcast %ge3A_543 : i32 to vector<16xi32>
    %ge3A_545 = arith.cmpi sge, %get3A_533, %ge3A_544 : vector<16xi32>
    %select_n3A_546 = arith.select %ge3A_545, %shift_left3A_537, %broadcast_in_dim3A_10 : vector<16xi1>, vector<16xi32>
    %or3A_547 = arith.ori %or3A_530, %select_n3A_546 : vector<16xi32>
    %get3A_548 = arith.constant 512 : index
    %get3A_549 = tpu.vector_load %arg4[%get3A_548] {strides = array<i32>} : memref<1568xi32, #tpu.memory_space<vmem>>, vector<16xi32>,
    %get3A_550 = vector.shape_cast %get3A_549 : vector<16xi32> to vector<16xi32>
    %and3A_551 = arith.constant 31 : i32
    %and3A_552 = vector.broadcast %and3A_551 : i32 to vector<16xi32>
    %and3A_553 = arith.andi %get3A_550, %and3A_552 : vector<16xi32>
    %shift_left3A_554 = arith.shli %broadcast_in_dim3A_8, %and3A_553 : vector<16xi32>
    %lt3A_555 = arith.constant 32 : i32
    %lt3A_556 = vector.broadcast %lt3A_555 : i32 to vector<16xi32>
    %lt3A_557 = arith.cmpi slt, %get3A_550, %lt3A_556 : vector<16xi32>
    %select_n3A_558 = arith.select %lt3A_557, %shift_left3A_554, %broadcast_in_dim3A_10 : vector<16xi1>, vector<16xi32>
    %or3A_559 = arith.ori %or3A_542, %select_n3A_558 : vector<16xi32>
    %ge3A_560 = arith.constant 32 : i32
    %ge3A_561 = vector.broadcast %ge3A_560 : i32 to vector<16xi32>
    %ge3A_562 = arith.cmpi sge, %get3A_550, %ge3A_561 : vector<16xi32>
    %select_n3A_563 = arith.select %ge3A_562, %shift_left3A_554, %broadcast_in_dim3A_10 : vector<16xi1>, vector<16xi32>
    %or3A_564 = arith.ori %or3A_547, %select_n3A_563 : vector<16xi32>
    %get3A_565 = arith.constant 528 : index
    %get3A_566 = tpu.vector_load %arg4[%get3A_565] {strides = array<i32>} : memref<1568xi32, #tpu.memory_space<vmem>>, vector<16xi32>,
    %get3A_567 = vector.shape_cast %get3A_566 : vector<16xi32> to vector<16xi32>
    %and3A_568 = arith.constant 31 : i32
    %and3A_569 = vector.broadcast %and3A_568 : i32 to vector<16xi32>
    %and3A_570 = arith.andi %get3A_567, %and3A_569 : vector<16xi32>
    %shift_left3A_571 = arith.shli %broadcast_in_dim3A_8, %and3A_570 : vector<16xi32>
    %lt3A_572 = arith.constant 32 : i32
    %lt3A_573 = vector.broadcast %lt3A_572 : i32 to vector<16xi32>
    %lt3A_574 = arith.cmpi slt, %get3A_567, %lt3A_573 : vector<16xi32>
    %select_n3A_575 = arith.select %lt3A_574, %shift_left3A_571, %broadcast_in_dim3A_10 : vector<16xi1>, vector<16xi32>
    %or3A_576 = arith.ori %or3A_559, %select_n3A_575 : vector<16xi32>
    %ge3A_577 = arith.constant 32 : i32
    %ge3A_578 = vector.broadcast %ge3A_577 : i32 to vector<16xi32>
    %ge3A_579 = arith.cmpi sge, %get3A_567, %ge3A_578 : vector<16xi32>
    %select_n3A_580 = arith.select %ge3A_579, %shift_left3A_571, %broadcast_in_dim3A_10 : vector<16xi1>, vector<16xi32>
    %or3A_581 = arith.ori %or3A_564, %select_n3A_580 : vector<16xi32>
    %get3A_582 = arith.constant 544 : index
    %get3A_583 = tpu.vector_load %arg4[%get3A_582] {strides = array<i32>} : memref<1568xi32, #tpu.memory_space<vmem>>, vector<16xi32>,
    %get3A_584 = vector.shape_cast %get3A_583 : vector<16xi32> to vector<16xi32>
    %and3A_585 = arith.constant 31 : i32
    %and3A_586 = vector.broadcast %and3A_585 : i32 to vector<16xi32>
    %and3A_587 = arith.andi %get3A_584, %and3A_586 : vector<16xi32>
    %shift_left3A_588 = arith.shli %broadcast_in_dim3A_8, %and3A_587 : vector<16xi32>
    %lt3A_589 = arith.constant 32 : i32
    %lt3A_590 = vector.broadcast %lt3A_589 : i32 to vector<16xi32>
    %lt3A_591 = arith.cmpi slt, %get3A_584, %lt3A_590 : vector<16xi32>
    %select_n3A_592 = arith.select %lt3A_591, %shift_left3A_588, %broadcast_in_dim3A_10 : vector<16xi1>, vector<16xi32>
    %or3A_593 = arith.ori %or3A_576, %select_n3A_592 : vector<16xi32>
    %ge3A_594 = arith.constant 32 : i32
    %ge3A_595 = vector.broadcast %ge3A_594 : i32 to vector<16xi32>
    %ge3A_596 = arith.cmpi sge, %get3A_584, %ge3A_595 : vector<16xi32>
    %select_n3A_597 = arith.select %ge3A_596, %shift_left3A_588, %broadcast_in_dim3A_10 : vector<16xi1>, vector<16xi32>
    %or3A_598 = arith.ori %or3A_581, %select_n3A_597 : vector<16xi32>
    %get3A_599 = arith.constant 560 : index
    %get3A_600 = tpu.vector_load %arg4[%get3A_599] {strides = array<i32>} : memref<1568xi32, #tpu.memory_space<vmem>>, vector<16xi32>,
    %get3A_601 = vector.shape_cast %get3A_600 : vector<16xi32> to vector<16xi32>
    %and3A_602 = arith.constant 31 : i32
    %and3A_603 = vector.broadcast %and3A_602 : i32 to vector<16xi32>
    %and3A_604 = arith.andi %get3A_601, %and3A_603 : vector<16xi32>
    %shift_left3A_605 = arith.shli %broadcast_in_dim3A_8, %and3A_604 : vector<16xi32>
    %lt3A_606 = arith.constant 32 : i32
    %lt3A_607 = vector.broadcast %lt3A_606 : i32 to vector<16xi32>
    %lt3A_608 = arith.cmpi slt, %get3A_601, %lt3A_607 : vector<16xi32>
    %select_n3A_609 = arith.select %lt3A_608, %shift_left3A_605, %broadcast_in_dim3A_10 : vector<16xi1>, vector<16xi32>
    %or3A_610 = arith.ori %or3A_593, %select_n3A_609 : vector<16xi32>
    %ge3A_611 = arith.constant 32 : i32
    %ge3A_612 = vector.broadcast %ge3A_611 : i32 to vector<16xi32>
    %ge3A_613 = arith.cmpi sge, %get3A_601, %ge3A_612 : vector<16xi32>
    %select_n3A_614 = arith.select %ge3A_613, %shift_left3A_605, %broadcast_in_dim3A_10 : vector<16xi1>, vector<16xi32>
    %or3A_615 = arith.ori %or3A_598, %select_n3A_614 : vector<16xi32>
    %get3A_616 = arith.constant 576 : index
    %get3A_617 = tpu.vector_load %arg4[%get3A_616] {strides = array<i32>} : memref<1568xi32, #tpu.memory_space<vmem>>, vector<16xi32>,
    %get3A_618 = vector.shape_cast %get3A_617 : vector<16xi32> to vector<16xi32>
    %and3A_619 = arith.constant 31 : i32
    %and3A_620 = vector.broadcast %and3A_619 : i32 to vector<16xi32>
    %and3A_621 = arith.andi %get3A_618, %and3A_620 : vector<16xi32>
    %shift_left3A_622 = arith.shli %broadcast_in_dim3A_8, %and3A_621 : vector<16xi32>
    %lt3A_623 = arith.constant 32 : i32
    %lt3A_624 = vector.broadcast %lt3A_623 : i32 to vector<16xi32>
    %lt3A_625 = arith.cmpi slt, %get3A_618, %lt3A_624 : vector<16xi32>
    %select_n3A_626 = arith.select %lt3A_625, %shift_left3A_622, %broadcast_in_dim3A_10 : vector<16xi1>, vector<16xi32>
    %or3A_627 = arith.ori %or3A_610, %select_n3A_626 : vector<16xi32>
    %ge3A_628 = arith.constant 32 : i32
    %ge3A_629 = vector.broadcast %ge3A_628 : i32 to vector<16xi32>
    %ge3A_630 = arith.cmpi sge, %get3A_618, %ge3A_629 : vector<16xi32>
    %select_n3A_631 = arith.select %ge3A_630, %shift_left3A_622, %broadcast_in_dim3A_10 : vector<16xi1>, vector<16xi32>
    %or3A_632 = arith.ori %or3A_615, %select_n3A_631 : vector<16xi32>
    %get3A_633 = arith.constant 592 : index
    %get3A_634 = tpu.vector_load %arg4[%get3A_633] {strides = array<i32>} : memref<1568xi32, #tpu.memory_space<vmem>>, vector<16xi32>,
    %get3A_635 = vector.shape_cast %get3A_634 : vector<16xi32> to vector<16xi32>
    %and3A_636 = arith.constant 31 : i32
    %and3A_637 = vector.broadcast %and3A_636 : i32 to vector<16xi32>
    %and3A_638 = arith.andi %get3A_635, %and3A_637 : vector<16xi32>
    %shift_left3A_639 = arith.shli %broadcast_in_dim3A_8, %and3A_638 : vector<16xi32>
    %lt3A_640 = arith.constant 32 : i32
    %lt3A_641 = vector.broadcast %lt3A_640 : i32 to vector<16xi32>
    %lt3A_642 = arith.cmpi slt, %get3A_635, %lt3A_641 : vector<16xi32>
    %select_n3A_643 = arith.select %lt3A_642, %shift_left3A_639, %broadcast_in_dim3A_10 : vector<16xi1>, vector<16xi32>
    %or3A_644 = arith.ori %or3A_627, %select_n3A_643 : vector<16xi32>
    %ge3A_645 = arith.constant 32 : i32
    %ge3A_646 = vector.broadcast %ge3A_645 : i32 to vector<16xi32>
    %ge3A_647 = arith.cmpi sge, %get3A_635, %ge3A_646 : vector<16xi32>
    %select_n3A_648 = arith.select %ge3A_647, %shift_left3A_639, %broadcast_in_dim3A_10 : vector<16xi1>, vector<16xi32>
    %or3A_649 = arith.ori %or3A_632, %select_n3A_648 : vector<16xi32>
    %get3A_650 = arith.constant 608 : index
    %get3A_651 = tpu.vector_load %arg4[%get3A_650] {strides = array<i32>} : memref<1568xi32, #tpu.memory_space<vmem>>, vector<16xi32>,
    %get3A_652 = vector.shape_cast %get3A_651 : vector<16xi32> to vector<16xi32>
    %and3A_653 = arith.constant 31 : i32
    %and3A_654 = vector.broadcast %and3A_653 : i32 to vector<16xi32>
    %and3A_655 = arith.andi %get3A_652, %and3A_654 : vector<16xi32>
    %shift_left3A_656 = arith.shli %broadcast_in_dim3A_8, %and3A_655 : vector<16xi32>
    %lt3A_657 = arith.constant 32 : i32
    %lt3A_658 = vector.broadcast %lt3A_657 : i32 to vector<16xi32>
    %lt3A_659 = arith.cmpi slt, %get3A_652, %lt3A_658 : vector<16xi32>
    %select_n3A_660 = arith.select %lt3A_659, %shift_left3A_656, %broadcast_in_dim3A_10 : vector<16xi1>, vector<16xi32>
    %or3A_661 = arith.ori %or3A_644, %select_n3A_660 : vector<16xi32>
    %ge3A_662 = arith.constant 32 : i32
    %ge3A_663 = vector.broadcast %ge3A_662 : i32 to vector<16xi32>
    %ge3A_664 = arith.cmpi sge, %get3A_652, %ge3A_663 : vector<16xi32>
    %select_n3A_665 = arith.select %ge3A_664, %shift_left3A_656, %broadcast_in_dim3A_10 : vector<16xi1>, vector<16xi32>
    %or3A_666 = arith.ori %or3A_649, %select_n3A_665 : vector<16xi32>
    %get3A_667 = arith.constant 624 : index
    %get3A_668 = tpu.vector_load %arg4[%get3A_667] {strides = array<i32>} : memref<1568xi32, #tpu.memory_space<vmem>>, vector<16xi32>,
    %get3A_669 = vector.shape_cast %get3A_668 : vector<16xi32> to vector<16xi32>
    %and3A_670 = arith.constant 31 : i32
    %and3A_671 = vector.broadcast %and3A_670 : i32 to vector<16xi32>
    %and3A_672 = arith.andi %get3A_669, %and3A_671 : vector<16xi32>
    %shift_left3A_673 = arith.shli %broadcast_in_dim3A_8, %and3A_672 : vector<16xi32>
    %lt3A_674 = arith.constant 32 : i32
    %lt3A_675 = vector.broadcast %lt3A_674 : i32 to vector<16xi32>
    %lt3A_676 = arith.cmpi slt, %get3A_669, %lt3A_675 : vector<16xi32>
    %select_n3A_677 = arith.select %lt3A_676, %shift_left3A_673, %broadcast_in_dim3A_10 : vector<16xi1>, vector<16xi32>
    %or3A_678 = arith.ori %or3A_661, %select_n3A_677 : vector<16xi32>
    %ge3A_679 = arith.constant 32 : i32
    %ge3A_680 = vector.broadcast %ge3A_679 : i32 to vector<16xi32>
    %ge3A_681 = arith.cmpi sge, %get3A_669, %ge3A_680 : vector<16xi32>
    %select_n3A_682 = arith.select %ge3A_681, %shift_left3A_673, %broadcast_in_dim3A_10 : vector<16xi1>, vector<16xi32>
    %or3A_683 = arith.ori %or3A_666, %select_n3A_682 : vector<16xi32>
    %get3A_684 = arith.constant 640 : index
    %get3A_685 = tpu.vector_load %arg4[%get3A_684] {strides = array<i32>} : memref<1568xi32, #tpu.memory_space<vmem>>, vector<16xi32>,
    %get3A_686 = vector.shape_cast %get3A_685 : vector<16xi32> to vector<16xi32>
    %and3A_687 = arith.constant 31 : i32
    %and3A_688 = vector.broadcast %and3A_687 : i32 to vector<16xi32>
    %and3A_689 = arith.andi %get3A_686, %and3A_688 : vector<16xi32>
    %shift_left3A_690 = arith.shli %broadcast_in_dim3A_8, %and3A_689 : vector<16xi32>
    %lt3A_691 = arith.constant 32 : i32
    %lt3A_692 = vector.broadcast %lt3A_691 : i32 to vector<16xi32>
    %lt3A_693 = arith.cmpi slt, %get3A_686, %lt3A_692 : vector<16xi32>
    %select_n3A_694 = arith.select %lt3A_693, %shift_left3A_690, %broadcast_in_dim3A_10 : vector<16xi1>, vector<16xi32>
    %or3A_695 = arith.ori %or3A_678, %select_n3A_694 : vector<16xi32>
    %ge3A_696 = arith.constant 32 : i32
    %ge3A_697 = vector.broadcast %ge3A_696 : i32 to vector<16xi32>
    %ge3A_698 = arith.cmpi sge, %get3A_686, %ge3A_697 : vector<16xi32>
    %select_n3A_699 = arith.select %ge3A_698, %shift_left3A_690, %broadcast_in_dim3A_10 : vector<16xi1>, vector<16xi32>
    %or3A_700 = arith.ori %or3A_683, %select_n3A_699 : vector<16xi32>
    %get3A_701 = arith.constant 656 : index
    %get3A_702 = tpu.vector_load %arg4[%get3A_701] {strides = array<i32>} : memref<1568xi32, #tpu.memory_space<vmem>>, vector<16xi32>,
    %get3A_703 = vector.shape_cast %get3A_702 : vector<16xi32> to vector<16xi32>
    %and3A_704 = arith.constant 31 : i32
    %and3A_705 = vector.broadcast %and3A_704 : i32 to vector<16xi32>
    %and3A_706 = arith.andi %get3A_703, %and3A_705 : vector<16xi32>
    %shift_left3A_707 = arith.shli %broadcast_in_dim3A_8, %and3A_706 : vector<16xi32>
    %lt3A_708 = arith.constant 32 : i32
    %lt3A_709 = vector.broadcast %lt3A_708 : i32 to vector<16xi32>
    %lt3A_710 = arith.cmpi slt, %get3A_703, %lt3A_709 : vector<16xi32>
    %select_n3A_711 = arith.select %lt3A_710, %shift_left3A_707, %broadcast_in_dim3A_10 : vector<16xi1>, vector<16xi32>
    %or3A_712 = arith.ori %or3A_695, %select_n3A_711 : vector<16xi32>
    %ge3A_713 = arith.constant 32 : i32
    %ge3A_714 = vector.broadcast %ge3A_713 : i32 to vector<16xi32>
    %ge3A_715 = arith.cmpi sge, %get3A_703, %ge3A_714 : vector<16xi32>
    %select_n3A_716 = arith.select %ge3A_715, %shift_left3A_707, %broadcast_in_dim3A_10 : vector<16xi1>, vector<16xi32>
    %or3A_717 = arith.ori %or3A_700, %select_n3A_716 : vector<16xi32>
    %get3A_718 = arith.constant 672 : index
    %get3A_719 = tpu.vector_load %arg4[%get3A_718] {strides = array<i32>} : memref<1568xi32, #tpu.memory_space<vmem>>, vector<16xi32>,
    %get3A_720 = vector.shape_cast %get3A_719 : vector<16xi32> to vector<16xi32>
    %and3A_721 = arith.constant 31 : i32
    %and3A_722 = vector.broadcast %and3A_721 : i32 to vector<16xi32>
    %and3A_723 = arith.andi %get3A_720, %and3A_722 : vector<16xi32>
    %shift_left3A_724 = arith.shli %broadcast_in_dim3A_8, %and3A_723 : vector<16xi32>
    %lt3A_725 = arith.constant 32 : i32
    %lt3A_726 = vector.broadcast %lt3A_725 : i32 to vector<16xi32>
    %lt3A_727 = arith.cmpi slt, %get3A_720, %lt3A_726 : vector<16xi32>
    %select_n3A_728 = arith.select %lt3A_727, %shift_left3A_724, %broadcast_in_dim3A_10 : vector<16xi1>, vector<16xi32>
    %or3A_729 = arith.ori %or3A_712, %select_n3A_728 : vector<16xi32>
    %ge3A_730 = arith.constant 32 : i32
    %ge3A_731 = vector.broadcast %ge3A_730 : i32 to vector<16xi32>
    %ge3A_732 = arith.cmpi sge, %get3A_720, %ge3A_731 : vector<16xi32>
    %select_n3A_733 = arith.select %ge3A_732, %shift_left3A_724, %broadcast_in_dim3A_10 : vector<16xi1>, vector<16xi32>
    %or3A_734 = arith.ori %or3A_717, %select_n3A_733 : vector<16xi32>
    %get3A_735 = arith.constant 688 : index
    %get3A_736 = tpu.vector_load %arg4[%get3A_735] {strides = array<i32>} : memref<1568xi32, #tpu.memory_space<vmem>>, vector<16xi32>,
    %get3A_737 = vector.shape_cast %get3A_736 : vector<16xi32> to vector<16xi32>
    %and3A_738 = arith.constant 31 : i32
    %and3A_739 = vector.broadcast %and3A_738 : i32 to vector<16xi32>
    %and3A_740 = arith.andi %get3A_737, %and3A_739 : vector<16xi32>
    %shift_left3A_741 = arith.shli %broadcast_in_dim3A_8, %and3A_740 : vector<16xi32>
    %lt3A_742 = arith.constant 32 : i32
    %lt3A_743 = vector.broadcast %lt3A_742 : i32 to vector<16xi32>
    %lt3A_744 = arith.cmpi slt, %get3A_737, %lt3A_743 : vector<16xi32>
    %select_n3A_745 = arith.select %lt3A_744, %shift_left3A_741, %broadcast_in_dim3A_10 : vector<16xi1>, vector<16xi32>
    %or3A_746 = arith.ori %or3A_729, %select_n3A_745 : vector<16xi32>
    %ge3A_747 = arith.constant 32 : i32
    %ge3A_748 = vector.broadcast %ge3A_747 : i32 to vector<16xi32>
    %ge3A_749 = arith.cmpi sge, %get3A_737, %ge3A_748 : vector<16xi32>
    %select_n3A_750 = arith.select %ge3A_749, %shift_left3A_741, %broadcast_in_dim3A_10 : vector<16xi1>, vector<16xi32>
    %or3A_751 = arith.ori %or3A_734, %select_n3A_750 : vector<16xi32>
    %get3A_752 = arith.constant 704 : index
    %get3A_753 = tpu.vector_load %arg4[%get3A_752] {strides = array<i32>} : memref<1568xi32, #tpu.memory_space<vmem>>, vector<16xi32>,
    %get3A_754 = vector.shape_cast %get3A_753 : vector<16xi32> to vector<16xi32>
    %and3A_755 = arith.constant 31 : i32
    %and3A_756 = vector.broadcast %and3A_755 : i32 to vector<16xi32>
    %and3A_757 = arith.andi %get3A_754, %and3A_756 : vector<16xi32>
    %shift_left3A_758 = arith.shli %broadcast_in_dim3A_8, %and3A_757 : vector<16xi32>
    %lt3A_759 = arith.constant 32 : i32
    %lt3A_760 = vector.broadcast %lt3A_759 : i32 to vector<16xi32>
    %lt3A_761 = arith.cmpi slt, %get3A_754, %lt3A_760 : vector<16xi32>
    %select_n3A_762 = arith.select %lt3A_761, %shift_left3A_758, %broadcast_in_dim3A_10 : vector<16xi1>, vector<16xi32>
    %or3A_763 = arith.ori %or3A_746, %select_n3A_762 : vector<16xi32>
    %ge3A_764 = arith.constant 32 : i32
    %ge3A_765 = vector.broadcast %ge3A_764 : i32 to vector<16xi32>
    %ge3A_766 = arith.cmpi sge, %get3A_754, %ge3A_765 : vector<16xi32>
    %select_n3A_767 = arith.select %ge3A_766, %shift_left3A_758, %broadcast_in_dim3A_10 : vector<16xi1>, vector<16xi32>
    %or3A_768 = arith.ori %or3A_751, %select_n3A_767 : vector<16xi32>
    %get3A_769 = arith.constant 720 : index
    %get3A_770 = tpu.vector_load %arg4[%get3A_769] {strides = array<i32>} : memref<1568xi32, #tpu.memory_space<vmem>>, vector<16xi32>,
    %get3A_771 = vector.shape_cast %get3A_770 : vector<16xi32> to vector<16xi32>
    %and3A_772 = arith.constant 31 : i32
    %and3A_773 = vector.broadcast %and3A_772 : i32 to vector<16xi32>
    %and3A_774 = arith.andi %get3A_771, %and3A_773 : vector<16xi32>
    %shift_left3A_775 = arith.shli %broadcast_in_dim3A_8, %and3A_774 : vector<16xi32>
    %lt3A_776 = arith.constant 32 : i32
    %lt3A_777 = vector.broadcast %lt3A_776 : i32 to vector<16xi32>
    %lt3A_778 = arith.cmpi slt, %get3A_771, %lt3A_777 : vector<16xi32>
    %select_n3A_779 = arith.select %lt3A_778, %shift_left3A_775, %broadcast_in_dim3A_10 : vector<16xi1>, vector<16xi32>
    %or3A_780 = arith.ori %or3A_763, %select_n3A_779 : vector<16xi32>
    %ge3A_781 = arith.constant 32 : i32
    %ge3A_782 = vector.broadcast %ge3A_781 : i32 to vector<16xi32>
    %ge3A_783 = arith.cmpi sge, %get3A_771, %ge3A_782 : vector<16xi32>
    %select_n3A_784 = arith.select %ge3A_783, %shift_left3A_775, %broadcast_in_dim3A_10 : vector<16xi1>, vector<16xi32>
    %or3A_785 = arith.ori %or3A_768, %select_n3A_784 : vector<16xi32>
    %get3A_786 = arith.constant 736 : index
    %get3A_787 = tpu.vector_load %arg4[%get3A_786] {strides = array<i32>} : memref<1568xi32, #tpu.memory_space<vmem>>, vector<16xi32>,
    %get3A_788 = vector.shape_cast %get3A_787 : vector<16xi32> to vector<16xi32>
    %and3A_789 = arith.constant 31 : i32
    %and3A_790 = vector.broadcast %and3A_789 : i32 to vector<16xi32>
    %and3A_791 = arith.andi %get3A_788, %and3A_790 : vector<16xi32>
    %shift_left3A_792 = arith.shli %broadcast_in_dim3A_8, %and3A_791 : vector<16xi32>
    %lt3A_793 = arith.constant 32 : i32
    %lt3A_794 = vector.broadcast %lt3A_793 : i32 to vector<16xi32>
    %lt3A_795 = arith.cmpi slt, %get3A_788, %lt3A_794 : vector<16xi32>
    %select_n3A_796 = arith.select %lt3A_795, %shift_left3A_792, %broadcast_in_dim3A_10 : vector<16xi1>, vector<16xi32>
    %or3A_797 = arith.ori %or3A_780, %select_n3A_796 : vector<16xi32>
    %ge3A_798 = arith.constant 32 : i32
    %ge3A_799 = vector.broadcast %ge3A_798 : i32 to vector<16xi32>
    %ge3A_800 = arith.cmpi sge, %get3A_788, %ge3A_799 : vector<16xi32>
    %select_n3A_801 = arith.select %ge3A_800, %shift_left3A_792, %broadcast_in_dim3A_10 : vector<16xi1>, vector<16xi32>
    %or3A_802 = arith.ori %or3A_785, %select_n3A_801 : vector<16xi32>
    %get3A_803 = arith.constant 752 : index
    %get3A_804 = tpu.vector_load %arg4[%get3A_803] {strides = array<i32>} : memref<1568xi32, #tpu.memory_space<vmem>>, vector<16xi32>,
    %get3A_805 = vector.shape_cast %get3A_804 : vector<16xi32> to vector<16xi32>
    %and3A_806 = arith.constant 31 : i32
    %and3A_807 = vector.broadcast %and3A_806 : i32 to vector<16xi32>
    %and3A_808 = arith.andi %get3A_805, %and3A_807 : vector<16xi32>
    %shift_left3A_809 = arith.shli %broadcast_in_dim3A_8, %and3A_808 : vector<16xi32>
    %lt3A_810 = arith.constant 32 : i32
    %lt3A_811 = vector.broadcast %lt3A_810 : i32 to vector<16xi32>
    %lt3A_812 = arith.cmpi slt, %get3A_805, %lt3A_811 : vector<16xi32>
    %select_n3A_813 = arith.select %lt3A_812, %shift_left3A_809, %broadcast_in_dim3A_10 : vector<16xi1>, vector<16xi32>
    %or3A_814 = arith.ori %or3A_797, %select_n3A_813 : vector<16xi32>
    %ge3A_815 = arith.constant 32 : i32
    %ge3A_816 = vector.broadcast %ge3A_815 : i32 to vector<16xi32>
    %ge3A_817 = arith.cmpi sge, %get3A_805, %ge3A_816 : vector<16xi32>
    %select_n3A_818 = arith.select %ge3A_817, %shift_left3A_809, %broadcast_in_dim3A_10 : vector<16xi1>, vector<16xi32>
    %or3A_819 = arith.ori %or3A_802, %select_n3A_818 : vector<16xi32>
    %get3A_820 = arith.constant 768 : index
    %get3A_821 = tpu.vector_load %arg4[%get3A_820] {strides = array<i32>} : memref<1568xi32, #tpu.memory_space<vmem>>, vector<16xi32>,
    %get3A_822 = vector.shape_cast %get3A_821 : vector<16xi32> to vector<16xi32>
    %and3A_823 = arith.constant 31 : i32
    %and3A_824 = vector.broadcast %and3A_823 : i32 to vector<16xi32>
    %and3A_825 = arith.andi %get3A_822, %and3A_824 : vector<16xi32>
    %shift_left3A_826 = arith.shli %broadcast_in_dim3A_8, %and3A_825 : vector<16xi32>
    %lt3A_827 = arith.constant 32 : i32
    %lt3A_828 = vector.broadcast %lt3A_827 : i32 to vector<16xi32>
    %lt3A_829 = arith.cmpi slt, %get3A_822, %lt3A_828 : vector<16xi32>
    %select_n3A_830 = arith.select %lt3A_829, %shift_left3A_826, %broadcast_in_dim3A_10 : vector<16xi1>, vector<16xi32>
    %or3A_831 = arith.ori %or3A_814, %select_n3A_830 : vector<16xi32>
    %ge3A_832 = arith.constant 32 : i32
    %ge3A_833 = vector.broadcast %ge3A_832 : i32 to vector<16xi32>
    %ge3A_834 = arith.cmpi sge, %get3A_822, %ge3A_833 : vector<16xi32>
    %select_n3A_835 = arith.select %ge3A_834, %shift_left3A_826, %broadcast_in_dim3A_10 : vector<16xi1>, vector<16xi32>
    %or3A_836 = arith.ori %or3A_819, %select_n3A_835 : vector<16xi32>
    %get3A_837 = arith.constant 784 : index
    %get3A_838 = tpu.vector_load %arg4[%get3A_837] {strides = array<i32>} : memref<1568xi32, #tpu.memory_space<vmem>>, vector<16xi32>,
    %get3A_839 = vector.shape_cast %get3A_838 : vector<16xi32> to vector<16xi32>
    %and3A_840 = arith.constant 31 : i32
    %and3A_841 = vector.broadcast %and3A_840 : i32 to vector<16xi32>
    %and3A_842 = arith.andi %get3A_839, %and3A_841 : vector<16xi32>
    %shift_left3A_843 = arith.shli %broadcast_in_dim3A_8, %and3A_842 : vector<16xi32>
    %lt3A_844 = arith.constant 32 : i32
    %lt3A_845 = vector.broadcast %lt3A_844 : i32 to vector<16xi32>
    %lt3A_846 = arith.cmpi slt, %get3A_839, %lt3A_845 : vector<16xi32>
    %select_n3A_847 = arith.select %lt3A_846, %shift_left3A_843, %broadcast_in_dim3A_10 : vector<16xi1>, vector<16xi32>
    %or3A_848 = arith.ori %or3A_831, %select_n3A_847 : vector<16xi32>
    %ge3A_849 = arith.constant 32 : i32
    %ge3A_850 = vector.broadcast %ge3A_849 : i32 to vector<16xi32>
    %ge3A_851 = arith.cmpi sge, %get3A_839, %ge3A_850 : vector<16xi32>
    %select_n3A_852 = arith.select %ge3A_851, %shift_left3A_843, %broadcast_in_dim3A_10 : vector<16xi1>, vector<16xi32>
    %or3A_853 = arith.ori %or3A_836, %select_n3A_852 : vector<16xi32>
    %get3A_854 = arith.constant 800 : index
    %get3A_855 = tpu.vector_load %arg4[%get3A_854] {strides = array<i32>} : memref<1568xi32, #tpu.memory_space<vmem>>, vector<16xi32>,
    %get3A_856 = vector.shape_cast %get3A_855 : vector<16xi32> to vector<16xi32>
    %and3A_857 = arith.constant 31 : i32
    %and3A_858 = vector.broadcast %and3A_857 : i32 to vector<16xi32>
    %and3A_859 = arith.andi %get3A_856, %and3A_858 : vector<16xi32>
    %shift_left3A_860 = arith.shli %broadcast_in_dim3A_8, %and3A_859 : vector<16xi32>
    %lt3A_861 = arith.constant 32 : i32
    %lt3A_862 = vector.broadcast %lt3A_861 : i32 to vector<16xi32>
    %lt3A_863 = arith.cmpi slt, %get3A_856, %lt3A_862 : vector<16xi32>
    %select_n3A_864 = arith.select %lt3A_863, %shift_left3A_860, %broadcast_in_dim3A_10 : vector<16xi1>, vector<16xi32>
    %or3A_865 = arith.ori %or3A_848, %select_n3A_864 : vector<16xi32>
    %ge3A_866 = arith.constant 32 : i32
    %ge3A_867 = vector.broadcast %ge3A_866 : i32 to vector<16xi32>
    %ge3A_868 = arith.cmpi sge, %get3A_856, %ge3A_867 : vector<16xi32>
    %select_n3A_869 = arith.select %ge3A_868, %shift_left3A_860, %broadcast_in_dim3A_10 : vector<16xi1>, vector<16xi32>
    %or3A_870 = arith.ori %or3A_853, %select_n3A_869 : vector<16xi32>
    %get3A_871 = arith.constant 816 : index
    %get3A_872 = tpu.vector_load %arg4[%get3A_871] {strides = array<i32>} : memref<1568xi32, #tpu.memory_space<vmem>>, vector<16xi32>,
    %get3A_873 = vector.shape_cast %get3A_872 : vector<16xi32> to vector<16xi32>
    %and3A_874 = arith.constant 31 : i32
    %and3A_875 = vector.broadcast %and3A_874 : i32 to vector<16xi32>
    %and3A_876 = arith.andi %get3A_873, %and3A_875 : vector<16xi32>
    %shift_left3A_877 = arith.shli %broadcast_in_dim3A_8, %and3A_876 : vector<16xi32>
    %lt3A_878 = arith.constant 32 : i32
    %lt3A_879 = vector.broadcast %lt3A_878 : i32 to vector<16xi32>
    %lt3A_880 = arith.cmpi slt, %get3A_873, %lt3A_879 : vector<16xi32>
    %select_n3A_881 = arith.select %lt3A_880, %shift_left3A_877, %broadcast_in_dim3A_10 : vector<16xi1>, vector<16xi32>
    %or3A_882 = arith.ori %or3A_865, %select_n3A_881 : vector<16xi32>
    %ge3A_883 = arith.constant 32 : i32
    %ge3A_884 = vector.broadcast %ge3A_883 : i32 to vector<16xi32>
    %ge3A_885 = arith.cmpi sge, %get3A_873, %ge3A_884 : vector<16xi32>
    %select_n3A_886 = arith.select %ge3A_885, %shift_left3A_877, %broadcast_in_dim3A_10 : vector<16xi1>, vector<16xi32>
    %or3A_887 = arith.ori %or3A_870, %select_n3A_886 : vector<16xi32>
    %get3A_888 = arith.constant 832 : index
    %get3A_889 = tpu.vector_load %arg4[%get3A_888] {strides = array<i32>} : memref<1568xi32, #tpu.memory_space<vmem>>, vector<16xi32>,
    %get3A_890 = vector.shape_cast %get3A_889 : vector<16xi32> to vector<16xi32>
    %and3A_891 = arith.constant 31 : i32
    %and3A_892 = vector.broadcast %and3A_891 : i32 to vector<16xi32>
    %and3A_893 = arith.andi %get3A_890, %and3A_892 : vector<16xi32>
    %shift_left3A_894 = arith.shli %broadcast_in_dim3A_8, %and3A_893 : vector<16xi32>
    %lt3A_895 = arith.constant 32 : i32
    %lt3A_896 = vector.broadcast %lt3A_895 : i32 to vector<16xi32>
    %lt3A_897 = arith.cmpi slt, %get3A_890, %lt3A_896 : vector<16xi32>
    %select_n3A_898 = arith.select %lt3A_897, %shift_left3A_894, %broadcast_in_dim3A_10 : vector<16xi1>, vector<16xi32>
    %or3A_899 = arith.ori %or3A_882, %select_n3A_898 : vector<16xi32>
    %ge3A_900 = arith.constant 32 : i32
    %ge3A_901 = vector.broadcast %ge3A_900 : i32 to vector<16xi32>
    %ge3A_902 = arith.cmpi sge, %get3A_890, %ge3A_901 : vector<16xi32>
    %select_n3A_903 = arith.select %ge3A_902, %shift_left3A_894, %broadcast_in_dim3A_10 : vector<16xi1>, vector<16xi32>
    %or3A_904 = arith.ori %or3A_887, %select_n3A_903 : vector<16xi32>
    %get3A_905 = arith.constant 848 : index
    %get3A_906 = tpu.vector_load %arg4[%get3A_905] {strides = array<i32>} : memref<1568xi32, #tpu.memory_space<vmem>>, vector<16xi32>,
    %get3A_907 = vector.shape_cast %get3A_906 : vector<16xi32> to vector<16xi32>
    %and3A_908 = arith.constant 31 : i32
    %and3A_909 = vector.broadcast %and3A_908 : i32 to vector<16xi32>
    %and3A_910 = arith.andi %get3A_907, %and3A_909 : vector<16xi32>
    %shift_left3A_911 = arith.shli %broadcast_in_dim3A_8, %and3A_910 : vector<16xi32>
    %lt3A_912 = arith.constant 32 : i32
    %lt3A_913 = vector.broadcast %lt3A_912 : i32 to vector<16xi32>
    %lt3A_914 = arith.cmpi slt, %get3A_907, %lt3A_913 : vector<16xi32>
    %select_n3A_915 = arith.select %lt3A_914, %shift_left3A_911, %broadcast_in_dim3A_10 : vector<16xi1>, vector<16xi32>
    %or3A_916 = arith.ori %or3A_899, %select_n3A_915 : vector<16xi32>
    %ge3A_917 = arith.constant 32 : i32
    %ge3A_918 = vector.broadcast %ge3A_917 : i32 to vector<16xi32>
    %ge3A_919 = arith.cmpi sge, %get3A_907, %ge3A_918 : vector<16xi32>
    %select_n3A_920 = arith.select %ge3A_919, %shift_left3A_911, %broadcast_in_dim3A_10 : vector<16xi1>, vector<16xi32>
    %or3A_921 = arith.ori %or3A_904, %select_n3A_920 : vector<16xi32>
    %get3A_922 = arith.constant 864 : index
    %get3A_923 = tpu.vector_load %arg4[%get3A_922] {strides = array<i32>} : memref<1568xi32, #tpu.memory_space<vmem>>, vector<16xi32>,
    %get3A_924 = vector.shape_cast %get3A_923 : vector<16xi32> to vector<16xi32>
    %and3A_925 = arith.constant 31 : i32
    %and3A_926 = vector.broadcast %and3A_925 : i32 to vector<16xi32>
    %and3A_927 = arith.andi %get3A_924, %and3A_926 : vector<16xi32>
    %shift_left3A_928 = arith.shli %broadcast_in_dim3A_8, %and3A_927 : vector<16xi32>
    %lt3A_929 = arith.constant 32 : i32
    %lt3A_930 = vector.broadcast %lt3A_929 : i32 to vector<16xi32>
    %lt3A_931 = arith.cmpi slt, %get3A_924, %lt3A_930 : vector<16xi32>
    %select_n3A_932 = arith.select %lt3A_931, %shift_left3A_928, %broadcast_in_dim3A_10 : vector<16xi1>, vector<16xi32>
    %or3A_933 = arith.ori %or3A_916, %select_n3A_932 : vector<16xi32>
    %ge3A_934 = arith.constant 32 : i32
    %ge3A_935 = vector.broadcast %ge3A_934 : i32 to vector<16xi32>
    %ge3A_936 = arith.cmpi sge, %get3A_924, %ge3A_935 : vector<16xi32>
    %select_n3A_937 = arith.select %ge3A_936, %shift_left3A_928, %broadcast_in_dim3A_10 : vector<16xi1>, vector<16xi32>
    %or3A_938 = arith.ori %or3A_921, %select_n3A_937 : vector<16xi32>
    %get3A_939 = arith.constant 880 : index
    %get3A_940 = tpu.vector_load %arg4[%get3A_939] {strides = array<i32>} : memref<1568xi32, #tpu.memory_space<vmem>>, vector<16xi32>,
    %get3A_941 = vector.shape_cast %get3A_940 : vector<16xi32> to vector<16xi32>
    %and3A_942 = arith.constant 31 : i32
    %and3A_943 = vector.broadcast %and3A_942 : i32 to vector<16xi32>
    %and3A_944 = arith.andi %get3A_941, %and3A_943 : vector<16xi32>
    %shift_left3A_945 = arith.shli %broadcast_in_dim3A_8, %and3A_944 : vector<16xi32>
    %lt3A_946 = arith.constant 32 : i32
    %lt3A_947 = vector.broadcast %lt3A_946 : i32 to vector<16xi32>
    %lt3A_948 = arith.cmpi slt, %get3A_941, %lt3A_947 : vector<16xi32>
    %select_n3A_949 = arith.select %lt3A_948, %shift_left3A_945, %broadcast_in_dim3A_10 : vector<16xi1>, vector<16xi32>
    %or3A_950 = arith.ori %or3A_933, %select_n3A_949 : vector<16xi32>
    %ge3A_951 = arith.constant 32 : i32
    %ge3A_952 = vector.broadcast %ge3A_951 : i32 to vector<16xi32>
    %ge3A_953 = arith.cmpi sge, %get3A_941, %ge3A_952 : vector<16xi32>
    %select_n3A_954 = arith.select %ge3A_953, %shift_left3A_945, %broadcast_in_dim3A_10 : vector<16xi1>, vector<16xi32>
    %or3A_955 = arith.ori %or3A_938, %select_n3A_954 : vector<16xi32>
    %get3A_956 = arith.constant 896 : index
    %get3A_957 = tpu.vector_load %arg4[%get3A_956] {strides = array<i32>} : memref<1568xi32, #tpu.memory_space<vmem>>, vector<16xi32>,
    %get3A_958 = vector.shape_cast %get3A_957 : vector<16xi32> to vector<16xi32>
    %and3A_959 = arith.constant 31 : i32
    %and3A_960 = vector.broadcast %and3A_959 : i32 to vector<16xi32>
    %and3A_961 = arith.andi %get3A_958, %and3A_960 : vector<16xi32>
    %shift_left3A_962 = arith.shli %broadcast_in_dim3A_8, %and3A_961 : vector<16xi32>
    %lt3A_963 = arith.constant 32 : i32
    %lt3A_964 = vector.broadcast %lt3A_963 : i32 to vector<16xi32>
    %lt3A_965 = arith.cmpi slt, %get3A_958, %lt3A_964 : vector<16xi32>
    %select_n3A_966 = arith.select %lt3A_965, %shift_left3A_962, %broadcast_in_dim3A_10 : vector<16xi1>, vector<16xi32>
    %or3A_967 = arith.ori %or3A_950, %select_n3A_966 : vector<16xi32>
    %ge3A_968 = arith.constant 32 : i32
    %ge3A_969 = vector.broadcast %ge3A_968 : i32 to vector<16xi32>
    %ge3A_970 = arith.cmpi sge, %get3A_958, %ge3A_969 : vector<16xi32>
    %select_n3A_971 = arith.select %ge3A_970, %shift_left3A_962, %broadcast_in_dim3A_10 : vector<16xi1>, vector<16xi32>
    %or3A_972 = arith.ori %or3A_955, %select_n3A_971 : vector<16xi32>
    %get3A_973 = arith.constant 912 : index
    %get3A_974 = tpu.vector_load %arg4[%get3A_973] {strides = array<i32>} : memref<1568xi32, #tpu.memory_space<vmem>>, vector<16xi32>,
    %get3A_975 = vector.shape_cast %get3A_974 : vector<16xi32> to vector<16xi32>
    %and3A_976 = arith.constant 31 : i32
    %and3A_977 = vector.broadcast %and3A_976 : i32 to vector<16xi32>
    %and3A_978 = arith.andi %get3A_975, %and3A_977 : vector<16xi32>
    %shift_left3A_979 = arith.shli %broadcast_in_dim3A_8, %and3A_978 : vector<16xi32>
    %lt3A_980 = arith.constant 32 : i32
    %lt3A_981 = vector.broadcast %lt3A_980 : i32 to vector<16xi32>
    %lt3A_982 = arith.cmpi slt, %get3A_975, %lt3A_981 : vector<16xi32>
    %select_n3A_983 = arith.select %lt3A_982, %shift_left3A_979, %broadcast_in_dim3A_10 : vector<16xi1>, vector<16xi32>
    %or3A_984 = arith.ori %or3A_967, %select_n3A_983 : vector<16xi32>
    %ge3A_985 = arith.constant 32 : i32
    %ge3A_986 = vector.broadcast %ge3A_985 : i32 to vector<16xi32>
    %ge3A_987 = arith.cmpi sge, %get3A_975, %ge3A_986 : vector<16xi32>
    %select_n3A_988 = arith.select %ge3A_987, %shift_left3A_979, %broadcast_in_dim3A_10 : vector<16xi1>, vector<16xi32>
    %or3A_989 = arith.ori %or3A_972, %select_n3A_988 : vector<16xi32>
    %get3A_990 = arith.constant 928 : index
    %get3A_991 = tpu.vector_load %arg4[%get3A_990] {strides = array<i32>} : memref<1568xi32, #tpu.memory_space<vmem>>, vector<16xi32>,
    %get3A_992 = vector.shape_cast %get3A_991 : vector<16xi32> to vector<16xi32>
    %and3A_993 = arith.constant 31 : i32
    %and3A_994 = vector.broadcast %and3A_993 : i32 to vector<16xi32>
    %and3A_995 = arith.andi %get3A_992, %and3A_994 : vector<16xi32>
    %shift_left3A_996 = arith.shli %broadcast_in_dim3A_8, %and3A_995 : vector<16xi32>
    %lt3A_997 = arith.constant 32 : i32
    %lt3A_998 = vector.broadcast %lt3A_997 : i32 to vector<16xi32>
    %lt3A_999 = arith.cmpi slt, %get3A_992, %lt3A_998 : vector<16xi32>
    %select_n3A_1000 = arith.select %lt3A_999, %shift_left3A_996, %broadcast_in_dim3A_10 : vector<16xi1>, vector<16xi32>
    %or3A_1001 = arith.ori %or3A_984, %select_n3A_1000 : vector<16xi32>
    %ge3A_1002 = arith.constant 32 : i32
    %ge3A_1003 = vector.broadcast %ge3A_1002 : i32 to vector<16xi32>
    %ge3A_1004 = arith.cmpi sge, %get3A_992, %ge3A_1003 : vector<16xi32>
    %select_n3A_1005 = arith.select %ge3A_1004, %shift_left3A_996, %broadcast_in_dim3A_10 : vector<16xi1>, vector<16xi32>
    %or3A_1006 = arith.ori %or3A_989, %select_n3A_1005 : vector<16xi32>
    %get3A_1007 = arith.constant 944 : index
    %get3A_1008 = tpu.vector_load %arg4[%get3A_1007] {strides = array<i32>} : memref<1568xi32, #tpu.memory_space<vmem>>, vector<16xi32>,
    %get3A_1009 = vector.shape_cast %get3A_1008 : vector<16xi32> to vector<16xi32>
    %and3A_1010 = arith.constant 31 : i32
    %and3A_1011 = vector.broadcast %and3A_1010 : i32 to vector<16xi32>
    %and3A_1012 = arith.andi %get3A_1009, %and3A_1011 : vector<16xi32>
    %shift_left3A_1013 = arith.shli %broadcast_in_dim3A_8, %and3A_1012 : vector<16xi32>
    %lt3A_1014 = arith.constant 32 : i32
    %lt3A_1015 = vector.broadcast %lt3A_1014 : i32 to vector<16xi32>
    %lt3A_1016 = arith.cmpi slt, %get3A_1009, %lt3A_1015 : vector<16xi32>
    %select_n3A_1017 = arith.select %lt3A_1016, %shift_left3A_1013, %broadcast_in_dim3A_10 : vector<16xi1>, vector<16xi32>
    %or3A_1018 = arith.ori %or3A_1001, %select_n3A_1017 : vector<16xi32>
    %ge3A_1019 = arith.constant 32 : i32
    %ge3A_1020 = vector.broadcast %ge3A_1019 : i32 to vector<16xi32>
    %ge3A_1021 = arith.cmpi sge, %get3A_1009, %ge3A_1020 : vector<16xi32>
    %select_n3A_1022 = arith.select %ge3A_1021, %shift_left3A_1013, %broadcast_in_dim3A_10 : vector<16xi1>, vector<16xi32>
    %or3A_1023 = arith.ori %or3A_1006, %select_n3A_1022 : vector<16xi32>
    %get3A_1024 = arith.constant 960 : index
    %get3A_1025 = tpu.vector_load %arg4[%get3A_1024] {strides = array<i32>} : memref<1568xi32, #tpu.memory_space<vmem>>, vector<16xi32>,
    %get3A_1026 = vector.shape_cast %get3A_1025 : vector<16xi32> to vector<16xi32>
    %and3A_1027 = arith.constant 31 : i32
    %and3A_1028 = vector.broadcast %and3A_1027 : i32 to vector<16xi32>
    %and3A_1029 = arith.andi %get3A_1026, %and3A_1028 : vector<16xi32>
    %shift_left3A_1030 = arith.shli %broadcast_in_dim3A_8, %and3A_1029 : vector<16xi32>
    %lt3A_1031 = arith.constant 32 : i32
    %lt3A_1032 = vector.broadcast %lt3A_1031 : i32 to vector<16xi32>
    %lt3A_1033 = arith.cmpi slt, %get3A_1026, %lt3A_1032 : vector<16xi32>
    %select_n3A_1034 = arith.select %lt3A_1033, %shift_left3A_1030, %broadcast_in_dim3A_10 : vector<16xi1>, vector<16xi32>
    %or3A_1035 = arith.ori %or3A_1018, %select_n3A_1034 : vector<16xi32>
    %ge3A_1036 = arith.constant 32 : i32
    %ge3A_1037 = vector.broadcast %ge3A_1036 : i32 to vector<16xi32>
    %ge3A_1038 = arith.cmpi sge, %get3A_1026, %ge3A_1037 : vector<16xi32>
    %select_n3A_1039 = arith.select %ge3A_1038, %shift_left3A_1030, %broadcast_in_dim3A_10 : vector<16xi1>, vector<16xi32>
    %or3A_1040 = arith.ori %or3A_1023, %select_n3A_1039 : vector<16xi32>
    %get3A_1041 = arith.constant 976 : index
    %get3A_1042 = tpu.vector_load %arg4[%get3A_1041] {strides = array<i32>} : memref<1568xi32, #tpu.memory_space<vmem>>, vector<16xi32>,
    %get3A_1043 = vector.shape_cast %get3A_1042 : vector<16xi32> to vector<16xi32>
    %and3A_1044 = arith.constant 31 : i32
    %and3A_1045 = vector.broadcast %and3A_1044 : i32 to vector<16xi32>
    %and3A_1046 = arith.andi %get3A_1043, %and3A_1045 : vector<16xi32>
    %shift_left3A_1047 = arith.shli %broadcast_in_dim3A_8, %and3A_1046 : vector<16xi32>
    %lt3A_1048 = arith.constant 32 : i32
    %lt3A_1049 = vector.broadcast %lt3A_1048 : i32 to vector<16xi32>
    %lt3A_1050 = arith.cmpi slt, %get3A_1043, %lt3A_1049 : vector<16xi32>
    %select_n3A_1051 = arith.select %lt3A_1050, %shift_left3A_1047, %broadcast_in_dim3A_10 : vector<16xi1>, vector<16xi32>
    %or3A_1052 = arith.ori %or3A_1035, %select_n3A_1051 : vector<16xi32>
    %ge3A_1053 = arith.constant 32 : i32
    %ge3A_1054 = vector.broadcast %ge3A_1053 : i32 to vector<16xi32>
    %ge3A_1055 = arith.cmpi sge, %get3A_1043, %ge3A_1054 : vector<16xi32>
    %select_n3A_1056 = arith.select %ge3A_1055, %shift_left3A_1047, %broadcast_in_dim3A_10 : vector<16xi1>, vector<16xi32>
    %or3A_1057 = arith.ori %or3A_1040, %select_n3A_1056 : vector<16xi32>
    %get3A_1058 = arith.constant 992 : index
    %get3A_1059 = tpu.vector_load %arg4[%get3A_1058] {strides = array<i32>} : memref<1568xi32, #tpu.memory_space<vmem>>, vector<16xi32>,
    %get3A_1060 = vector.shape_cast %get3A_1059 : vector<16xi32> to vector<16xi32>
    %and3A_1061 = arith.constant 31 : i32
    %and3A_1062 = vector.broadcast %and3A_1061 : i32 to vector<16xi32>
    %and3A_1063 = arith.andi %get3A_1060, %and3A_1062 : vector<16xi32>
    %shift_left3A_1064 = arith.shli %broadcast_in_dim3A_8, %and3A_1063 : vector<16xi32>
    %lt3A_1065 = arith.constant 32 : i32
    %lt3A_1066 = vector.broadcast %lt3A_1065 : i32 to vector<16xi32>
    %lt3A_1067 = arith.cmpi slt, %get3A_1060, %lt3A_1066 : vector<16xi32>
    %select_n3A_1068 = arith.select %lt3A_1067, %shift_left3A_1064, %broadcast_in_dim3A_10 : vector<16xi1>, vector<16xi32>
    %or3A_1069 = arith.ori %or3A_1052, %select_n3A_1068 : vector<16xi32>
    %ge3A_1070 = arith.constant 32 : i32
    %ge3A_1071 = vector.broadcast %ge3A_1070 : i32 to vector<16xi32>
    %ge3A_1072 = arith.cmpi sge, %get3A_1060, %ge3A_1071 : vector<16xi32>
    %select_n3A_1073 = arith.select %ge3A_1072, %shift_left3A_1064, %broadcast_in_dim3A_10 : vector<16xi1>, vector<16xi32>
    %or3A_1074 = arith.ori %or3A_1057, %select_n3A_1073 : vector<16xi32>
    %get3A_1075 = arith.constant 1008 : index
    %get3A_1076 = tpu.vector_load %arg4[%get3A_1075] {strides = array<i32>} : memref<1568xi32, #tpu.memory_space<vmem>>, vector<16xi32>,
    %get3A_1077 = vector.shape_cast %get3A_1076 : vector<16xi32> to vector<16xi32>
    %and3A_1078 = arith.constant 31 : i32
    %and3A_1079 = vector.broadcast %and3A_1078 : i32 to vector<16xi32>
    %and3A_1080 = arith.andi %get3A_1077, %and3A_1079 : vector<16xi32>
    %shift_left3A_1081 = arith.shli %broadcast_in_dim3A_8, %and3A_1080 : vector<16xi32>
    %lt3A_1082 = arith.constant 32 : i32
    %lt3A_1083 = vector.broadcast %lt3A_1082 : i32 to vector<16xi32>
    %lt3A_1084 = arith.cmpi slt, %get3A_1077, %lt3A_1083 : vector<16xi32>
    %select_n3A_1085 = arith.select %lt3A_1084, %shift_left3A_1081, %broadcast_in_dim3A_10 : vector<16xi1>, vector<16xi32>
    %or3A_1086 = arith.ori %or3A_1069, %select_n3A_1085 : vector<16xi32>
    %ge3A_1087 = arith.constant 32 : i32
    %ge3A_1088 = vector.broadcast %ge3A_1087 : i32 to vector<16xi32>
    %ge3A_1089 = arith.cmpi sge, %get3A_1077, %ge3A_1088 : vector<16xi32>
    %select_n3A_1090 = arith.select %ge3A_1089, %shift_left3A_1081, %broadcast_in_dim3A_10 : vector<16xi1>, vector<16xi32>
    %or3A_1091 = arith.ori %or3A_1074, %select_n3A_1090 : vector<16xi32>
    %get3A_1092 = arith.constant 1024 : index
    %get3A_1093 = tpu.vector_load %arg4[%get3A_1092] {strides = array<i32>} : memref<1568xi32, #tpu.memory_space<vmem>>, vector<16xi32>,
    %get3A_1094 = vector.shape_cast %get3A_1093 : vector<16xi32> to vector<16xi32>
    %and3A_1095 = arith.constant 31 : i32
    %and3A_1096 = vector.broadcast %and3A_1095 : i32 to vector<16xi32>
    %and3A_1097 = arith.andi %get3A_1094, %and3A_1096 : vector<16xi32>
    %shift_left3A_1098 = arith.shli %broadcast_in_dim3A_8, %and3A_1097 : vector<16xi32>
    %lt3A_1099 = arith.constant 32 : i32
    %lt3A_1100 = vector.broadcast %lt3A_1099 : i32 to vector<16xi32>
    %lt3A_1101 = arith.cmpi slt, %get3A_1094, %lt3A_1100 : vector<16xi32>
    %select_n3A_1102 = arith.select %lt3A_1101, %shift_left3A_1098, %broadcast_in_dim3A_10 : vector<16xi1>, vector<16xi32>
    %or3A_1103 = arith.ori %or3A_1086, %select_n3A_1102 : vector<16xi32>
    %ge3A_1104 = arith.constant 32 : i32
    %ge3A_1105 = vector.broadcast %ge3A_1104 : i32 to vector<16xi32>
    %ge3A_1106 = arith.cmpi sge, %get3A_1094, %ge3A_1105 : vector<16xi32>
    %select_n3A_1107 = arith.select %ge3A_1106, %shift_left3A_1098, %broadcast_in_dim3A_10 : vector<16xi1>, vector<16xi32>
    %or3A_1108 = arith.ori %or3A_1091, %select_n3A_1107 : vector<16xi32>
    %get3A_1109 = arith.constant 1040 : index
    %get3A_1110 = tpu.vector_load %arg4[%get3A_1109] {strides = array<i32>} : memref<1568xi32, #tpu.memory_space<vmem>>, vector<16xi32>,
    %get3A_1111 = vector.shape_cast %get3A_1110 : vector<16xi32> to vector<16xi32>
    %and3A_1112 = arith.constant 31 : i32
    %and3A_1113 = vector.broadcast %and3A_1112 : i32 to vector<16xi32>
    %and3A_1114 = arith.andi %get3A_1111, %and3A_1113 : vector<16xi32>
    %shift_left3A_1115 = arith.shli %broadcast_in_dim3A_8, %and3A_1114 : vector<16xi32>
    %lt3A_1116 = arith.constant 32 : i32
    %lt3A_1117 = vector.broadcast %lt3A_1116 : i32 to vector<16xi32>
    %lt3A_1118 = arith.cmpi slt, %get3A_1111, %lt3A_1117 : vector<16xi32>
    %select_n3A_1119 = arith.select %lt3A_1118, %shift_left3A_1115, %broadcast_in_dim3A_10 : vector<16xi1>, vector<16xi32>
    %or3A_1120 = arith.ori %or3A_1103, %select_n3A_1119 : vector<16xi32>
    %ge3A_1121 = arith.constant 32 : i32
    %ge3A_1122 = vector.broadcast %ge3A_1121 : i32 to vector<16xi32>
    %ge3A_1123 = arith.cmpi sge, %get3A_1111, %ge3A_1122 : vector<16xi32>
    %select_n3A_1124 = arith.select %ge3A_1123, %shift_left3A_1115, %broadcast_in_dim3A_10 : vector<16xi1>, vector<16xi32>
    %or3A_1125 = arith.ori %or3A_1108, %select_n3A_1124 : vector<16xi32>
    %get3A_1126 = arith.constant 1056 : index
    %get3A_1127 = tpu.vector_load %arg4[%get3A_1126] {strides = array<i32>} : memref<1568xi32, #tpu.memory_space<vmem>>, vector<16xi32>,
    %get3A_1128 = vector.shape_cast %get3A_1127 : vector<16xi32> to vector<16xi32>
    %and3A_1129 = arith.constant 31 : i32
    %and3A_1130 = vector.broadcast %and3A_1129 : i32 to vector<16xi32>
    %and3A_1131 = arith.andi %get3A_1128, %and3A_1130 : vector<16xi32>
    %shift_left3A_1132 = arith.shli %broadcast_in_dim3A_8, %and3A_1131 : vector<16xi32>
    %lt3A_1133 = arith.constant 32 : i32
    %lt3A_1134 = vector.broadcast %lt3A_1133 : i32 to vector<16xi32>
    %lt3A_1135 = arith.cmpi slt, %get3A_1128, %lt3A_1134 : vector<16xi32>
    %select_n3A_1136 = arith.select %lt3A_1135, %shift_left3A_1132, %broadcast_in_dim3A_10 : vector<16xi1>, vector<16xi32>
    %or3A_1137 = arith.ori %or3A_1120, %select_n3A_1136 : vector<16xi32>
    %ge3A_1138 = arith.constant 32 : i32
    %ge3A_1139 = vector.broadcast %ge3A_1138 : i32 to vector<16xi32>
    %ge3A_1140 = arith.cmpi sge, %get3A_1128, %ge3A_1139 : vector<16xi32>
    %select_n3A_1141 = arith.select %ge3A_1140, %shift_left3A_1132, %broadcast_in_dim3A_10 : vector<16xi1>, vector<16xi32>
    %or3A_1142 = arith.ori %or3A_1125, %select_n3A_1141 : vector<16xi32>
    %get3A_1143 = arith.constant 1072 : index
    %get3A_1144 = tpu.vector_load %arg4[%get3A_1143] {strides = array<i32>} : memref<1568xi32, #tpu.memory_space<vmem>>, vector<16xi32>,
    %get3A_1145 = vector.shape_cast %get3A_1144 : vector<16xi32> to vector<16xi32>
    %and3A_1146 = arith.constant 31 : i32
    %and3A_1147 = vector.broadcast %and3A_1146 : i32 to vector<16xi32>
    %and3A_1148 = arith.andi %get3A_1145, %and3A_1147 : vector<16xi32>
    %shift_left3A_1149 = arith.shli %broadcast_in_dim3A_8, %and3A_1148 : vector<16xi32>
    %lt3A_1150 = arith.constant 32 : i32
    %lt3A_1151 = vector.broadcast %lt3A_1150 : i32 to vector<16xi32>
    %lt3A_1152 = arith.cmpi slt, %get3A_1145, %lt3A_1151 : vector<16xi32>
    %select_n3A_1153 = arith.select %lt3A_1152, %shift_left3A_1149, %broadcast_in_dim3A_10 : vector<16xi1>, vector<16xi32>
    %or3A_1154 = arith.ori %or3A_1137, %select_n3A_1153 : vector<16xi32>
    %ge3A_1155 = arith.constant 32 : i32
    %ge3A_1156 = vector.broadcast %ge3A_1155 : i32 to vector<16xi32>
    %ge3A_1157 = arith.cmpi sge, %get3A_1145, %ge3A_1156 : vector<16xi32>
    %select_n3A_1158 = arith.select %ge3A_1157, %shift_left3A_1149, %broadcast_in_dim3A_10 : vector<16xi1>, vector<16xi32>
    %or3A_1159 = arith.ori %or3A_1142, %select_n3A_1158 : vector<16xi32>
    %get3A_1160 = arith.constant 1088 : index
    %get3A_1161 = tpu.vector_load %arg4[%get3A_1160] {strides = array<i32>} : memref<1568xi32, #tpu.memory_space<vmem>>, vector<16xi32>,
    %get3A_1162 = vector.shape_cast %get3A_1161 : vector<16xi32> to vector<16xi32>
    %and3A_1163 = arith.constant 31 : i32
    %and3A_1164 = vector.broadcast %and3A_1163 : i32 to vector<16xi32>
    %and3A_1165 = arith.andi %get3A_1162, %and3A_1164 : vector<16xi32>
    %shift_left3A_1166 = arith.shli %broadcast_in_dim3A_8, %and3A_1165 : vector<16xi32>
    %lt3A_1167 = arith.constant 32 : i32
    %lt3A_1168 = vector.broadcast %lt3A_1167 : i32 to vector<16xi32>
    %lt3A_1169 = arith.cmpi slt, %get3A_1162, %lt3A_1168 : vector<16xi32>
    %select_n3A_1170 = arith.select %lt3A_1169, %shift_left3A_1166, %broadcast_in_dim3A_10 : vector<16xi1>, vector<16xi32>
    %or3A_1171 = arith.ori %or3A_1154, %select_n3A_1170 : vector<16xi32>
    %ge3A_1172 = arith.constant 32 : i32
    %ge3A_1173 = vector.broadcast %ge3A_1172 : i32 to vector<16xi32>
    %ge3A_1174 = arith.cmpi sge, %get3A_1162, %ge3A_1173 : vector<16xi32>
    %select_n3A_1175 = arith.select %ge3A_1174, %shift_left3A_1166, %broadcast_in_dim3A_10 : vector<16xi1>, vector<16xi32>
    %or3A_1176 = arith.ori %or3A_1159, %select_n3A_1175 : vector<16xi32>
    %get3A_1177 = arith.constant 1104 : index
    %get3A_1178 = tpu.vector_load %arg4[%get3A_1177] {strides = array<i32>} : memref<1568xi32, #tpu.memory_space<vmem>>, vector<16xi32>,
    %get3A_1179 = vector.shape_cast %get3A_1178 : vector<16xi32> to vector<16xi32>
    %and3A_1180 = arith.constant 31 : i32
    %and3A_1181 = vector.broadcast %and3A_1180 : i32 to vector<16xi32>
    %and3A_1182 = arith.andi %get3A_1179, %and3A_1181 : vector<16xi32>
    %shift_left3A_1183 = arith.shli %broadcast_in_dim3A_8, %and3A_1182 : vector<16xi32>
    %lt3A_1184 = arith.constant 32 : i32
    %lt3A_1185 = vector.broadcast %lt3A_1184 : i32 to vector<16xi32>
    %lt3A_1186 = arith.cmpi slt, %get3A_1179, %lt3A_1185 : vector<16xi32>
    %select_n3A_1187 = arith.select %lt3A_1186, %shift_left3A_1183, %broadcast_in_dim3A_10 : vector<16xi1>, vector<16xi32>
    %or3A_1188 = arith.ori %or3A_1171, %select_n3A_1187 : vector<16xi32>
    %ge3A_1189 = arith.constant 32 : i32
    %ge3A_1190 = vector.broadcast %ge3A_1189 : i32 to vector<16xi32>
    %ge3A_1191 = arith.cmpi sge, %get3A_1179, %ge3A_1190 : vector<16xi32>
    %select_n3A_1192 = arith.select %ge3A_1191, %shift_left3A_1183, %broadcast_in_dim3A_10 : vector<16xi1>, vector<16xi32>
    %or3A_1193 = arith.ori %or3A_1176, %select_n3A_1192 : vector<16xi32>
    %get3A_1194 = arith.constant 1120 : index
    %get3A_1195 = tpu.vector_load %arg4[%get3A_1194] {strides = array<i32>} : memref<1568xi32, #tpu.memory_space<vmem>>, vector<16xi32>,
    %get3A_1196 = vector.shape_cast %get3A_1195 : vector<16xi32> to vector<16xi32>
    %and3A_1197 = arith.constant 31 : i32
    %and3A_1198 = vector.broadcast %and3A_1197 : i32 to vector<16xi32>
    %and3A_1199 = arith.andi %get3A_1196, %and3A_1198 : vector<16xi32>
    %shift_left3A_1200 = arith.shli %broadcast_in_dim3A_8, %and3A_1199 : vector<16xi32>
    %lt3A_1201 = arith.constant 32 : i32
    %lt3A_1202 = vector.broadcast %lt3A_1201 : i32 to vector<16xi32>
    %lt3A_1203 = arith.cmpi slt, %get3A_1196, %lt3A_1202 : vector<16xi32>
    %select_n3A_1204 = arith.select %lt3A_1203, %shift_left3A_1200, %broadcast_in_dim3A_10 : vector<16xi1>, vector<16xi32>
    %or3A_1205 = arith.ori %or3A_1188, %select_n3A_1204 : vector<16xi32>
    %ge3A_1206 = arith.constant 32 : i32
    %ge3A_1207 = vector.broadcast %ge3A_1206 : i32 to vector<16xi32>
    %ge3A_1208 = arith.cmpi sge, %get3A_1196, %ge3A_1207 : vector<16xi32>
    %select_n3A_1209 = arith.select %ge3A_1208, %shift_left3A_1200, %broadcast_in_dim3A_10 : vector<16xi1>, vector<16xi32>
    %or3A_1210 = arith.ori %or3A_1193, %select_n3A_1209 : vector<16xi32>
    %get3A_1211 = arith.constant 1136 : index
    %get3A_1212 = tpu.vector_load %arg4[%get3A_1211] {strides = array<i32>} : memref<1568xi32, #tpu.memory_space<vmem>>, vector<16xi32>,
    %get3A_1213 = vector.shape_cast %get3A_1212 : vector<16xi32> to vector<16xi32>
    %and3A_1214 = arith.constant 31 : i32
    %and3A_1215 = vector.broadcast %and3A_1214 : i32 to vector<16xi32>
    %and3A_1216 = arith.andi %get3A_1213, %and3A_1215 : vector<16xi32>
    %shift_left3A_1217 = arith.shli %broadcast_in_dim3A_8, %and3A_1216 : vector<16xi32>
    %lt3A_1218 = arith.constant 32 : i32
    %lt3A_1219 = vector.broadcast %lt3A_1218 : i32 to vector<16xi32>
    %lt3A_1220 = arith.cmpi slt, %get3A_1213, %lt3A_1219 : vector<16xi32>
    %select_n3A_1221 = arith.select %lt3A_1220, %shift_left3A_1217, %broadcast_in_dim3A_10 : vector<16xi1>, vector<16xi32>
    %or3A_1222 = arith.ori %or3A_1205, %select_n3A_1221 : vector<16xi32>
    %ge3A_1223 = arith.constant 32 : i32
    %ge3A_1224 = vector.broadcast %ge3A_1223 : i32 to vector<16xi32>
    %ge3A_1225 = arith.cmpi sge, %get3A_1213, %ge3A_1224 : vector<16xi32>
    %select_n3A_1226 = arith.select %ge3A_1225, %shift_left3A_1217, %broadcast_in_dim3A_10 : vector<16xi1>, vector<16xi32>
    %or3A_1227 = arith.ori %or3A_1210, %select_n3A_1226 : vector<16xi32>
    %get3A_1228 = arith.constant 1152 : index
    %get3A_1229 = tpu.vector_load %arg4[%get3A_1228] {strides = array<i32>} : memref<1568xi32, #tpu.memory_space<vmem>>, vector<16xi32>,
    %get3A_1230 = vector.shape_cast %get3A_1229 : vector<16xi32> to vector<16xi32>
    %and3A_1231 = arith.constant 31 : i32
    %and3A_1232 = vector.broadcast %and3A_1231 : i32 to vector<16xi32>
    %and3A_1233 = arith.andi %get3A_1230, %and3A_1232 : vector<16xi32>
    %shift_left3A_1234 = arith.shli %broadcast_in_dim3A_8, %and3A_1233 : vector<16xi32>
    %lt3A_1235 = arith.constant 32 : i32
    %lt3A_1236 = vector.broadcast %lt3A_1235 : i32 to vector<16xi32>
    %lt3A_1237 = arith.cmpi slt, %get3A_1230, %lt3A_1236 : vector<16xi32>
    %select_n3A_1238 = arith.select %lt3A_1237, %shift_left3A_1234, %broadcast_in_dim3A_10 : vector<16xi1>, vector<16xi32>
    %or3A_1239 = arith.ori %or3A_1222, %select_n3A_1238 : vector<16xi32>
    %ge3A_1240 = arith.constant 32 : i32
    %ge3A_1241 = vector.broadcast %ge3A_1240 : i32 to vector<16xi32>
    %ge3A_1242 = arith.cmpi sge, %get3A_1230, %ge3A_1241 : vector<16xi32>
    %select_n3A_1243 = arith.select %ge3A_1242, %shift_left3A_1234, %broadcast_in_dim3A_10 : vector<16xi1>, vector<16xi32>
    %or3A_1244 = arith.ori %or3A_1227, %select_n3A_1243 : vector<16xi32>
    %get3A_1245 = arith.constant 1168 : index
    %get3A_1246 = tpu.vector_load %arg4[%get3A_1245] {strides = array<i32>} : memref<1568xi32, #tpu.memory_space<vmem>>, vector<16xi32>,
    %get3A_1247 = vector.shape_cast %get3A_1246 : vector<16xi32> to vector<16xi32>
    %and3A_1248 = arith.constant 31 : i32
    %and3A_1249 = vector.broadcast %and3A_1248 : i32 to vector<16xi32>
    %and3A_1250 = arith.andi %get3A_1247, %and3A_1249 : vector<16xi32>
    %shift_left3A_1251 = arith.shli %broadcast_in_dim3A_8, %and3A_1250 : vector<16xi32>
    %lt3A_1252 = arith.constant 32 : i32
    %lt3A_1253 = vector.broadcast %lt3A_1252 : i32 to vector<16xi32>
    %lt3A_1254 = arith.cmpi slt, %get3A_1247, %lt3A_1253 : vector<16xi32>
    %select_n3A_1255 = arith.select %lt3A_1254, %shift_left3A_1251, %broadcast_in_dim3A_10 : vector<16xi1>, vector<16xi32>
    %or3A_1256 = arith.ori %or3A_1239, %select_n3A_1255 : vector<16xi32>
    %ge3A_1257 = arith.constant 32 : i32
    %ge3A_1258 = vector.broadcast %ge3A_1257 : i32 to vector<16xi32>
    %ge3A_1259 = arith.cmpi sge, %get3A_1247, %ge3A_1258 : vector<16xi32>
    %select_n3A_1260 = arith.select %ge3A_1259, %shift_left3A_1251, %broadcast_in_dim3A_10 : vector<16xi1>, vector<16xi32>
    %or3A_1261 = arith.ori %or3A_1244, %select_n3A_1260 : vector<16xi32>
    %get3A_1262 = arith.constant 1184 : index
    %get3A_1263 = tpu.vector_load %arg4[%get3A_1262] {strides = array<i32>} : memref<1568xi32, #tpu.memory_space<vmem>>, vector<16xi32>,
    %get3A_1264 = vector.shape_cast %get3A_1263 : vector<16xi32> to vector<16xi32>
    %and3A_1265 = arith.constant 31 : i32
    %and3A_1266 = vector.broadcast %and3A_1265 : i32 to vector<16xi32>
    %and3A_1267 = arith.andi %get3A_1264, %and3A_1266 : vector<16xi32>
    %shift_left3A_1268 = arith.shli %broadcast_in_dim3A_8, %and3A_1267 : vector<16xi32>
    %lt3A_1269 = arith.constant 32 : i32
    %lt3A_1270 = vector.broadcast %lt3A_1269 : i32 to vector<16xi32>
    %lt3A_1271 = arith.cmpi slt, %get3A_1264, %lt3A_1270 : vector<16xi32>
    %select_n3A_1272 = arith.select %lt3A_1271, %shift_left3A_1268, %broadcast_in_dim3A_10 : vector<16xi1>, vector<16xi32>
    %or3A_1273 = arith.ori %or3A_1256, %select_n3A_1272 : vector<16xi32>
    %ge3A_1274 = arith.constant 32 : i32
    %ge3A_1275 = vector.broadcast %ge3A_1274 : i32 to vector<16xi32>
    %ge3A_1276 = arith.cmpi sge, %get3A_1264, %ge3A_1275 : vector<16xi32>
    %select_n3A_1277 = arith.select %ge3A_1276, %shift_left3A_1268, %broadcast_in_dim3A_10 : vector<16xi1>, vector<16xi32>
    %or3A_1278 = arith.ori %or3A_1261, %select_n3A_1277 : vector<16xi32>
    %get3A_1279 = arith.constant 1200 : index
    %get3A_1280 = tpu.vector_load %arg4[%get3A_1279] {strides = array<i32>} : memref<1568xi32, #tpu.memory_space<vmem>>, vector<16xi32>,
    %get3A_1281 = vector.shape_cast %get3A_1280 : vector<16xi32> to vector<16xi32>
    %and3A_1282 = arith.constant 31 : i32
    %and3A_1283 = vector.broadcast %and3A_1282 : i32 to vector<16xi32>
    %and3A_1284 = arith.andi %get3A_1281, %and3A_1283 : vector<16xi32>
    %shift_left3A_1285 = arith.shli %broadcast_in_dim3A_8, %and3A_1284 : vector<16xi32>
    %lt3A_1286 = arith.constant 32 : i32
    %lt3A_1287 = vector.broadcast %lt3A_1286 : i32 to vector<16xi32>
    %lt3A_1288 = arith.cmpi slt, %get3A_1281, %lt3A_1287 : vector<16xi32>
    %select_n3A_1289 = arith.select %lt3A_1288, %shift_left3A_1285, %broadcast_in_dim3A_10 : vector<16xi1>, vector<16xi32>
    %or3A_1290 = arith.ori %or3A_1273, %select_n3A_1289 : vector<16xi32>
    %ge3A_1291 = arith.constant 32 : i32
    %ge3A_1292 = vector.broadcast %ge3A_1291 : i32 to vector<16xi32>
    %ge3A_1293 = arith.cmpi sge, %get3A_1281, %ge3A_1292 : vector<16xi32>
    %select_n3A_1294 = arith.select %ge3A_1293, %shift_left3A_1285, %broadcast_in_dim3A_10 : vector<16xi1>, vector<16xi32>
    %or3A_1295 = arith.ori %or3A_1278, %select_n3A_1294 : vector<16xi32>
    %get3A_1296 = arith.constant 1216 : index
    %get3A_1297 = tpu.vector_load %arg4[%get3A_1296] {strides = array<i32>} : memref<1568xi32, #tpu.memory_space<vmem>>, vector<16xi32>,
    %get3A_1298 = vector.shape_cast %get3A_1297 : vector<16xi32> to vector<16xi32>
    %and3A_1299 = arith.constant 31 : i32
    %and3A_1300 = vector.broadcast %and3A_1299 : i32 to vector<16xi32>
    %and3A_1301 = arith.andi %get3A_1298, %and3A_1300 : vector<16xi32>
    %shift_left3A_1302 = arith.shli %broadcast_in_dim3A_8, %and3A_1301 : vector<16xi32>
    %lt3A_1303 = arith.constant 32 : i32
    %lt3A_1304 = vector.broadcast %lt3A_1303 : i32 to vector<16xi32>
    %lt3A_1305 = arith.cmpi slt, %get3A_1298, %lt3A_1304 : vector<16xi32>
    %select_n3A_1306 = arith.select %lt3A_1305, %shift_left3A_1302, %broadcast_in_dim3A_10 : vector<16xi1>, vector<16xi32>
    %or3A_1307 = arith.ori %or3A_1290, %select_n3A_1306 : vector<16xi32>
    %ge3A_1308 = arith.constant 32 : i32
    %ge3A_1309 = vector.broadcast %ge3A_1308 : i32 to vector<16xi32>
    %ge3A_1310 = arith.cmpi sge, %get3A_1298, %ge3A_1309 : vector<16xi32>
    %select_n3A_1311 = arith.select %ge3A_1310, %shift_left3A_1302, %broadcast_in_dim3A_10 : vector<16xi1>, vector<16xi32>
    %or3A_1312 = arith.ori %or3A_1295, %select_n3A_1311 : vector<16xi32>
    %get3A_1313 = arith.constant 1232 : index
    %get3A_1314 = tpu.vector_load %arg4[%get3A_1313] {strides = array<i32>} : memref<1568xi32, #tpu.memory_space<vmem>>, vector<16xi32>,
    %get3A_1315 = vector.shape_cast %get3A_1314 : vector<16xi32> to vector<16xi32>
    %and3A_1316 = arith.constant 31 : i32
    %and3A_1317 = vector.broadcast %and3A_1316 : i32 to vector<16xi32>
    %and3A_1318 = arith.andi %get3A_1315, %and3A_1317 : vector<16xi32>
    %shift_left3A_1319 = arith.shli %broadcast_in_dim3A_8, %and3A_1318 : vector<16xi32>
    %lt3A_1320 = arith.constant 32 : i32
    %lt3A_1321 = vector.broadcast %lt3A_1320 : i32 to vector<16xi32>
    %lt3A_1322 = arith.cmpi slt, %get3A_1315, %lt3A_1321 : vector<16xi32>
    %select_n3A_1323 = arith.select %lt3A_1322, %shift_left3A_1319, %broadcast_in_dim3A_10 : vector<16xi1>, vector<16xi32>
    %or3A_1324 = arith.ori %or3A_1307, %select_n3A_1323 : vector<16xi32>
    %ge3A_1325 = arith.constant 32 : i32
    %ge3A_1326 = vector.broadcast %ge3A_1325 : i32 to vector<16xi32>
    %ge3A_1327 = arith.cmpi sge, %get3A_1315, %ge3A_1326 : vector<16xi32>
    %select_n3A_1328 = arith.select %ge3A_1327, %shift_left3A_1319, %broadcast_in_dim3A_10 : vector<16xi1>, vector<16xi32>
    %or3A_1329 = arith.ori %or3A_1312, %select_n3A_1328 : vector<16xi32>
    %get3A_1330 = arith.constant 1248 : index
    %get3A_1331 = tpu.vector_load %arg4[%get3A_1330] {strides = array<i32>} : memref<1568xi32, #tpu.memory_space<vmem>>, vector<16xi32>,
    %get3A_1332 = vector.shape_cast %get3A_1331 : vector<16xi32> to vector<16xi32>
    %and3A_1333 = arith.constant 31 : i32
    %and3A_1334 = vector.broadcast %and3A_1333 : i32 to vector<16xi32>
    %and3A_1335 = arith.andi %get3A_1332, %and3A_1334 : vector<16xi32>
    %shift_left3A_1336 = arith.shli %broadcast_in_dim3A_8, %and3A_1335 : vector<16xi32>
    %lt3A_1337 = arith.constant 32 : i32
    %lt3A_1338 = vector.broadcast %lt3A_1337 : i32 to vector<16xi32>
    %lt3A_1339 = arith.cmpi slt, %get3A_1332, %lt3A_1338 : vector<16xi32>
    %select_n3A_1340 = arith.select %lt3A_1339, %shift_left3A_1336, %broadcast_in_dim3A_10 : vector<16xi1>, vector<16xi32>
    %or3A_1341 = arith.ori %or3A_1324, %select_n3A_1340 : vector<16xi32>
    %ge3A_1342 = arith.constant 32 : i32
    %ge3A_1343 = vector.broadcast %ge3A_1342 : i32 to vector<16xi32>
    %ge3A_1344 = arith.cmpi sge, %get3A_1332, %ge3A_1343 : vector<16xi32>
    %select_n3A_1345 = arith.select %ge3A_1344, %shift_left3A_1336, %broadcast_in_dim3A_10 : vector<16xi1>, vector<16xi32>
    %or3A_1346 = arith.ori %or3A_1329, %select_n3A_1345 : vector<16xi32>
    %get3A_1347 = arith.constant 1264 : index
    %get3A_1348 = tpu.vector_load %arg4[%get3A_1347] {strides = array<i32>} : memref<1568xi32, #tpu.memory_space<vmem>>, vector<16xi32>,
    %get3A_1349 = vector.shape_cast %get3A_1348 : vector<16xi32> to vector<16xi32>
    %and3A_1350 = arith.constant 31 : i32
    %and3A_1351 = vector.broadcast %and3A_1350 : i32 to vector<16xi32>
    %and3A_1352 = arith.andi %get3A_1349, %and3A_1351 : vector<16xi32>
    %shift_left3A_1353 = arith.shli %broadcast_in_dim3A_8, %and3A_1352 : vector<16xi32>
    %lt3A_1354 = arith.constant 32 : i32
    %lt3A_1355 = vector.broadcast %lt3A_1354 : i32 to vector<16xi32>
    %lt3A_1356 = arith.cmpi slt, %get3A_1349, %lt3A_1355 : vector<16xi32>
    %select_n3A_1357 = arith.select %lt3A_1356, %shift_left3A_1353, %broadcast_in_dim3A_10 : vector<16xi1>, vector<16xi32>
    %or3A_1358 = arith.ori %or3A_1341, %select_n3A_1357 : vector<16xi32>
    %ge3A_1359 = arith.constant 32 : i32
    %ge3A_1360 = vector.broadcast %ge3A_1359 : i32 to vector<16xi32>
    %ge3A_1361 = arith.cmpi sge, %get3A_1349, %ge3A_1360 : vector<16xi32>
    %select_n3A_1362 = arith.select %ge3A_1361, %shift_left3A_1353, %broadcast_in_dim3A_10 : vector<16xi1>, vector<16xi32>
    %or3A_1363 = arith.ori %or3A_1346, %select_n3A_1362 : vector<16xi32>
    %get3A_1364 = arith.constant 1280 : index
    %get3A_1365 = tpu.vector_load %arg4[%get3A_1364] {strides = array<i32>} : memref<1568xi32, #tpu.memory_space<vmem>>, vector<16xi32>,
    %get3A_1366 = vector.shape_cast %get3A_1365 : vector<16xi32> to vector<16xi32>
    %and3A_1367 = arith.constant 31 : i32
    %and3A_1368 = vector.broadcast %and3A_1367 : i32 to vector<16xi32>
    %and3A_1369 = arith.andi %get3A_1366, %and3A_1368 : vector<16xi32>
    %shift_left3A_1370 = arith.shli %broadcast_in_dim3A_8, %and3A_1369 : vector<16xi32>
    %lt3A_1371 = arith.constant 32 : i32
    %lt3A_1372 = vector.broadcast %lt3A_1371 : i32 to vector<16xi32>
    %lt3A_1373 = arith.cmpi slt, %get3A_1366, %lt3A_1372 : vector<16xi32>
    %select_n3A_1374 = arith.select %lt3A_1373, %shift_left3A_1370, %broadcast_in_dim3A_10 : vector<16xi1>, vector<16xi32>
    %or3A_1375 = arith.ori %or3A_1358, %select_n3A_1374 : vector<16xi32>
    %ge3A_1376 = arith.constant 32 : i32
    %ge3A_1377 = vector.broadcast %ge3A_1376 : i32 to vector<16xi32>
    %ge3A_1378 = arith.cmpi sge, %get3A_1366, %ge3A_1377 : vector<16xi32>
    %select_n3A_1379 = arith.select %ge3A_1378, %shift_left3A_1370, %broadcast_in_dim3A_10 : vector<16xi1>, vector<16xi32>
    %or3A_1380 = arith.ori %or3A_1363, %select_n3A_1379 : vector<16xi32>
    %get3A_1381 = arith.constant 1296 : index
    %get3A_1382 = tpu.vector_load %arg4[%get3A_1381] {strides = array<i32>} : memref<1568xi32, #tpu.memory_space<vmem>>, vector<16xi32>,
    %get3A_1383 = vector.shape_cast %get3A_1382 : vector<16xi32> to vector<16xi32>
    %and3A_1384 = arith.constant 31 : i32
    %and3A_1385 = vector.broadcast %and3A_1384 : i32 to vector<16xi32>
    %and3A_1386 = arith.andi %get3A_1383, %and3A_1385 : vector<16xi32>
    %shift_left3A_1387 = arith.shli %broadcast_in_dim3A_8, %and3A_1386 : vector<16xi32>
    %lt3A_1388 = arith.constant 32 : i32
    %lt3A_1389 = vector.broadcast %lt3A_1388 : i32 to vector<16xi32>
    %lt3A_1390 = arith.cmpi slt, %get3A_1383, %lt3A_1389 : vector<16xi32>
    %select_n3A_1391 = arith.select %lt3A_1390, %shift_left3A_1387, %broadcast_in_dim3A_10 : vector<16xi1>, vector<16xi32>
    %or3A_1392 = arith.ori %or3A_1375, %select_n3A_1391 : vector<16xi32>
    %ge3A_1393 = arith.constant 32 : i32
    %ge3A_1394 = vector.broadcast %ge3A_1393 : i32 to vector<16xi32>
    %ge3A_1395 = arith.cmpi sge, %get3A_1383, %ge3A_1394 : vector<16xi32>
    %select_n3A_1396 = arith.select %ge3A_1395, %shift_left3A_1387, %broadcast_in_dim3A_10 : vector<16xi1>, vector<16xi32>
    %or3A_1397 = arith.ori %or3A_1380, %select_n3A_1396 : vector<16xi32>
    %get3A_1398 = arith.constant 1312 : index
    %get3A_1399 = tpu.vector_load %arg4[%get3A_1398] {strides = array<i32>} : memref<1568xi32, #tpu.memory_space<vmem>>, vector<16xi32>,
    %get3A_1400 = vector.shape_cast %get3A_1399 : vector<16xi32> to vector<16xi32>
    %and3A_1401 = arith.constant 31 : i32
    %and3A_1402 = vector.broadcast %and3A_1401 : i32 to vector<16xi32>
    %and3A_1403 = arith.andi %get3A_1400, %and3A_1402 : vector<16xi32>
    %shift_left3A_1404 = arith.shli %broadcast_in_dim3A_8, %and3A_1403 : vector<16xi32>
    %lt3A_1405 = arith.constant 32 : i32
    %lt3A_1406 = vector.broadcast %lt3A_1405 : i32 to vector<16xi32>
    %lt3A_1407 = arith.cmpi slt, %get3A_1400, %lt3A_1406 : vector<16xi32>
    %select_n3A_1408 = arith.select %lt3A_1407, %shift_left3A_1404, %broadcast_in_dim3A_10 : vector<16xi1>, vector<16xi32>
    %or3A_1409 = arith.ori %or3A_1392, %select_n3A_1408 : vector<16xi32>
    %ge3A_1410 = arith.constant 32 : i32
    %ge3A_1411 = vector.broadcast %ge3A_1410 : i32 to vector<16xi32>
    %ge3A_1412 = arith.cmpi sge, %get3A_1400, %ge3A_1411 : vector<16xi32>
    %select_n3A_1413 = arith.select %ge3A_1412, %shift_left3A_1404, %broadcast_in_dim3A_10 : vector<16xi1>, vector<16xi32>
    %or3A_1414 = arith.ori %or3A_1397, %select_n3A_1413 : vector<16xi32>
    %get3A_1415 = arith.constant 1328 : index
    %get3A_1416 = tpu.vector_load %arg4[%get3A_1415] {strides = array<i32>} : memref<1568xi32, #tpu.memory_space<vmem>>, vector<16xi32>,
    %get3A_1417 = vector.shape_cast %get3A_1416 : vector<16xi32> to vector<16xi32>
    %and3A_1418 = arith.constant 31 : i32
    %and3A_1419 = vector.broadcast %and3A_1418 : i32 to vector<16xi32>
    %and3A_1420 = arith.andi %get3A_1417, %and3A_1419 : vector<16xi32>
    %shift_left3A_1421 = arith.shli %broadcast_in_dim3A_8, %and3A_1420 : vector<16xi32>
    %lt3A_1422 = arith.constant 32 : i32
    %lt3A_1423 = vector.broadcast %lt3A_1422 : i32 to vector<16xi32>
    %lt3A_1424 = arith.cmpi slt, %get3A_1417, %lt3A_1423 : vector<16xi32>
    %select_n3A_1425 = arith.select %lt3A_1424, %shift_left3A_1421, %broadcast_in_dim3A_10 : vector<16xi1>, vector<16xi32>
    %or3A_1426 = arith.ori %or3A_1409, %select_n3A_1425 : vector<16xi32>
    %ge3A_1427 = arith.constant 32 : i32
    %ge3A_1428 = vector.broadcast %ge3A_1427 : i32 to vector<16xi32>
    %ge3A_1429 = arith.cmpi sge, %get3A_1417, %ge3A_1428 : vector<16xi32>
    %select_n3A_1430 = arith.select %ge3A_1429, %shift_left3A_1421, %broadcast_in_dim3A_10 : vector<16xi1>, vector<16xi32>
    %or3A_1431 = arith.ori %or3A_1414, %select_n3A_1430 : vector<16xi32>
    %get3A_1432 = arith.constant 1344 : index
    %get3A_1433 = tpu.vector_load %arg4[%get3A_1432] {strides = array<i32>} : memref<1568xi32, #tpu.memory_space<vmem>>, vector<16xi32>,
    %get3A_1434 = vector.shape_cast %get3A_1433 : vector<16xi32> to vector<16xi32>
    %and3A_1435 = arith.constant 31 : i32
    %and3A_1436 = vector.broadcast %and3A_1435 : i32 to vector<16xi32>
    %and3A_1437 = arith.andi %get3A_1434, %and3A_1436 : vector<16xi32>
    %shift_left3A_1438 = arith.shli %broadcast_in_dim3A_8, %and3A_1437 : vector<16xi32>
    %lt3A_1439 = arith.constant 32 : i32
    %lt3A_1440 = vector.broadcast %lt3A_1439 : i32 to vector<16xi32>
    %lt3A_1441 = arith.cmpi slt, %get3A_1434, %lt3A_1440 : vector<16xi32>
    %select_n3A_1442 = arith.select %lt3A_1441, %shift_left3A_1438, %broadcast_in_dim3A_10 : vector<16xi1>, vector<16xi32>
    %or3A_1443 = arith.ori %or3A_1426, %select_n3A_1442 : vector<16xi32>
    %ge3A_1444 = arith.constant 32 : i32
    %ge3A_1445 = vector.broadcast %ge3A_1444 : i32 to vector<16xi32>
    %ge3A_1446 = arith.cmpi sge, %get3A_1434, %ge3A_1445 : vector<16xi32>
    %select_n3A_1447 = arith.select %ge3A_1446, %shift_left3A_1438, %broadcast_in_dim3A_10 : vector<16xi1>, vector<16xi32>
    %or3A_1448 = arith.ori %or3A_1431, %select_n3A_1447 : vector<16xi32>
    %get3A_1449 = arith.constant 1360 : index
    %get3A_1450 = tpu.vector_load %arg4[%get3A_1449] {strides = array<i32>} : memref<1568xi32, #tpu.memory_space<vmem>>, vector<16xi32>,
    %get3A_1451 = vector.shape_cast %get3A_1450 : vector<16xi32> to vector<16xi32>
    %and3A_1452 = arith.constant 31 : i32
    %and3A_1453 = vector.broadcast %and3A_1452 : i32 to vector<16xi32>
    %and3A_1454 = arith.andi %get3A_1451, %and3A_1453 : vector<16xi32>
    %shift_left3A_1455 = arith.shli %broadcast_in_dim3A_8, %and3A_1454 : vector<16xi32>
    %lt3A_1456 = arith.constant 32 : i32
    %lt3A_1457 = vector.broadcast %lt3A_1456 : i32 to vector<16xi32>
    %lt3A_1458 = arith.cmpi slt, %get3A_1451, %lt3A_1457 : vector<16xi32>
    %select_n3A_1459 = arith.select %lt3A_1458, %shift_left3A_1455, %broadcast_in_dim3A_10 : vector<16xi1>, vector<16xi32>
    %or3A_1460 = arith.ori %or3A_1443, %select_n3A_1459 : vector<16xi32>
    %ge3A_1461 = arith.constant 32 : i32
    %ge3A_1462 = vector.broadcast %ge3A_1461 : i32 to vector<16xi32>
    %ge3A_1463 = arith.cmpi sge, %get3A_1451, %ge3A_1462 : vector<16xi32>
    %select_n3A_1464 = arith.select %ge3A_1463, %shift_left3A_1455, %broadcast_in_dim3A_10 : vector<16xi1>, vector<16xi32>
    %or3A_1465 = arith.ori %or3A_1448, %select_n3A_1464 : vector<16xi32>
    %get3A_1466 = arith.constant 1376 : index
    %get3A_1467 = tpu.vector_load %arg4[%get3A_1466] {strides = array<i32>} : memref<1568xi32, #tpu.memory_space<vmem>>, vector<16xi32>,
    %get3A_1468 = vector.shape_cast %get3A_1467 : vector<16xi32> to vector<16xi32>
    %and3A_1469 = arith.constant 31 : i32
    %and3A_1470 = vector.broadcast %and3A_1469 : i32 to vector<16xi32>
    %and3A_1471 = arith.andi %get3A_1468, %and3A_1470 : vector<16xi32>
    %shift_left3A_1472 = arith.shli %broadcast_in_dim3A_8, %and3A_1471 : vector<16xi32>
    %lt3A_1473 = arith.constant 32 : i32
    %lt3A_1474 = vector.broadcast %lt3A_1473 : i32 to vector<16xi32>
    %lt3A_1475 = arith.cmpi slt, %get3A_1468, %lt3A_1474 : vector<16xi32>
    %select_n3A_1476 = arith.select %lt3A_1475, %shift_left3A_1472, %broadcast_in_dim3A_10 : vector<16xi1>, vector<16xi32>
    %or3A_1477 = arith.ori %or3A_1460, %select_n3A_1476 : vector<16xi32>
    %ge3A_1478 = arith.constant 32 : i32
    %ge3A_1479 = vector.broadcast %ge3A_1478 : i32 to vector<16xi32>
    %ge3A_1480 = arith.cmpi sge, %get3A_1468, %ge3A_1479 : vector<16xi32>
    %select_n3A_1481 = arith.select %ge3A_1480, %shift_left3A_1472, %broadcast_in_dim3A_10 : vector<16xi1>, vector<16xi32>
    %or3A_1482 = arith.ori %or3A_1465, %select_n3A_1481 : vector<16xi32>
    %get3A_1483 = arith.constant 1392 : index
    %get3A_1484 = tpu.vector_load %arg4[%get3A_1483] {strides = array<i32>} : memref<1568xi32, #tpu.memory_space<vmem>>, vector<16xi32>,
    %get3A_1485 = vector.shape_cast %get3A_1484 : vector<16xi32> to vector<16xi32>
    %and3A_1486 = arith.constant 31 : i32
    %and3A_1487 = vector.broadcast %and3A_1486 : i32 to vector<16xi32>
    %and3A_1488 = arith.andi %get3A_1485, %and3A_1487 : vector<16xi32>
    %shift_left3A_1489 = arith.shli %broadcast_in_dim3A_8, %and3A_1488 : vector<16xi32>
    %lt3A_1490 = arith.constant 32 : i32
    %lt3A_1491 = vector.broadcast %lt3A_1490 : i32 to vector<16xi32>
    %lt3A_1492 = arith.cmpi slt, %get3A_1485, %lt3A_1491 : vector<16xi32>
    %select_n3A_1493 = arith.select %lt3A_1492, %shift_left3A_1489, %broadcast_in_dim3A_10 : vector<16xi1>, vector<16xi32>
    %or3A_1494 = arith.ori %or3A_1477, %select_n3A_1493 : vector<16xi32>
    %ge3A_1495 = arith.constant 32 : i32
    %ge3A_1496 = vector.broadcast %ge3A_1495 : i32 to vector<16xi32>
    %ge3A_1497 = arith.cmpi sge, %get3A_1485, %ge3A_1496 : vector<16xi32>
    %select_n3A_1498 = arith.select %ge3A_1497, %shift_left3A_1489, %broadcast_in_dim3A_10 : vector<16xi1>, vector<16xi32>
    %or3A_1499 = arith.ori %or3A_1482, %select_n3A_1498 : vector<16xi32>
    %get3A_1500 = arith.constant 1408 : index
    %get3A_1501 = tpu.vector_load %arg4[%get3A_1500] {strides = array<i32>} : memref<1568xi32, #tpu.memory_space<vmem>>, vector<16xi32>,
    %get3A_1502 = vector.shape_cast %get3A_1501 : vector<16xi32> to vector<16xi32>
    %and3A_1503 = arith.constant 31 : i32
    %and3A_1504 = vector.broadcast %and3A_1503 : i32 to vector<16xi32>
    %and3A_1505 = arith.andi %get3A_1502, %and3A_1504 : vector<16xi32>
    %shift_left3A_1506 = arith.shli %broadcast_in_dim3A_8, %and3A_1505 : vector<16xi32>
    %lt3A_1507 = arith.constant 32 : i32
    %lt3A_1508 = vector.broadcast %lt3A_1507 : i32 to vector<16xi32>
    %lt3A_1509 = arith.cmpi slt, %get3A_1502, %lt3A_1508 : vector<16xi32>
    %select_n3A_1510 = arith.select %lt3A_1509, %shift_left3A_1506, %broadcast_in_dim3A_10 : vector<16xi1>, vector<16xi32>
    %or3A_1511 = arith.ori %or3A_1494, %select_n3A_1510 : vector<16xi32>
    %ge3A_1512 = arith.constant 32 : i32
    %ge3A_1513 = vector.broadcast %ge3A_1512 : i32 to vector<16xi32>
    %ge3A_1514 = arith.cmpi sge, %get3A_1502, %ge3A_1513 : vector<16xi32>
    %select_n3A_1515 = arith.select %ge3A_1514, %shift_left3A_1506, %broadcast_in_dim3A_10 : vector<16xi1>, vector<16xi32>
    %or3A_1516 = arith.ori %or3A_1499, %select_n3A_1515 : vector<16xi32>
    %get3A_1517 = arith.constant 1424 : index
    %get3A_1518 = tpu.vector_load %arg4[%get3A_1517] {strides = array<i32>} : memref<1568xi32, #tpu.memory_space<vmem>>, vector<16xi32>,
    %get3A_1519 = vector.shape_cast %get3A_1518 : vector<16xi32> to vector<16xi32>
    %and3A_1520 = arith.constant 31 : i32
    %and3A_1521 = vector.broadcast %and3A_1520 : i32 to vector<16xi32>
    %and3A_1522 = arith.andi %get3A_1519, %and3A_1521 : vector<16xi32>
    %shift_left3A_1523 = arith.shli %broadcast_in_dim3A_8, %and3A_1522 : vector<16xi32>
    %lt3A_1524 = arith.constant 32 : i32
    %lt3A_1525 = vector.broadcast %lt3A_1524 : i32 to vector<16xi32>
    %lt3A_1526 = arith.cmpi slt, %get3A_1519, %lt3A_1525 : vector<16xi32>
    %select_n3A_1527 = arith.select %lt3A_1526, %shift_left3A_1523, %broadcast_in_dim3A_10 : vector<16xi1>, vector<16xi32>
    %or3A_1528 = arith.ori %or3A_1511, %select_n3A_1527 : vector<16xi32>
    %ge3A_1529 = arith.constant 32 : i32
    %ge3A_1530 = vector.broadcast %ge3A_1529 : i32 to vector<16xi32>
    %ge3A_1531 = arith.cmpi sge, %get3A_1519, %ge3A_1530 : vector<16xi32>
    %select_n3A_1532 = arith.select %ge3A_1531, %shift_left3A_1523, %broadcast_in_dim3A_10 : vector<16xi1>, vector<16xi32>
    %or3A_1533 = arith.ori %or3A_1516, %select_n3A_1532 : vector<16xi32>
    %get3A_1534 = arith.constant 1440 : index
    %get3A_1535 = tpu.vector_load %arg4[%get3A_1534] {strides = array<i32>} : memref<1568xi32, #tpu.memory_space<vmem>>, vector<16xi32>,
    %get3A_1536 = vector.shape_cast %get3A_1535 : vector<16xi32> to vector<16xi32>
    %and3A_1537 = arith.constant 31 : i32
    %and3A_1538 = vector.broadcast %and3A_1537 : i32 to vector<16xi32>
    %and3A_1539 = arith.andi %get3A_1536, %and3A_1538 : vector<16xi32>
    %shift_left3A_1540 = arith.shli %broadcast_in_dim3A_8, %and3A_1539 : vector<16xi32>
    %lt3A_1541 = arith.constant 32 : i32
    %lt3A_1542 = vector.broadcast %lt3A_1541 : i32 to vector<16xi32>
    %lt3A_1543 = arith.cmpi slt, %get3A_1536, %lt3A_1542 : vector<16xi32>
    %select_n3A_1544 = arith.select %lt3A_1543, %shift_left3A_1540, %broadcast_in_dim3A_10 : vector<16xi1>, vector<16xi32>
    %or3A_1545 = arith.ori %or3A_1528, %select_n3A_1544 : vector<16xi32>
    %ge3A_1546 = arith.constant 32 : i32
    %ge3A_1547 = vector.broadcast %ge3A_1546 : i32 to vector<16xi32>
    %ge3A_1548 = arith.cmpi sge, %get3A_1536, %ge3A_1547 : vector<16xi32>
    %select_n3A_1549 = arith.select %ge3A_1548, %shift_left3A_1540, %broadcast_in_dim3A_10 : vector<16xi1>, vector<16xi32>
    %or3A_1550 = arith.ori %or3A_1533, %select_n3A_1549 : vector<16xi32>
    %get3A_1551 = arith.constant 1456 : index
    %get3A_1552 = tpu.vector_load %arg4[%get3A_1551] {strides = array<i32>} : memref<1568xi32, #tpu.memory_space<vmem>>, vector<16xi32>,
    %get3A_1553 = vector.shape_cast %get3A_1552 : vector<16xi32> to vector<16xi32>
    %and3A_1554 = arith.constant 31 : i32
    %and3A_1555 = vector.broadcast %and3A_1554 : i32 to vector<16xi32>
    %and3A_1556 = arith.andi %get3A_1553, %and3A_1555 : vector<16xi32>
    %shift_left3A_1557 = arith.shli %broadcast_in_dim3A_8, %and3A_1556 : vector<16xi32>
    %lt3A_1558 = arith.constant 32 : i32
    %lt3A_1559 = vector.broadcast %lt3A_1558 : i32 to vector<16xi32>
    %lt3A_1560 = arith.cmpi slt, %get3A_1553, %lt3A_1559 : vector<16xi32>
    %select_n3A_1561 = arith.select %lt3A_1560, %shift_left3A_1557, %broadcast_in_dim3A_10 : vector<16xi1>, vector<16xi32>
    %or3A_1562 = arith.ori %or3A_1545, %select_n3A_1561 : vector<16xi32>
    %ge3A_1563 = arith.constant 32 : i32
    %ge3A_1564 = vector.broadcast %ge3A_1563 : i32 to vector<16xi32>
    %ge3A_1565 = arith.cmpi sge, %get3A_1553, %ge3A_1564 : vector<16xi32>
    %select_n3A_1566 = arith.select %ge3A_1565, %shift_left3A_1557, %broadcast_in_dim3A_10 : vector<16xi1>, vector<16xi32>
    %or3A_1567 = arith.ori %or3A_1550, %select_n3A_1566 : vector<16xi32>
    %get3A_1568 = arith.constant 1472 : index
    %get3A_1569 = tpu.vector_load %arg4[%get3A_1568] {strides = array<i32>} : memref<1568xi32, #tpu.memory_space<vmem>>, vector<16xi32>,
    %get3A_1570 = vector.shape_cast %get3A_1569 : vector<16xi32> to vector<16xi32>
    %and3A_1571 = arith.constant 31 : i32
    %and3A_1572 = vector.broadcast %and3A_1571 : i32 to vector<16xi32>
    %and3A_1573 = arith.andi %get3A_1570, %and3A_1572 : vector<16xi32>
    %shift_left3A_1574 = arith.shli %broadcast_in_dim3A_8, %and3A_1573 : vector<16xi32>
    %lt3A_1575 = arith.constant 32 : i32
    %lt3A_1576 = vector.broadcast %lt3A_1575 : i32 to vector<16xi32>
    %lt3A_1577 = arith.cmpi slt, %get3A_1570, %lt3A_1576 : vector<16xi32>
    %select_n3A_1578 = arith.select %lt3A_1577, %shift_left3A_1574, %broadcast_in_dim3A_10 : vector<16xi1>, vector<16xi32>
    %or3A_1579 = arith.ori %or3A_1562, %select_n3A_1578 : vector<16xi32>
    %ge3A_1580 = arith.constant 32 : i32
    %ge3A_1581 = vector.broadcast %ge3A_1580 : i32 to vector<16xi32>
    %ge3A_1582 = arith.cmpi sge, %get3A_1570, %ge3A_1581 : vector<16xi32>
    %select_n3A_1583 = arith.select %ge3A_1582, %shift_left3A_1574, %broadcast_in_dim3A_10 : vector<16xi1>, vector<16xi32>
    %or3A_1584 = arith.ori %or3A_1567, %select_n3A_1583 : vector<16xi32>
    %get3A_1585 = arith.constant 1488 : index
    %get3A_1586 = tpu.vector_load %arg4[%get3A_1585] {strides = array<i32>} : memref<1568xi32, #tpu.memory_space<vmem>>, vector<16xi32>,
    %get3A_1587 = vector.shape_cast %get3A_1586 : vector<16xi32> to vector<16xi32>
    %and3A_1588 = arith.constant 31 : i32
    %and3A_1589 = vector.broadcast %and3A_1588 : i32 to vector<16xi32>
    %and3A_1590 = arith.andi %get3A_1587, %and3A_1589 : vector<16xi32>
    %shift_left3A_1591 = arith.shli %broadcast_in_dim3A_8, %and3A_1590 : vector<16xi32>
    %lt3A_1592 = arith.constant 32 : i32
    %lt3A_1593 = vector.broadcast %lt3A_1592 : i32 to vector<16xi32>
    %lt3A_1594 = arith.cmpi slt, %get3A_1587, %lt3A_1593 : vector<16xi32>
    %select_n3A_1595 = arith.select %lt3A_1594, %shift_left3A_1591, %broadcast_in_dim3A_10 : vector<16xi1>, vector<16xi32>
    %or3A_1596 = arith.ori %or3A_1579, %select_n3A_1595 : vector<16xi32>
    %ge3A_1597 = arith.constant 32 : i32
    %ge3A_1598 = vector.broadcast %ge3A_1597 : i32 to vector<16xi32>
    %ge3A_1599 = arith.cmpi sge, %get3A_1587, %ge3A_1598 : vector<16xi32>
    %select_n3A_1600 = arith.select %ge3A_1599, %shift_left3A_1591, %broadcast_in_dim3A_10 : vector<16xi1>, vector<16xi32>
    %or3A_1601 = arith.ori %or3A_1584, %select_n3A_1600 : vector<16xi32>
    %get3A_1602 = arith.constant 1504 : index
    %get3A_1603 = tpu.vector_load %arg4[%get3A_1602] {strides = array<i32>} : memref<1568xi32, #tpu.memory_space<vmem>>, vector<16xi32>,
    %get3A_1604 = vector.shape_cast %get3A_1603 : vector<16xi32> to vector<16xi32>
    %and3A_1605 = arith.constant 31 : i32
    %and3A_1606 = vector.broadcast %and3A_1605 : i32 to vector<16xi32>
    %and3A_1607 = arith.andi %get3A_1604, %and3A_1606 : vector<16xi32>
    %shift_left3A_1608 = arith.shli %broadcast_in_dim3A_8, %and3A_1607 : vector<16xi32>
    %lt3A_1609 = arith.constant 32 : i32
    %lt3A_1610 = vector.broadcast %lt3A_1609 : i32 to vector<16xi32>
    %lt3A_1611 = arith.cmpi slt, %get3A_1604, %lt3A_1610 : vector<16xi32>
    %select_n3A_1612 = arith.select %lt3A_1611, %shift_left3A_1608, %broadcast_in_dim3A_10 : vector<16xi1>, vector<16xi32>
    %or3A_1613 = arith.ori %or3A_1596, %select_n3A_1612 : vector<16xi32>
    %ge3A_1614 = arith.constant 32 : i32
    %ge3A_1615 = vector.broadcast %ge3A_1614 : i32 to vector<16xi32>
    %ge3A_1616 = arith.cmpi sge, %get3A_1604, %ge3A_1615 : vector<16xi32>
    %select_n3A_1617 = arith.select %ge3A_1616, %shift_left3A_1608, %broadcast_in_dim3A_10 : vector<16xi1>, vector<16xi32>
    %or3A_1618 = arith.ori %or3A_1601, %select_n3A_1617 : vector<16xi32>
    %get3A_1619 = arith.constant 1520 : index
    %get3A_1620 = tpu.vector_load %arg4[%get3A_1619] {strides = array<i32>} : memref<1568xi32, #tpu.memory_space<vmem>>, vector<16xi32>,
    %get3A_1621 = vector.shape_cast %get3A_1620 : vector<16xi32> to vector<16xi32>
    %and3A_1622 = arith.constant 31 : i32
    %and3A_1623 = vector.broadcast %and3A_1622 : i32 to vector<16xi32>
    %and3A_1624 = arith.andi %get3A_1621, %and3A_1623 : vector<16xi32>
    %shift_left3A_1625 = arith.shli %broadcast_in_dim3A_8, %and3A_1624 : vector<16xi32>
    %lt3A_1626 = arith.constant 32 : i32
    %lt3A_1627 = vector.broadcast %lt3A_1626 : i32 to vector<16xi32>
    %lt3A_1628 = arith.cmpi slt, %get3A_1621, %lt3A_1627 : vector<16xi32>
    %select_n3A_1629 = arith.select %lt3A_1628, %shift_left3A_1625, %broadcast_in_dim3A_10 : vector<16xi1>, vector<16xi32>
    %or3A_1630 = arith.ori %or3A_1613, %select_n3A_1629 : vector<16xi32>
    %ge3A_1631 = arith.constant 32 : i32
    %ge3A_1632 = vector.broadcast %ge3A_1631 : i32 to vector<16xi32>
    %ge3A_1633 = arith.cmpi sge, %get3A_1621, %ge3A_1632 : vector<16xi32>
    %select_n3A_1634 = arith.select %ge3A_1633, %shift_left3A_1625, %broadcast_in_dim3A_10 : vector<16xi1>, vector<16xi32>
    %or3A_1635 = arith.ori %or3A_1618, %select_n3A_1634 : vector<16xi32>
    %get3A_1636 = arith.constant 1536 : index
    %get3A_1637 = tpu.vector_load %arg4[%get3A_1636] {strides = array<i32>} : memref<1568xi32, #tpu.memory_space<vmem>>, vector<16xi32>,
    %get3A_1638 = vector.shape_cast %get3A_1637 : vector<16xi32> to vector<16xi32>
    %and3A_1639 = arith.constant 31 : i32
    %and3A_1640 = vector.broadcast %and3A_1639 : i32 to vector<16xi32>
    %and3A_1641 = arith.andi %get3A_1638, %and3A_1640 : vector<16xi32>
    %shift_left3A_1642 = arith.shli %broadcast_in_dim3A_8, %and3A_1641 : vector<16xi32>
    %lt3A_1643 = arith.constant 32 : i32
    %lt3A_1644 = vector.broadcast %lt3A_1643 : i32 to vector<16xi32>
    %lt3A_1645 = arith.cmpi slt, %get3A_1638, %lt3A_1644 : vector<16xi32>
    %select_n3A_1646 = arith.select %lt3A_1645, %shift_left3A_1642, %broadcast_in_dim3A_10 : vector<16xi1>, vector<16xi32>
    %or3A_1647 = arith.ori %or3A_1630, %select_n3A_1646 : vector<16xi32>
    %ge3A_1648 = arith.constant 32 : i32
    %ge3A_1649 = vector.broadcast %ge3A_1648 : i32 to vector<16xi32>
    %ge3A_1650 = arith.cmpi sge, %get3A_1638, %ge3A_1649 : vector<16xi32>
    %select_n3A_1651 = arith.select %ge3A_1650, %shift_left3A_1642, %broadcast_in_dim3A_10 : vector<16xi1>, vector<16xi32>
    %or3A_1652 = arith.ori %or3A_1635, %select_n3A_1651 : vector<16xi32>
    %get3A_1653 = arith.constant 1552 : index
    %get3A_1654 = tpu.vector_load %arg4[%get3A_1653] {strides = array<i32>} : memref<1568xi32, #tpu.memory_space<vmem>>, vector<16xi32>,
    %get3A_1655 = vector.shape_cast %get3A_1654 : vector<16xi32> to vector<16xi32>
    %and3A_1656 = arith.constant 31 : i32
    %and3A_1657 = vector.broadcast %and3A_1656 : i32 to vector<16xi32>
    %and3A_1658 = arith.andi %get3A_1655, %and3A_1657 : vector<16xi32>
    %shift_left3A_1659 = arith.shli %broadcast_in_dim3A_8, %and3A_1658 : vector<16xi32>
    %lt3A_1660 = arith.constant 32 : i32
    %lt3A_1661 = vector.broadcast %lt3A_1660 : i32 to vector<16xi32>
    %lt3A_1662 = arith.cmpi slt, %get3A_1655, %lt3A_1661 : vector<16xi32>
    %select_n3A_1663 = arith.select %lt3A_1662, %shift_left3A_1659, %broadcast_in_dim3A_10 : vector<16xi1>, vector<16xi32>
    %or3A_1664 = arith.ori %or3A_1647, %select_n3A_1663 : vector<16xi32>
    %ge3A_1665 = arith.constant 32 : i32
    %ge3A_1666 = vector.broadcast %ge3A_1665 : i32 to vector<16xi32>
    %ge3A_1667 = arith.cmpi sge, %get3A_1655, %ge3A_1666 : vector<16xi32>
    %select_n3A_1668 = arith.select %ge3A_1667, %shift_left3A_1659, %broadcast_in_dim3A_10 : vector<16xi1>, vector<16xi32>
    %or3A_1669 = arith.ori %or3A_1652, %select_n3A_1668 : vector<16xi32>
    %swap3A = arith.constant 0 : index
    %swap3A_1670 = tpu.vector_load %arg4[%swap3A] {strides = array<i32>} : memref<1568xi32, #tpu.memory_space<vmem>>, vector<16xi32>,
    %swap3A_1671 = vector.shape_cast %swap3A_1670 : vector<16xi32> to vector<16xi32>
    %swap3A_1672 = vector.shape_cast %or3A_1664 : vector<16xi32> to vector<16xi32>
    tpu.vector_store %arg4[%swap3A], %swap3A_1672 {strides = array<i32>} : memref<1568xi32, #tpu.memory_space<vmem>>, vector<16xi32>,
    %swap3A_1673 = arith.constant 16 : index
    %swap3A_1674 = tpu.vector_load %arg4[%swap3A_1673] {strides = array<i32>} : memref<1568xi32, #tpu.memory_space<vmem>>, vector<16xi32>,
    %swap3A_1675 = vector.shape_cast %swap3A_1674 : vector<16xi32> to vector<16xi32>
    %swap3A_1676 = vector.shape_cast %or3A_1669 : vector<16xi32> to vector<16xi32>
    tpu.vector_store %arg4[%swap3A_1673], %swap3A_1676 {strides = array<i32>} : memref<1568xi32, #tpu.memory_space<vmem>>, vector<16xi32>,
    %broadcast_in_dim3A_1677 = arith.constant 0 : i32
    %broadcast_in_dim3A_1678 = vector.broadcast %broadcast_in_dim3A_1677 : i32 to vector<16xi32>
    %swap3A_1679 = arith.constant 32 : index
    %swap3A_1680 = tpu.vector_load %arg4[%swap3A_1679] {strides = array<i32>} : memref<1568xi32, #tpu.memory_space<vmem>>, vector<16xi32>,
    %swap3A_1681 = vector.shape_cast %swap3A_1680 : vector<16xi32> to vector<16xi32>
    %swap3A_1682 = vector.shape_cast %broadcast_in_dim3A_1678 : vector<16xi32> to vector<16xi32>
    tpu.vector_store %arg4[%swap3A_1679], %swap3A_1682 {strides = array<i32>} : memref<1568xi32, #tpu.memory_space<vmem>>, vector<16xi32>,
    %swap3A_1683 = arith.constant 48 : index
    %swap3A_1684 = tpu.vector_load %arg4[%swap3A_1683] {strides = array<i32>} : memref<1568xi32, #tpu.memory_space<vmem>>, vector<16xi32>,
    %swap3A_1685 = vector.shape_cast %swap3A_1684 : vector<16xi32> to vector<16xi32>
    %swap3A_1686 = vector.shape_cast %broadcast_in_dim3A_1678 : vector<16xi32> to vector<16xi32>
    tpu.vector_store %arg4[%swap3A_1683], %swap3A_1686 {strides = array<i32>} : memref<1568xi32, #tpu.memory_space<vmem>>, vector<16xi32>,
    %swap3A_1687 = arith.constant 64 : index
    %swap3A_1688 = tpu.vector_load %arg4[%swap3A_1687] {strides = array<i32>} : memref<1568xi32, #tpu.memory_space<vmem>>, vector<16xi32>,
    %swap3A_1689 = vector.shape_cast %swap3A_1688 : vector<16xi32> to vector<16xi32>
    %swap3A_1690 = vector.shape_cast %broadcast_in_dim3A_1678 : vector<16xi32> to vector<16xi32>
    tpu.vector_store %arg4[%swap3A_1687], %swap3A_1690 {strides = array<i32>} : memref<1568xi32, #tpu.memory_space<vmem>>, vector<16xi32>,
    %swap3A_1691 = arith.constant 80 : index
    %swap3A_1692 = tpu.vector_load %arg4[%swap3A_1691] {strides = array<i32>} : memref<1568xi32, #tpu.memory_space<vmem>>, vector<16xi32>,
    %swap3A_1693 = vector.shape_cast %swap3A_1692 : vector<16xi32> to vector<16xi32>
    %swap3A_1694 = vector.shape_cast %broadcast_in_dim3A_1678 : vector<16xi32> to vector<16xi32>
    tpu.vector_store %arg4[%swap3A_1691], %swap3A_1694 {strides = array<i32>} : memref<1568xi32, #tpu.memory_space<vmem>>, vector<16xi32>,
    %swap3A_1695 = arith.constant 96 : index
    %swap3A_1696 = tpu.vector_load %arg4[%swap3A_1695] {strides = array<i32>} : memref<1568xi32, #tpu.memory_space<vmem>>, vector<16xi32>,
    %swap3A_1697 = vector.shape_cast %swap3A_1696 : vector<16xi32> to vector<16xi32>
    %swap3A_1698 = vector.shape_cast %broadcast_in_dim3A_1678 : vector<16xi32> to vector<16xi32>
    tpu.vector_store %arg4[%swap3A_1695], %swap3A_1698 {strides = array<i32>} : memref<1568xi32, #tpu.memory_space<vmem>>, vector<16xi32>,
    %swap3A_1699 = arith.constant 112 : index
    %swap3A_1700 = tpu.vector_load %arg4[%swap3A_1699] {strides = array<i32>} : memref<1568xi32, #tpu.memory_space<vmem>>, vector<16xi32>,
    %swap3A_1701 = vector.shape_cast %swap3A_1700 : vector<16xi32> to vector<16xi32>
    %swap3A_1702 = vector.shape_cast %broadcast_in_dim3A_1678 : vector<16xi32> to vector<16xi32>
    tpu.vector_store %arg4[%swap3A_1699], %swap3A_1702 {strides = array<i32>} : memref<1568xi32, #tpu.memory_space<vmem>>, vector<16xi32>,
    "tpu.region"() ({
      %run_scoped3A = tpu.sem_alloc : memref<!tpu.dma_semaphore, #tpu.memory_space<semaphore_mem>>
      %dma_start3A = arith.constant 0 : i32
      %dma_start3A_1703 = tpu.memref_slice %arg4[%dma_start3A] : memref<1568xi32, #tpu.memory_space<vmem>> -> memref<128xi32, #tpu.memory_space<vmem>>
      %dma_start3A_1704 = arith.constant 0 : i32
      %dma_start3A_1705 = tpu.memref_slice %arg3[%add3A, %dma_start3A_1704] : memref<32x128xi32, #tpu.memory_space<hbm>> -> memref<1x128xi32, #tpu.memory_space<hbm>>
      %dma_start3A_1706 = tpu.memref_squeeze %dma_start3A_1705 : memref<1x128xi32, #tpu.memory_space<hbm>> -> memref<128xi32, #tpu.memory_space<hbm>>
      %dma_start3A_1707 = arith.constant 0 : i32
      %dma_start3A_1708 = tpu.memref_slice %arg3[%add3A, %dma_start3A_1707] : memref<32x128xi32, #tpu.memory_space<hbm>> -> memref<1x128xi32, #tpu.memory_space<hbm>>
      %dma_start3A_1709 = tpu.memref_squeeze %dma_start3A_1708 : memref<1x128xi32, #tpu.memory_space<hbm>> -> memref<128xi32, #tpu.memory_space<hbm>>
      %dma_start3A_1710 = arith.constant 0 : i32
      %dma_start3A_1711 = tpu.memref_slice %arg4[%dma_start3A_1710] : memref<1568xi32, #tpu.memory_space<vmem>> -> memref<128xi32, #tpu.memory_space<vmem>>
      tpu.enqueue_dma source(%dma_start3A_1711 : memref<128xi32, #tpu.memory_space<vmem>>) target(%dma_start3A_1709 : memref<128xi32, #tpu.memory_space<hbm>>) target_semaphore(%run_scoped3A : memref<!tpu.dma_semaphore, #tpu.memory_space<semaphore_mem>>)
      %dma_wait3A = arith.constant 0 : i32
      %dma_wait3A_1712 = tpu.memref_slice %arg4[%dma_wait3A] : memref<1568xi32, #tpu.memory_space<vmem>> -> memref<128xi32, #tpu.memory_space<vmem>>
      %dma_wait3A_1713 = arith.constant 0 : i32
      %dma_wait3A_1714 = tpu.memref_slice %arg3[%add3A, %dma_wait3A_1713] : memref<32x128xi32, #tpu.memory_space<hbm>> -> memref<1x128xi32, #tpu.memory_space<hbm>>
      %dma_wait3A_1715 = tpu.memref_squeeze %dma_wait3A_1714 : memref<1x128xi32, #tpu.memory_space<hbm>> -> memref<128xi32, #tpu.memory_space<hbm>>
      %dma_wait3A_1716 = arith.constant 0 : i32
      %dma_wait3A_1717 = tpu.memref_slice %arg3[%add3A, %dma_wait3A_1716] : memref<32x128xi32, #tpu.memory_space<hbm>> -> memref<1x128xi32, #tpu.memory_space<hbm>>
      %dma_wait3A_1718 = tpu.memref_squeeze %dma_wait3A_1717 : memref<1x128xi32, #tpu.memory_space<hbm>> -> memref<128xi32, #tpu.memory_space<hbm>>
      %dma_wait3A_1719 = arith.constant 0 : i32
      %dma_wait3A_1720 = tpu.memref_slice %arg4[%dma_wait3A_1719] : memref<1568xi32, #tpu.memory_space<vmem>> -> memref<128xi32, #tpu.memory_space<vmem>>
      tpu.wait_dma2 semaphore(%run_scoped3A : memref<!tpu.dma_semaphore, #tpu.memory_space<semaphore_mem>>) src(%dma_wait3A_1720 : memref<128xi32, #tpu.memory_space<vmem>>) dst(%dma_wait3A_1718 : memref<128xi32, #tpu.memory_space<hbm>>)
      tpu.yield
    }) : () -> ()
    return
  }
}

module attributes {stable_mosaic.version = 14 : i64} {
  func.func @_main_kernel(%arg0: i32, %arg1: memref<2000x128xf32, #tpu.memory_space<vmem>>, %arg2: memref<1x1x2000xi32, #tpu.memory_space<vmem>>, %arg3: memref<32x128xi32, #tpu.memory_space<vmem>>, %arg4: memref<64x128xf32, #tpu.memory_space<vmem>>, %arg5: memref<1x64xf32, #tpu.memory_space<vmem>>, %arg6: memref<5x64xf32, #tpu.memory_space<vmem>>, %arg7: memref<1x5xf32, #tpu.memory_space<vmem>>, %arg8: memref<2000x320xf32, #tpu.memory_space<vmem>>, %arg9: memref<1x1x2000xi32, #tpu.memory_space<vmem>>, %arg10: memref<64x320xf32, #tpu.memory_space<vmem>>, %arg11: memref<64x1xf32, #tpu.memory_space<vmem>>) attributes {dimension_semantics = [#tpu.dimension_semantics<arbitrary>], iteration_bounds = array<i64: 25>, scalar_prefetch = 0 : i64, scratch_operands = 2 : i64, tpu.core_type = #tpu.core_type<tc>, window_params = [{transform_indices = @transform_0, window_bounds = array<i64: 2000, 128>}, {transform_indices = @transform_1, window_bounds = array<i64: 1, 1, 2000>}, {pipeline_mode = #tpu.pipeline_mode<synchronous>, transform_indices = @transform_2, window_bounds = array<i64: 32, 128>}, {pipeline_mode = #tpu.pipeline_mode<synchronous>, transform_indices = @transform_3, window_bounds = array<i64: 64, 128>}, {pipeline_mode = #tpu.pipeline_mode<synchronous>, transform_indices = @transform_4, window_bounds = array<i64: 1, 64>}, {pipeline_mode = #tpu.pipeline_mode<synchronous>, transform_indices = @transform_5, window_bounds = array<i64: 5, 64>}, {pipeline_mode = #tpu.pipeline_mode<synchronous>, transform_indices = @transform_6, window_bounds = array<i64: 1, 5>}, {transform_indices = @transform_7, window_bounds = array<i64: 2000, 320>}, {transform_indices = @transform_8, window_bounds = array<i64: 1, 1, 2000>}]} {
    %eq3A = arith.constant 0 : i32
    %eq3A_0 = arith.cmpi eq, %arg0, %eq3A : i32
    %convert_element_type3A = arith.extui %eq3A_0 : i1 to i32
    %cond3A = arith.constant 0 : i32
    %cond3A_1 = arith.cmpi ne, %convert_element_type3A, %cond3A : i32
    scf.if %cond3A_1 {
      %get3A_98 = arith.constant 0 : index
      %get3A_99 = arith.constant 0 : index
      %get3A_100 = vector.load %arg3[%get3A_98, %get3A_99] : memref<32x128xi32, #tpu.memory_space<vmem>>, vector<32x128xi32>
      %slice3A = vector.extract_strided_slice %get3A_100 {offsets = [0, 0], sizes = [1, 128], strides = [1, 1]} : vector<32x128xi32> to vector<1x128xi32>
      %slice3A_101 = vector.extract_strided_slice %get3A_100 {offsets = [1, 0], sizes = [1, 128], strides = [1, 1]} : vector<32x128xi32> to vector<1x128xi32>
      %or3A = arith.ori %slice3A, %slice3A_101 : vector<1x128xi32>
      %slice3A_102 = vector.extract_strided_slice %get3A_100 {offsets = [2, 0], sizes = [1, 128], strides = [1, 1]} : vector<32x128xi32> to vector<1x128xi32>
      %or3A_103 = arith.ori %or3A, %slice3A_102 : vector<1x128xi32>
      %slice3A_104 = vector.extract_strided_slice %get3A_100 {offsets = [3, 0], sizes = [1, 128], strides = [1, 1]} : vector<32x128xi32> to vector<1x128xi32>
      %or3A_105 = arith.ori %or3A_103, %slice3A_104 : vector<1x128xi32>
      %slice3A_106 = vector.extract_strided_slice %get3A_100 {offsets = [4, 0], sizes = [1, 128], strides = [1, 1]} : vector<32x128xi32> to vector<1x128xi32>
      %or3A_107 = arith.ori %or3A_105, %slice3A_106 : vector<1x128xi32>
      %slice3A_108 = vector.extract_strided_slice %get3A_100 {offsets = [5, 0], sizes = [1, 128], strides = [1, 1]} : vector<32x128xi32> to vector<1x128xi32>
      %or3A_109 = arith.ori %or3A_107, %slice3A_108 : vector<1x128xi32>
      %slice3A_110 = vector.extract_strided_slice %get3A_100 {offsets = [6, 0], sizes = [1, 128], strides = [1, 1]} : vector<32x128xi32> to vector<1x128xi32>
      %or3A_111 = arith.ori %or3A_109, %slice3A_110 : vector<1x128xi32>
      %slice3A_112 = vector.extract_strided_slice %get3A_100 {offsets = [7, 0], sizes = [1, 128], strides = [1, 1]} : vector<32x128xi32> to vector<1x128xi32>
      %or3A_113 = arith.ori %or3A_111, %slice3A_112 : vector<1x128xi32>
      %slice3A_114 = vector.extract_strided_slice %get3A_100 {offsets = [8, 0], sizes = [1, 128], strides = [1, 1]} : vector<32x128xi32> to vector<1x128xi32>
      %or3A_115 = arith.ori %or3A_113, %slice3A_114 : vector<1x128xi32>
      %slice3A_116 = vector.extract_strided_slice %get3A_100 {offsets = [9, 0], sizes = [1, 128], strides = [1, 1]} : vector<32x128xi32> to vector<1x128xi32>
      %or3A_117 = arith.ori %or3A_115, %slice3A_116 : vector<1x128xi32>
      %slice3A_118 = vector.extract_strided_slice %get3A_100 {offsets = [10, 0], sizes = [1, 128], strides = [1, 1]} : vector<32x128xi32> to vector<1x128xi32>
      %or3A_119 = arith.ori %or3A_117, %slice3A_118 : vector<1x128xi32>
      %slice3A_120 = vector.extract_strided_slice %get3A_100 {offsets = [11, 0], sizes = [1, 128], strides = [1, 1]} : vector<32x128xi32> to vector<1x128xi32>
      %or3A_121 = arith.ori %or3A_119, %slice3A_120 : vector<1x128xi32>
      %slice3A_122 = vector.extract_strided_slice %get3A_100 {offsets = [12, 0], sizes = [1, 128], strides = [1, 1]} : vector<32x128xi32> to vector<1x128xi32>
      %or3A_123 = arith.ori %or3A_121, %slice3A_122 : vector<1x128xi32>
      %slice3A_124 = vector.extract_strided_slice %get3A_100 {offsets = [13, 0], sizes = [1, 128], strides = [1, 1]} : vector<32x128xi32> to vector<1x128xi32>
      %or3A_125 = arith.ori %or3A_123, %slice3A_124 : vector<1x128xi32>
      %slice3A_126 = vector.extract_strided_slice %get3A_100 {offsets = [14, 0], sizes = [1, 128], strides = [1, 1]} : vector<32x128xi32> to vector<1x128xi32>
      %or3A_127 = arith.ori %or3A_125, %slice3A_126 : vector<1x128xi32>
      %slice3A_128 = vector.extract_strided_slice %get3A_100 {offsets = [15, 0], sizes = [1, 128], strides = [1, 1]} : vector<32x128xi32> to vector<1x128xi32>
      %or3A_129 = arith.ori %or3A_127, %slice3A_128 : vector<1x128xi32>
      %slice3A_130 = vector.extract_strided_slice %get3A_100 {offsets = [16, 0], sizes = [1, 128], strides = [1, 1]} : vector<32x128xi32> to vector<1x128xi32>
      %or3A_131 = arith.ori %or3A_129, %slice3A_130 : vector<1x128xi32>
      %slice3A_132 = vector.extract_strided_slice %get3A_100 {offsets = [17, 0], sizes = [1, 128], strides = [1, 1]} : vector<32x128xi32> to vector<1x128xi32>
      %or3A_133 = arith.ori %or3A_131, %slice3A_132 : vector<1x128xi32>
      %slice3A_134 = vector.extract_strided_slice %get3A_100 {offsets = [18, 0], sizes = [1, 128], strides = [1, 1]} : vector<32x128xi32> to vector<1x128xi32>
      %or3A_135 = arith.ori %or3A_133, %slice3A_134 : vector<1x128xi32>
      %slice3A_136 = vector.extract_strided_slice %get3A_100 {offsets = [19, 0], sizes = [1, 128], strides = [1, 1]} : vector<32x128xi32> to vector<1x128xi32>
      %or3A_137 = arith.ori %or3A_135, %slice3A_136 : vector<1x128xi32>
      %slice3A_138 = vector.extract_strided_slice %get3A_100 {offsets = [20, 0], sizes = [1, 128], strides = [1, 1]} : vector<32x128xi32> to vector<1x128xi32>
      %or3A_139 = arith.ori %or3A_137, %slice3A_138 : vector<1x128xi32>
      %slice3A_140 = vector.extract_strided_slice %get3A_100 {offsets = [21, 0], sizes = [1, 128], strides = [1, 1]} : vector<32x128xi32> to vector<1x128xi32>
      %or3A_141 = arith.ori %or3A_139, %slice3A_140 : vector<1x128xi32>
      %slice3A_142 = vector.extract_strided_slice %get3A_100 {offsets = [22, 0], sizes = [1, 128], strides = [1, 1]} : vector<32x128xi32> to vector<1x128xi32>
      %or3A_143 = arith.ori %or3A_141, %slice3A_142 : vector<1x128xi32>
      %slice3A_144 = vector.extract_strided_slice %get3A_100 {offsets = [23, 0], sizes = [1, 128], strides = [1, 1]} : vector<32x128xi32> to vector<1x128xi32>
      %or3A_145 = arith.ori %or3A_143, %slice3A_144 : vector<1x128xi32>
      %slice3A_146 = vector.extract_strided_slice %get3A_100 {offsets = [24, 0], sizes = [1, 128], strides = [1, 1]} : vector<32x128xi32> to vector<1x128xi32>
      %or3A_147 = arith.ori %or3A_145, %slice3A_146 : vector<1x128xi32>
      %slice3A_148 = vector.extract_strided_slice %get3A_100 {offsets = [25, 0], sizes = [1, 128], strides = [1, 1]} : vector<32x128xi32> to vector<1x128xi32>
      %or3A_149 = arith.ori %or3A_147, %slice3A_148 : vector<1x128xi32>
      %slice3A_150 = vector.extract_strided_slice %get3A_100 {offsets = [26, 0], sizes = [1, 128], strides = [1, 1]} : vector<32x128xi32> to vector<1x128xi32>
      %or3A_151 = arith.ori %or3A_149, %slice3A_150 : vector<1x128xi32>
      %slice3A_152 = vector.extract_strided_slice %get3A_100 {offsets = [27, 0], sizes = [1, 128], strides = [1, 1]} : vector<32x128xi32> to vector<1x128xi32>
      %or3A_153 = arith.ori %or3A_151, %slice3A_152 : vector<1x128xi32>
      %slice3A_154 = vector.extract_strided_slice %get3A_100 {offsets = [28, 0], sizes = [1, 128], strides = [1, 1]} : vector<32x128xi32> to vector<1x128xi32>
      %or3A_155 = arith.ori %or3A_153, %slice3A_154 : vector<1x128xi32>
      %slice3A_156 = vector.extract_strided_slice %get3A_100 {offsets = [29, 0], sizes = [1, 128], strides = [1, 1]} : vector<32x128xi32> to vector<1x128xi32>
      %or3A_157 = arith.ori %or3A_155, %slice3A_156 : vector<1x128xi32>
      %slice3A_158 = vector.extract_strided_slice %get3A_100 {offsets = [30, 0], sizes = [1, 128], strides = [1, 1]} : vector<32x128xi32> to vector<1x128xi32>
      %or3A_159 = arith.ori %or3A_157, %slice3A_158 : vector<1x128xi32>
      %slice3A_160 = vector.extract_strided_slice %get3A_100 {offsets = [31, 0], sizes = [1, 128], strides = [1, 1]} : vector<32x128xi32> to vector<1x128xi32>
      %or3A_161 = arith.ori %or3A_159, %slice3A_160 : vector<1x128xi32>
      %slice3A_162 = vector.extract_strided_slice %or3A_161 {offsets = [0, 0], sizes = [1, 16], strides = [1, 1]} : vector<1x128xi32> to vector<1x16xi32>
      %slice3A_163 = vector.extract_strided_slice %or3A_161 {offsets = [0, 16], sizes = [1, 16], strides = [1, 1]} : vector<1x128xi32> to vector<1x16xi32>
      %slice3A_164 = vector.extract_strided_slice %slice3A_162 {offsets = [0, 0], sizes = [1, 8], strides = [1, 1]} : vector<1x16xi32> to vector<1x8xi32>
      %slice3A_165 = vector.extract_strided_slice %slice3A_162 {offsets = [0, 8], sizes = [1, 8], strides = [1, 1]} : vector<1x16xi32> to vector<1x8xi32>
      %or3A_166 = arith.ori %slice3A_164, %slice3A_165 : vector<1x8xi32>
      %slice3A_167 = vector.extract_strided_slice %slice3A_163 {offsets = [0, 0], sizes = [1, 8], strides = [1, 1]} : vector<1x16xi32> to vector<1x8xi32>
      %slice3A_168 = vector.extract_strided_slice %slice3A_163 {offsets = [0, 8], sizes = [1, 8], strides = [1, 1]} : vector<1x16xi32> to vector<1x8xi32>
      %or3A_169 = arith.ori %slice3A_167, %slice3A_168 : vector<1x8xi32>
      %slice3A_170 = vector.extract_strided_slice %or3A_166 {offsets = [0, 0], sizes = [1, 4], strides = [1, 1]} : vector<1x8xi32> to vector<1x4xi32>
      %slice3A_171 = vector.extract_strided_slice %or3A_166 {offsets = [0, 4], sizes = [1, 4], strides = [1, 1]} : vector<1x8xi32> to vector<1x4xi32>
      %or3A_172 = arith.ori %slice3A_170, %slice3A_171 : vector<1x4xi32>
      %slice3A_173 = vector.extract_strided_slice %or3A_169 {offsets = [0, 0], sizes = [1, 4], strides = [1, 1]} : vector<1x8xi32> to vector<1x4xi32>
      %slice3A_174 = vector.extract_strided_slice %or3A_169 {offsets = [0, 4], sizes = [1, 4], strides = [1, 1]} : vector<1x8xi32> to vector<1x4xi32>
      %or3A_175 = arith.ori %slice3A_173, %slice3A_174 : vector<1x4xi32>
      %slice3A_176 = vector.extract_strided_slice %or3A_172 {offsets = [0, 0], sizes = [1, 2], strides = [1, 1]} : vector<1x4xi32> to vector<1x2xi32>
      %slice3A_177 = vector.extract_strided_slice %or3A_172 {offsets = [0, 2], sizes = [1, 2], strides = [1, 1]} : vector<1x4xi32> to vector<1x2xi32>
      %or3A_178 = arith.ori %slice3A_176, %slice3A_177 : vector<1x2xi32>
      %slice3A_179 = vector.extract_strided_slice %or3A_175 {offsets = [0, 0], sizes = [1, 2], strides = [1, 1]} : vector<1x4xi32> to vector<1x2xi32>
      %slice3A_180 = vector.extract_strided_slice %or3A_175 {offsets = [0, 2], sizes = [1, 2], strides = [1, 1]} : vector<1x4xi32> to vector<1x2xi32>
      %or3A_181 = arith.ori %slice3A_179, %slice3A_180 : vector<1x2xi32>
      %slice3A_182 = vector.extract_strided_slice %or3A_178 {offsets = [0, 0], sizes = [1, 1], strides = [1, 1]} : vector<1x2xi32> to vector<1x1xi32>
      %slice3A_183 = vector.extract_strided_slice %or3A_178 {offsets = [0, 1], sizes = [1, 1], strides = [1, 1]} : vector<1x2xi32> to vector<1x1xi32>
      %or3A_184 = arith.ori %slice3A_182, %slice3A_183 : vector<1x1xi32>
      %slice3A_185 = vector.extract_strided_slice %or3A_181 {offsets = [0, 0], sizes = [1, 1], strides = [1, 1]} : vector<1x2xi32> to vector<1x1xi32>
      %slice3A_186 = vector.extract_strided_slice %or3A_181 {offsets = [0, 1], sizes = [1, 1], strides = [1, 1]} : vector<1x2xi32> to vector<1x1xi32>
      %or3A_187 = arith.ori %slice3A_185, %slice3A_186 : vector<1x1xi32>
      %iota3A_188 = tpu.iota {dimensions = array<i32: 1>} : vector<1x64xi32>
      %lt3A_189 = arith.constant 32 : i32
      %lt3A_190 = vector.broadcast %lt3A_189 : i32 to vector<1x64xi32>
      %lt3A_191 = arith.cmpi slt, %iota3A_188, %lt3A_190 : vector<1x64xi32>
      %broadcast_in_dim3A_192 = vector.shape_cast %or3A_184 : vector<1x1xi32> to vector<1x1xi32>
      %broadcast_in_dim3A_193 = vector.broadcast %broadcast_in_dim3A_192 : vector<1x1xi32> to vector<1x64xi32>
      %broadcast_in_dim3A_194 = vector.shape_cast %or3A_187 : vector<1x1xi32> to vector<1x1xi32>
      %broadcast_in_dim3A_195 = vector.broadcast %broadcast_in_dim3A_194 : vector<1x1xi32> to vector<1x64xi32>
      %select_n3A_196 = arith.select %lt3A_191, %broadcast_in_dim3A_193, %broadcast_in_dim3A_195 : vector<1x64xi1>, vector<1x64xi32>
      %and3A_197 = arith.constant 31 : i32
      %and3A_198 = vector.broadcast %and3A_197 : i32 to vector<1x64xi32>
      %and3A_199 = arith.andi %iota3A_188, %and3A_198 : vector<1x64xi32>
      %shift_right_logical3A = arith.shrui %select_n3A_196, %and3A_199 : vector<1x64xi32>
      %and3A_200 = arith.constant 1 : i32
      %and3A_201 = vector.broadcast %and3A_200 : i32 to vector<1x64xi32>
      %and3A_202 = arith.andi %shift_right_logical3A, %and3A_201 : vector<1x64xi32>
      %convert_element_type3A_203 = arith.sitofp %and3A_202 : vector<1x64xi32> to vector<1x64xf32>
      %iota3A_204 = tpu.iota {dimensions = array<i32: 0>} : vector<64x64xi32>
      %iota3A_205 = tpu.iota {dimensions = array<i32: 1>} : vector<64x64xi32>
      %eq3A_206 = arith.cmpi eq, %iota3A_204, %iota3A_205 : vector<64x64xi32>
      %jit3A_207 = arith.constant 0.000000e+00 : f32
      %broadcast_in_dim3A_208 = vector.shape_cast %convert_element_type3A_203 : vector<1x64xf32> to vector<1x64xf32>
      %broadcast_in_dim3A_209 = vector.broadcast %broadcast_in_dim3A_208 : vector<1x64xf32> to vector<64x64xf32>
      %broadcast_in_dim3A_210 = vector.broadcast %jit3A_207 : f32 to vector<64x64xf32>
      %select_n3A_211 = arith.select %eq3A_206, %broadcast_in_dim3A_209, %broadcast_in_dim3A_210 : vector<64x64xi1>, vector<64x64xf32>
      %broadcast_in_dim3A_212 = arith.constant 0.000000e+00 : f32
      %broadcast_in_dim3A_213 = vector.broadcast %broadcast_in_dim3A_212 : f32 to vector<64x1xf32>
      %add3A_214 = arith.constant 1.000000e+00 : f32
      %add3A_215 = vector.broadcast %add3A_214 : f32 to vector<64x1xf32>
      %add3A_216 = arith.addf %broadcast_in_dim3A_213, %add3A_215 : vector<64x1xf32>
      %dot_general3A_217 = arith.constant dense<0.000000e+00> : vector<64x1xf32>
      %dot_general3A_218 = tpu.matmul %select_n3A_211, %add3A_216, %dot_general3A_217 {dimension_numbers = #tpu.dot_dimension_numbers<[1], [0], [0], [1], [0, 0, 1, 1], [], []>, transpose_lhs_hint = false} : vector<64x64xf32>, vector<64x1xf32>, vector<64x1xf32> -> vector<64x1xf32>
      %lt3A_219 = arith.cmpi slt, %iota3A_205, %iota3A_204 : vector<64x64xi32>
      %convert_element_type3A_220 = arith.extui %lt3A_219 : vector<64x64xi1> to vector<64x64xi32>
      %convert_element_type3A_221 = arith.sitofp %convert_element_type3A_220 : vector<64x64xi32> to vector<64x64xf32>
      %dot_general3A_222 = arith.constant dense<0.000000e+00> : vector<64x1xf32>
      %dot_general3A_223 = tpu.matmul %convert_element_type3A_221, %dot_general3A_218, %dot_general3A_222 {dimension_numbers = #tpu.dot_dimension_numbers<[1], [0], [0], [1], [0, 0, 1, 1], [], []>, transpose_lhs_hint = false} : vector<64x64xf32>, vector<64x1xf32>, vector<64x1xf32> -> vector<64x1xf32>
      %swap3A_224 = arith.constant 0 : index
      %swap3A_225 = arith.constant 0 : index
      %swap3A_226 = vector.load %arg11[%swap3A_224, %swap3A_225] : memref<64x1xf32, #tpu.memory_space<vmem>>, vector<64x1xf32>
      tpu.vector_store %arg11[%swap3A_224, %swap3A_225], %dot_general3A_223 {strides = array<i32>} : memref<64x1xf32, #tpu.memory_space<vmem>>, vector<64x1xf32>,
      %convert_element_type3A_227 = arith.fptosi %dot_general3A_223 : vector<64x1xf32> to vector<64x1xi32>
      %iota3A_228 = tpu.iota {dimensions = array<i32: 1>} : vector<64x320xi32>
      %jit3A_229 = arith.constant 5 : i32
      %div3A_230 = vector.broadcast %jit3A_229 : i32 to vector<64x320xi32>
      %div3A_231 = arith.divsi %iota3A_228, %div3A_230 : vector<64x320xi32>
      %sign3A = arith.constant 0 : i32
      %sign3A_232 = vector.broadcast %sign3A : i32 to vector<64x320xi32>
      %sign3A_233 = arith.cmpi sgt, %iota3A_228, %sign3A_232 : vector<64x320xi32>
      %sign3A_234 = arith.extui %sign3A_233 : vector<64x320xi1> to vector<64x320xi32>
      %sign3A_235 = arith.constant 0 : i32
      %sign3A_236 = vector.broadcast %sign3A_235 : i32 to vector<64x320xi32>
      %sign3A_237 = arith.cmpi slt, %iota3A_228, %sign3A_236 : vector<64x320xi32>
      %sign3A_238 = arith.extui %sign3A_237 : vector<64x320xi1> to vector<64x320xi32>
      %sign3A_239 = arith.subi %sign3A_234, %sign3A_238 : vector<64x320xi32>
      %sign3A_240 = arith.constant 0 : i32
      %sign3A_241 = arith.cmpi sgt, %jit3A_229, %sign3A_240 : i32
      %sign3A_242 = arith.extui %sign3A_241 : i1 to i32
      %sign3A_243 = arith.constant 0 : i32
      %sign3A_244 = arith.cmpi slt, %jit3A_229, %sign3A_243 : i32
      %sign3A_245 = arith.extui %sign3A_244 : i1 to i32
      %sign3A_246 = arith.subi %sign3A_242, %sign3A_245 : i32
      %ne3A_247 = vector.broadcast %sign3A_246 : i32 to vector<64x320xi32>
      %ne3A_248 = arith.cmpi ne, %sign3A_239, %ne3A_247 : vector<64x320xi32>
      %rem3A_249 = vector.broadcast %jit3A_229 : i32 to vector<64x320xi32>
      %rem3A_250 = arith.remsi %iota3A_228, %rem3A_249 : vector<64x320xi32>
      %ne3A_251 = arith.constant 0 : i32
      %ne3A_252 = vector.broadcast %ne3A_251 : i32 to vector<64x320xi32>
      %ne3A_253 = arith.cmpi ne, %rem3A_250, %ne3A_252 : vector<64x320xi32>
      %and3A_254 = arith.andi %ne3A_248, %ne3A_253 : vector<64x320xi1>
      %sub3A_255 = arith.constant 1 : i32
      %sub3A_256 = vector.broadcast %sub3A_255 : i32 to vector<64x320xi32>
      %sub3A_257 = arith.subi %div3A_231, %sub3A_256 : vector<64x320xi32>
      %select_n3A_258 = arith.select %and3A_254, %sub3A_257, %div3A_231 : vector<64x320xi1>, vector<64x320xi32>
      %eq3A_259 = vector.broadcast %convert_element_type3A_227 : vector<64x1xi32> to vector<64x320xi32>
      %eq3A_260 = arith.cmpi eq, %select_n3A_258, %eq3A_259 : vector<64x320xi32>
      %convert_element_type3A_261 = arith.extui %eq3A_260 : vector<64x320xi1> to vector<64x320xi32>
      %convert_element_type3A_262 = arith.sitofp %convert_element_type3A_261 : vector<64x320xi32> to vector<64x320xf32>
      %swap3A_263 = arith.constant 0 : index
      %swap3A_264 = arith.constant 0 : index
      %swap3A_265 = vector.load %arg10[%swap3A_263, %swap3A_264] : memref<64x320xf32, #tpu.memory_space<vmem>>, vector<64x320xf32>
      tpu.vector_store %arg10[%swap3A_263, %swap3A_264], %convert_element_type3A_262 {strides = array<i32>} : memref<64x320xf32, #tpu.memory_space<vmem>>, vector<64x320xf32>,
    } else {
    }
    %get3A = arith.constant 0 : index
    %get3A_2 = arith.constant 0 : index
    %get3A_3 = vector.load %arg1[%get3A, %get3A_2] : memref<2000x128xf32, #tpu.memory_space<vmem>>, vector<2000x128xf32>
    %get3A_4 = arith.constant 0 : index
    %get3A_5 = arith.constant 0 : index
    %get3A_6 = vector.load %arg4[%get3A_4, %get3A_5] : memref<64x128xf32, #tpu.memory_space<vmem>>, vector<64x128xf32>
    %dot_general3A = arith.constant dense<0.000000e+00> : vector<2000x64xf32>
    %dot_general3A_7 = tpu.matmul %get3A_3, %get3A_6, %dot_general3A {dimension_numbers = #tpu.dot_dimension_numbers<[1], [1], [0], [0], [0, 0, 1, 0], [], []>, transpose_lhs_hint = false} : vector<2000x128xf32>, vector<64x128xf32>, vector<2000x64xf32> -> vector<2000x64xf32>
    %get3A_8 = arith.constant 0 : index
    %get3A_9 = arith.constant 0 : index
    %get3A_10 = vector.load %arg5[%get3A_8, %get3A_9] : memref<1x64xf32, #tpu.memory_space<vmem>>, vector<1x64xf32>
    %add3A = vector.broadcast %get3A_10 : vector<1x64xf32> to vector<2000x64xf32>
    %add3A_11 = arith.addf %dot_general3A_7, %add3A : vector<2000x64xf32>
    %max3A = arith.constant 0.000000e+00 : f32
    %max3A_12 = vector.broadcast %max3A : f32 to vector<2000x64xf32>
    %max3A_13 = arith.maximumf %add3A_11, %max3A_12 : vector<2000x64xf32>
    %get3A_14 = arith.constant 0 : index
    %get3A_15 = arith.constant 0 : index
    %get3A_16 = vector.load %arg6[%get3A_14, %get3A_15] : memref<5x64xf32, #tpu.memory_space<vmem>>, vector<5x64xf32>
    %dot_general3A_17 = arith.constant dense<0.000000e+00> : vector<2000x5xf32>
    %dot_general3A_18 = tpu.matmul %max3A_13, %get3A_16, %dot_general3A_17 {dimension_numbers = #tpu.dot_dimension_numbers<[1], [1], [0], [0], [0, 0, 1, 0], [], []>, transpose_lhs_hint = false} : vector<2000x64xf32>, vector<5x64xf32>, vector<2000x5xf32> -> vector<2000x5xf32>
    %get3A_19 = arith.constant 0 : index
    %get3A_20 = arith.constant 0 : index
    %get3A_21 = vector.load %arg7[%get3A_19, %get3A_20] : memref<1x5xf32, #tpu.memory_space<vmem>>, vector<1x5xf32>
    %add3A_22 = vector.broadcast %get3A_21 : vector<1x5xf32> to vector<2000x5xf32>
    %add3A_23 = arith.addf %dot_general3A_18, %add3A_22 : vector<2000x5xf32>
    %reduce_max3A = arith.constant dense<0xFF800000> : vector<2000xf32>
    %reduce_max3A_24 = vector.multi_reduction <maximumf>, %add3A_23, %reduce_max3A [1] : vector<2000x5xf32> to vector<2000xf32>
    %broadcast_in_dim3A = vector.shape_cast %reduce_max3A_24 : vector<2000xf32> to vector<2000x1xf32>
    %sub3A = vector.broadcast %broadcast_in_dim3A : vector<2000x1xf32> to vector<2000x5xf32>
    %sub3A_25 = arith.subf %add3A_23, %sub3A : vector<2000x5xf32>
    %exp3A = math.exp %sub3A_25 : vector<2000x5xf32>
    %reduce_sum3A = arith.constant dense<0.000000e+00> : vector<2000xf32>
    %reduce_sum3A_26 = vector.multi_reduction <add>, %exp3A, %reduce_sum3A [1] : vector<2000x5xf32> to vector<2000xf32>
    %broadcast_in_dim3A_27 = vector.shape_cast %reduce_sum3A_26 : vector<2000xf32> to vector<2000x1xf32>
    %div3A = vector.broadcast %broadcast_in_dim3A_27 : vector<2000x1xf32> to vector<2000x5xf32>
    %div3A_28 = arith.divf %exp3A, %div3A : vector<2000x5xf32>
    %get3A_29 = arith.constant 0 : index
    %get3A_30 = arith.constant 0 : index
    %get3A_31 = arith.constant 0 : index
    %get3A_32 = vector.load %arg2[%get3A_29, %get3A_30, %get3A_31] : memref<1x1x2000xi32, #tpu.memory_space<vmem>>, vector<1x1x2000xi32>
    %reshape3A = vector.shape_cast %get3A_32 : vector<1x1x2000xi32> to vector<1x2000xi32>
    %transpose3A = tpu.transpose %reshape3A, [1, 0] : vector<1x2000xi32> -> vector<2000x1xi32>
    %iota3A = tpu.iota {dimensions = array<i32: 1>} : vector<1x64xi32>
    %eq3A_33 = vector.broadcast %transpose3A : vector<2000x1xi32> to vector<2000x64xi32>
    %eq3A_34 = vector.broadcast %iota3A : vector<1x64xi32> to vector<2000x64xi32>
    %eq3A_35 = arith.cmpi eq, %eq3A_33, %eq3A_34 : vector<2000x64xi32>
    %convert_element_type3A_36 = arith.extui %eq3A_35 : vector<2000x64xi1> to vector<2000x64xi32>
    %convert_element_type3A_37 = arith.sitofp %convert_element_type3A_36 : vector<2000x64xi32> to vector<2000x64xf32>
    %get3A_38 = arith.constant 0 : index
    %get3A_39 = arith.constant 0 : index
    %get3A_40 = vector.load %arg10[%get3A_38, %get3A_39] : memref<64x320xf32, #tpu.memory_space<vmem>>, vector<64x320xf32>
    %dot_general3A_41 = arith.constant dense<0.000000e+00> : vector<2000x320xf32>
    %dot_general3A_42 = tpu.matmul %convert_element_type3A_37, %get3A_40, %dot_general3A_41 {dimension_numbers = #tpu.dot_dimension_numbers<[1], [0], [0], [1], [0, 0, 1, 1], [], []>, transpose_lhs_hint = false} : vector<2000x64xf32>, vector<64x320xf32>, vector<2000x320xf32> -> vector<2000x320xf32>
    %iota3A_43 = tpu.iota {dimensions = array<i32: 0>} : vector<5x320xi32>
    %iota3A_44 = tpu.iota {dimensions = array<i32: 1>} : vector<5x320xi32>
    %jit3A = arith.constant 5 : i32
    %eq3A_45 = arith.constant 0 : i32
    %eq3A_46 = arith.cmpi eq, %jit3A, %eq3A_45 : i32
    %jit3A_47 = arith.constant 1 : i32
    %select_n3A = arith.select %eq3A_46, %jit3A_47, %jit3A : i32
    %rem3A = vector.broadcast %select_n3A : i32 to vector<5x320xi32>
    %rem3A_48 = arith.remsi %iota3A_44, %rem3A : vector<5x320xi32>
    %ne3A = arith.constant 0 : i32
    %ne3A_49 = vector.broadcast %ne3A : i32 to vector<5x320xi32>
    %ne3A_50 = arith.cmpi ne, %rem3A_48, %ne3A_49 : vector<5x320xi32>
    %lt3A = arith.constant 0 : i32
    %lt3A_51 = vector.broadcast %lt3A : i32 to vector<5x320xi32>
    %lt3A_52 = arith.cmpi slt, %rem3A_48, %lt3A_51 : vector<5x320xi32>
    %lt3A_53 = arith.constant 0 : i32
    %lt3A_54 = arith.cmpi slt, %select_n3A, %lt3A_53 : i32
    %ne3A_55 = vector.broadcast %lt3A_54 : i1 to vector<5x320xi1>
    %ne3A_56 = vector.broadcast %ne3A_55 : vector<5x320xi1> to vector<5x320xi1>
    %ne3A_57 = arith.xori %lt3A_52, %ne3A_56 : vector<5x320xi1>
    %and3A = arith.andi %ne3A_57, %ne3A_50 : vector<5x320xi1>
    %add3A_58 = vector.broadcast %select_n3A : i32 to vector<5x320xi32>
    %add3A_59 = arith.addi %rem3A_48, %add3A_58 : vector<5x320xi32>
    %select_n3A_60 = arith.select %and3A, %add3A_59, %rem3A_48 : vector<5x320xi1>, vector<5x320xi32>
    %eq3A_61 = arith.cmpi eq, %select_n3A_60, %iota3A_43 : vector<5x320xi32>
    %convert_element_type3A_62 = arith.extui %eq3A_61 : vector<5x320xi1> to vector<5x320xi32>
    %convert_element_type3A_63 = arith.sitofp %convert_element_type3A_62 : vector<5x320xi32> to vector<5x320xf32>
    %dot_general3A_64 = arith.constant dense<0.000000e+00> : vector<2000x320xf32>
    %dot_general3A_65 = tpu.matmul %div3A_28, %convert_element_type3A_63, %dot_general3A_64 {dimension_numbers = #tpu.dot_dimension_numbers<[1], [0], [0], [1], [0, 0, 1, 1], [], []>, transpose_lhs_hint = false} : vector<2000x5xf32>, vector<5x320xf32>, vector<2000x320xf32> -> vector<2000x320xf32>
    %mul3A = arith.mulf %dot_general3A_42, %dot_general3A_65 : vector<2000x320xf32>
    %swap3A = arith.constant 0 : index
    %swap3A_66 = arith.constant 0 : index
    %swap3A_67 = vector.load %arg8[%swap3A, %swap3A_66] : memref<2000x320xf32, #tpu.memory_space<vmem>>, vector<2000x320xf32>
    tpu.vector_store %arg8[%swap3A, %swap3A_66], %mul3A {strides = array<i32>} : memref<2000x320xf32, #tpu.memory_space<vmem>>, vector<2000x320xf32>,
    %get3A_68 = arith.constant 0 : index
    %get3A_69 = arith.constant 0 : index
    %get3A_70 = vector.load %arg11[%get3A_68, %get3A_69] : memref<64x1xf32, #tpu.memory_space<vmem>>, vector<64x1xf32>
    %dot_general3A_71 = arith.constant dense<0.000000e+00> : vector<2000x1xf32>
    %dot_general3A_72 = tpu.matmul %convert_element_type3A_37, %get3A_70, %dot_general3A_71 {dimension_numbers = #tpu.dot_dimension_numbers<[1], [0], [0], [1], [0, 0, 1, 1], [], []>, transpose_lhs_hint = false} : vector<2000x64xf32>, vector<64x1xf32>, vector<2000x1xf32> -> vector<2000x1xf32>
    %iota3A_73 = tpu.iota {dimensions = array<i32: 1>} : vector<1x5xi32>
    %convert_element_type3A_74 = arith.sitofp %iota3A_73 : vector<1x5xi32> to vector<1x5xf32>
    %reduce_max3A_75 = arith.constant dense<0xFF800000> : vector<2000xf32>
    %reduce_max3A_76 = vector.multi_reduction <maximumf>, %div3A_28, %reduce_max3A_75 [1] : vector<2000x5xf32> to vector<2000xf32>
    %broadcast_in_dim3A_77 = vector.shape_cast %reduce_max3A_76 : vector<2000xf32> to vector<2000x1xf32>
    %eq3A_78 = vector.broadcast %broadcast_in_dim3A_77 : vector<2000x1xf32> to vector<2000x5xf32>
    %eq3A_79 = arith.cmpf oeq, %div3A_28, %eq3A_78 : vector<2000x5xf32>
    %jit3A_80 = arith.constant 5.000000e+00 : f32
    %broadcast_in_dim3A_81 = vector.shape_cast %convert_element_type3A_74 : vector<1x5xf32> to vector<1x5xf32>
    %broadcast_in_dim3A_82 = vector.broadcast %broadcast_in_dim3A_81 : vector<1x5xf32> to vector<2000x5xf32>
    %broadcast_in_dim3A_83 = vector.broadcast %jit3A_80 : f32 to vector<2000x5xf32>
    %select_n3A_84 = arith.select %eq3A_79, %broadcast_in_dim3A_82, %broadcast_in_dim3A_83 : vector<2000x5xi1>, vector<2000x5xf32>
    %reduce_min3A = arith.constant dense<0x7F800000> : vector<2000xf32>
    %reduce_min3A_85 = vector.multi_reduction <minimumf>, %select_n3A_84, %reduce_min3A [1] : vector<2000x5xf32> to vector<2000xf32>
    %broadcast_in_dim3A_86 = vector.shape_cast %reduce_min3A_85 : vector<2000xf32> to vector<2000x1xf32>
    %mul3A_87 = arith.constant 5.000000e+00 : f32
    %mul3A_88 = vector.broadcast %mul3A_87 : f32 to vector<2000x1xf32>
    %mul3A_89 = arith.mulf %dot_general3A_72, %mul3A_88 : vector<2000x1xf32>
    %add3A_90 = arith.addf %mul3A_89, %broadcast_in_dim3A_86 : vector<2000x1xf32>
    %transpose3A_91 = tpu.transpose %add3A_90, [1, 0] : vector<2000x1xf32> -> vector<1x2000xf32>
    %convert_element_type3A_92 = arith.fptosi %transpose3A_91 : vector<1x2000xf32> to vector<1x2000xi32>
    %reshape3A_93 = vector.shape_cast %convert_element_type3A_92 : vector<1x2000xi32> to vector<1x1x2000xi32>
    %swap3A_94 = arith.constant 0 : index
    %swap3A_95 = arith.constant 0 : index
    %swap3A_96 = arith.constant 0 : index
    %swap3A_97 = vector.load %arg9[%swap3A_94, %swap3A_95, %swap3A_96] : memref<1x1x2000xi32, #tpu.memory_space<vmem>>, vector<1x1x2000xi32>
    tpu.vector_store %arg9[%swap3A_94, %swap3A_95, %swap3A_96], %reshape3A_93 {strides = array<i32>} : memref<1x1x2000xi32, #tpu.memory_space<vmem>>, vector<1x1x2000xi32>,
    return
  }
  func.func @transform_0(%arg0: i32) -> (i32, i32) {
    %c0_i32 = arith.constant 0 : i32
    %c0_i32_0 = arith.constant 0 : i32
    return %arg0, %c0_i32 : i32, i32
  }
  func.func @transform_1(%arg0: i32) -> (i32, i32, i32) {
    %c0_i32 = arith.constant 0 : i32
    %c0_i32_0 = arith.constant 0 : i32
    %c0_i32_1 = arith.constant 0 : i32
    return %arg0, %c0_i32, %c0_i32_0 : i32, i32, i32
  }
  func.func @transform_2(%arg0: i32) -> (i32, i32) {
    %c0_i32 = arith.constant 0 : i32
    %c0_i32_0 = arith.constant 0 : i32
    %c0_i32_1 = arith.constant 0 : i32
    return %c0_i32, %c0_i32_0 : i32, i32
  }
  func.func @transform_3(%arg0: i32) -> (i32, i32) {
    %c0_i32 = arith.constant 0 : i32
    %c0_i32_0 = arith.constant 0 : i32
    %c0_i32_1 = arith.constant 0 : i32
    return %c0_i32, %c0_i32_0 : i32, i32
  }
  func.func @transform_4(%arg0: i32) -> (i32, i32) {
    %c0_i32 = arith.constant 0 : i32
    %c0_i32_0 = arith.constant 0 : i32
    %c0_i32_1 = arith.constant 0 : i32
    return %c0_i32, %c0_i32_0 : i32, i32
  }
  func.func @transform_5(%arg0: i32) -> (i32, i32) {
    %c0_i32 = arith.constant 0 : i32
    %c0_i32_0 = arith.constant 0 : i32
    %c0_i32_1 = arith.constant 0 : i32
    return %c0_i32, %c0_i32_0 : i32, i32
  }
  func.func @transform_6(%arg0: i32) -> (i32, i32) {
    %c0_i32 = arith.constant 0 : i32
    %c0_i32_0 = arith.constant 0 : i32
    %c0_i32_1 = arith.constant 0 : i32
    return %c0_i32, %c0_i32_0 : i32, i32
  }
  func.func @transform_7(%arg0: i32) -> (i32, i32) {
    %c0_i32 = arith.constant 0 : i32
    %c0_i32_0 = arith.constant 0 : i32
    return %arg0, %c0_i32 : i32, i32
  }
  func.func @transform_8(%arg0: i32) -> (i32, i32, i32) {
    %c0_i32 = arith.constant 0 : i32
    %c0_i32_0 = arith.constant 0 : i32
    %c0_i32_1 = arith.constant 0 : i32
    return %arg0, %c0_i32, %c0_i32_0 : i32, i32, i32
  }
}

</mosaic_0001>

<sc_bundles>
// kernel: kernel.4.cloned.1.call-start
scs
__scs_entry_jumppad:
0x0: {  	(pc) =	sbr.rel $0x88, $3  }
0x1: {  	(tag) =	ssettag $0x0;
	lr =	simm.s32 $0x1  }
0x2: {  	[smem:$0x3F9B] =	sst lr;
	_ =	strace $0xD0000000  }
0x3: {  	_ = 	snop  }
0x4: {  	_ = 	snop  }
0x5: {  	_ = 	snop  }
0x6: {  	_ = 	snop  }
0x7: {  	_ = 	snop  }
__scs_overlays_trampoline_lowered:
0x8: {  	[smem:$0x3FAA] =	sst s0  }
0x9: {  	[smem:$0x3FAB] =	sst s1  }
0xa: {  	[smem:$0x3FAC] =	sst s2  }
0xb: {  	[smem:$0x3FAD] =	sst s3  }
0xc: {  	[smem:$0x3FAE] =	sst s4  }
0xd: {  	[smem:$0x3FAF] =	sst s5  }
0xe: {  	[smem:$0x3FB0] =	sst s6  }
0xf: {  	[smem:$0x3FB1] =	sst s7  }
0x10: {  	[smem:$0x3FB2] =	sst s8  }
0x11: {  	[smem:$0x3FB3] =	sst s9;
	s0 =	simm.s32 @!p0 $0x0  }
0x12: {  	s1 =	sld [smem:$0x3F99];
	s0 =	simm.s32 @p0 $0x1  }
0x13: {  	[smem:$0x3FB4] =	sst s0;
	s0 =	simm.s32 @!p1 $0x0  }
0x14: {  	s2 =	sld [smem:$0x3F98];
	s0 =	simm.s32 @p1 $0x1  }
0x15: {  	[smem:$0x3FB5] =	sst s0;
	s0 =	simm.s32 @!p2 $0x0  }
0x16: {  	s3 =	sld [smem:$0x3FDB];
	s0 =	simm.s32 @p2 $0x1  }
0x17: {  	s4 =	simm.s32 $0x1BF5;
	[smem:$0x3FB7] =	sst s0  }
0x18: {  	s0 =	sld [smem:$0x3F9A];
	_ =	swait.ge [sflag:s4], $0x0  }
0x19: {  	s7 =	sld [smem:$0x3F9B]  }
0x1a: {  	s8 =	sadd.s32 $0xFFFFE003, lr  }
0x1b: {  	s9 =	sadd.s32 $0xFFFFFEF7, lr;
	s5 =	simm.s32 $0xFFFFFFFF;
	p2 =	slt.u32 s8, $0xFFFFF086  }
0x1c: {  	p1 =	slt.u32 s9, $0xF7A;
	s5 =	simm.s32 @!p2 $0x0  }
0x1d: {  	s5 =	simm.s32 @p1 $0x1;
	p0 =	seq.s32 s7, s2  }
0x1e: {  	s7 =	smul.u32 @!p0 $0xF7A, s2;
	p2 =	seq.s32 @!p0 s5, $0x0  }
0x1f: {  	s9 =	smul.u32 $0xF7A, s1;
	s8 =	simm.s32 @!p0 $0x1BF5;
	p2 =	por !p2, p0  }
0x20: {  	[sflag:s8] =	ssyncset.s32 @!p0 $0xFFFFF086;
	s6 =	sadd.s32 @!p0 s3, s7;
	s7 =	simm.s32 @!p0 $0x108  }
0x21: {  	s3 =	sadd.s32 s3, s9;
	s6 =	sadd.s32 @!p0 $0x88, s6;
	s7 =	simm.s32 @p2 $0x1082  }
0x22: {  	[simem:s7], [sflag:s8] =	dma.local @!p0 [hbm:s6], $0xF7A  }
0x23: {  	s9 =	sor.u32 $0xD0000000, s2;
	s6 =	simm.s32 $0x108;
	_ =	swait.ge @!p0 [sflag:s8], $0x0  }
0x24: {  	s3 =	sadd.s32 $0x88, s3;
	s6 =	simm.s32 @!p1 $0x1082;
	[sflag:s4] =	ssyncset.s32 $0xFFFFF086  }
0x25: {  	[simem:s6], [sflag:s4] =	dma.local [hbm:s3], $0xF7A  }
0x26: {  	[smem:$0x3F9B] =	sst s1;
	(tag) =	ssettag s2;
	_ =	strace s9  }
0x27: {  	s1 =	sld [smem:$0x3FAB]  }
0x28: {  	s2 =	sld [smem:$0x3FAC]  }
0x29: {  	s4 =	sld [smem:$0x3FAE]  }
0x2a: {  	p0 =	seq.s32 s5, $0x0;
	s5 =	sld [smem:$0x3FAF]  }
0x2b: {  	s6 =	sld [smem:$0x3FB0]  }
0x2c: {  	s7 =	sld [smem:$0x3FB1]  }
0x2d: {  	s3 =	simm.s32 $0x108;
	s8 =	sld [smem:$0x3FB2]  }
0x2e: {  	s3 =	simm.s32 @!p0 $0x1082;
	s9 =	sld [smem:$0x3FB3]  }
0x2f: {  	lr =	sadd.s32 s0, s3;
	s0 =	sld [smem:$0x3FAA]  }
0x30: {  	s3 =	sld [smem:$0x3FAD]  }
0x31: {  	[smem:$0x3FB6] =	sst s10  }
0x32: {  	s10 =	sld [smem:$0x3FB4];
	_ =	sdelay $0x3  }
0x33: {  	p0 =	seq.s32 s10, $0x1;
	s10 =	sld [smem:$0x3FB6];
	_ =	sdelay $0x3  }
0x34: {  	[smem:$0x3FB6] =	sst s10  }
0x35: {  	s10 =	sld [smem:$0x3FB5];
	_ =	sdelay $0x3  }
0x36: {  	p1 =	seq.s32 s10, $0x1;
	s10 =	sld [smem:$0x3FB6];
	_ =	sdelay $0x3  }
0x37: {  	[smem:$0x3FB6] =	sst s10  }
0x38: {  	s10 =	sld [smem:$0x3FB7]  }
0x39: {  	_ = 	snop;
	(pc) =	sbr.ind lr, $3  }
0x3a: {  	_ = 	snop  }
0x3b: {  	_ = 	snop  }
0x3c: {  	p2 =	seq.s32 s10, $0x1;
	s10 =	sld [smem:$0x3FB6]  }
0x3d: {  	_ =	shalt  }
0x3e: {  	_ =	shalt  }
0x3f: {  	_ =	shalt  }
0x40: {  	_ =	shalt  }
0x41: {  	_ =	shalt  }
0x42: {  	_ =	shalt  }
0x43: {  	_ =	shalt  }
0x44: {  	_ =	shalt  }
0x45: {  	_ =	shalt  }
0x46: {  	_ =	shalt  }
0x47: {  	_ =	shalt  }
0x48: {  	_ =	shalt  }
0x49: {  	_ =	shalt  }
0x4a: {  	_ =	shalt  }
0x4b: {  	_ =	shalt  }
0x4c: {  	_ =	shalt  }
0x4d: {  	_ =	shalt  }
0x4e: {  	_ =	shalt  }
0x4f: {  	_ =	shalt  }
0x50: {  	_ =	shalt  }
0x51: {  	_ =	shalt  }
0x52: {  	_ =	shalt  }
0x53: {  	_ =	shalt  }
0x54: {  	_ =	shalt  }
0x55: {  	_ =	shalt  }
0x56: {  	_ =	shalt  }
0x57: {  	_ =	shalt  }
0x58: {  	_ =	shalt  }
0x59: {  	_ =	shalt  }
0x5a: {  	_ =	shalt  }
0x5b: {  	_ =	shalt  }
0x5c: {  	_ =	shalt  }
0x5d: {  	_ =	shalt  }
0x5e: {  	_ =	shalt  }
0x5f: {  	_ =	shalt  }
0x60: {  	_ =	shalt  }
0x61: {  	_ =	shalt  }
0x62: {  	_ =	shalt  }
0x63: {  	_ =	shalt  }
0x64: {  	_ =	shalt  }
0x65: {  	_ =	shalt  }
0x66: {  	_ =	shalt  }
0x67: {  	_ =	shalt  }
0x68: {  	_ =	shalt  }
0x69: {  	_ =	shalt  }
0x6a: {  	_ =	shalt  }
0x6b: {  	_ =	shalt  }
0x6c: {  	_ =	shalt  }
0x6d: {  	_ =	shalt  }
0x6e: {  	_ =	shalt  }
0x6f: {  	_ =	shalt  }
0x70: {  	_ =	shalt  }
0x71: {  	_ =	shalt  }
0x72: {  	_ =	shalt  }
0x73: {  	_ =	shalt  }
0x74: {  	_ =	shalt  }
0x75: {  	_ =	shalt  }
0x76: {  	_ =	shalt  }
0x77: {  	_ =	shalt  }
0x78: {  	_ =	shalt  }
0x79: {  	_ =	shalt  }
0x7a: {  	_ =	shalt  }
0x7b: {  	_ =	shalt  }
0x7c: {  	_ =	shalt  }
0x7d: {  	_ =	shalt  }
0x7e: {  	_ =	shalt  }
0x7f: {  	_ =	shalt  }
0x80: {  	_ =	shalt  }
0x81: {  	_ =	shalt  }
0x82: {  	_ =	shalt  }
0x83: {  	_ =	shalt  }
0x84: {  	_ =	shalt  }
0x85: {  	_ =	shalt  }
0x86: {  	_ =	shalt  }
0x87: {  	_ =	shalt  }
.Lfunc_end0:
.L_simem_size_0:
called_computation_lowered:
.L_overlay_start_0:
0x88: {  	s2 =	sld [smem:$0x3FD9]  }
0x89: {  	s3 =	sld [smem:$0x3FFE];
	_ =	sdelay $0x1  }
0x8a: {  	s1 =	srdreg.scid  }
0x8b: {  	s0 =	sand.u32 $0x1, s1  }
0x8c: {  	s15 =	sshll.u32 s0, $0xA;
	s2 =	sadd.s32 s3, s2  }
0x8d: {  	s2 =	sadd.s32 s2, s15  }
0x8e: {  	[smem:$0x3FC2] =	sst s2  }
0x8f: {  	_ = 	snop  }
0x90: {  	s2 =	sld [smem:$0x3FD0];
	_ =	sdelay $0x2  }
0x91: {  	s4 =	simm.s32 $0xA;
	s5 =	simm.s32 $0x10;
	s16 =	sld [smem:$0x3FC8]  }
0x92: {  	[smem:s5], [sflag:s4] =	dma.local [hbm:s2], $0x1  }
0x93: {  	_ =	swait.eq [sflag:s4], $0x1  }
0x94: {  	[sflag:s4] =	ssyncset.done $0x0  }
0x95: {  	[sflag:s4] =	ssyncadd.s32 $0xFFFFFFFF  }
0x96: {  	s17 =	sld [smem:$0x11];
	(tm) =	ssettm $0x1  }
0x97: {  	s18 =	sld [smem:$0x3FFB];
	_ =	sdelay $0x3  }
0x98: {  	_ =	strace s18  }
0x99: {  	s4 =	sld [smem:$0x3FFC];
	_ =	sdelay $0x3  }
0x9a: {  	_ =	strace s4  }
0x9b: {  	s4 =	sld [smem:$0x3FFD];
	_ =	sdelay $0x3  }
0x9c: {  	_ =	strace s4  }
0x9d: {  	_ =	strace $0x8FFFFFFF  }
0x9e: {  	s19 =	sld [smem:$0x3FDB];
	_ =	sdelay $0x1  }
0x9f: {  	s20 =	simm.s32 $_scs_section_size  }
0xa0: {  	s6 =	simm.s32 $_size__tile_overlayer_lowered;
	s7 =	simm.s32 $_tile_overlayer_lowered  }
0xa1: {  	s23 =	simm.s32 $0x1BFF;
	s22 =	sshll.u32 s7, $0x1;
	s4 =	sadd.s32 s20, s19  }
0xa2: {  	s8 =	simm.s32 $0x0;
	s21 =	sshll.u32 s6, $0x1;
	s6 =	sadd.s32 s22, s4  }
0xa3: {  	[timem:s8], [sflag:s23] =	dma.local [hbm:s6], s21  }
0xa4: {  	_ =	swait.ge [sflag:s23], s21  }
0xa5: {  	s5 =	ssub.s32 $0x0, s21;
	[sflag:s23] =	ssyncset.done $0x0  }
0xa6: {  	[sflag:s23] =	ssyncadd.s32 s5;
	_ =	sdelay $0x1  }
0xa7: {  	s24 =	simm.s32 $0x1B8B  }
0xa8: {  	_ =	swait.ge [sflag:s24], $0x1  }
0xa9: {  	[sflag:s24] =	ssyncset.done $0x0  }
0xaa: {  	s25 =	simm.s32 $0x1B8E;
	[sflag:s24] =	ssyncadd.s32 $0xFFFFFFFF  }
0xab: {  	s26 =	simm.s32 $execute0_lowered;
	[smem:$0x3FD2] =	sst s25  }
0xac: {  	s5 =	sshll.u32 s26, $0x1;
	_ =	strace $0x80000046;
	[dreg:$0x1] =	wrdreg $0xFFFFFFFF  }
0xad: {  	s28 =	simm.s32 $_size_execute0_lowered;
	s4 =	sadd.s32 s4, s5;
	[dreg:$0x0] =	wrdreg $0x0  }
0xae: {  	s5 =	sshll.u32 s28, $0x1;
	[dreg:$0x2] =	wrdreg s4  }
0xaf: {  	[dreg:$0x3] =	wrdreg s5  }
0xb0: {  	[dreg:$0x4] =	wrdreg $0xC0  }
0xb1: {  	_ =	task [dreg:s8], $0x5FFFF  }
0xb2: {  	[dreg:$0x1] =	wrdreg $0xFFFFFFFF  }
0xb3: {  	[dreg:$0x0] =	wrdreg $0x60  }
0xb4: {  	[dreg:$0x2] =	wrdreg s16  }
0xb5: {  	[dreg:$0x3] =	wrdreg s17  }
0xb6: {  	[dreg:$0x4] =	wrdreg $0x9  }
0xb7: {  	_ =	task.clear_ibuf [dreg:s8], $0x5FFFF;
	_ =	strace $0x90000046  }
0xb8: {  	s29 =	simm.s32 $0x9;
	_ =	strace $0x80000048  }
0xb9: {  	_ =	swait.ge [sflag:s29], $0x1  }
0xba: {  	[sflag:s29] =	ssyncadd.s32 $0xFFFFFFFF  }
0xbb: {  	_ =	strace $0x90000048  }
0xbc: {  	_ =	sfence  }
0xbd: {  	s30 =	sld [smem:$0x0];
	_ =	sdelay $0x2  }
0xbe: {  	s31 =	sshll.u32 s1, $0xD;
	s1 =	sshrl.u32 s1, $0x2  }
0xbf: {  	s3 =	sand.u32 $0x4000, s31;
	s1 =	sadd.s32 s1, s30  }
0xc0: {  	s0 =	sor.u32 s3, s0;
	s1 =	sshll.u32 s1, $0x11  }
0xc1: {  	s0 =	sor.u32 s1, s0  }
0xc2: {  	s0 =	sadd.s32 $0x8F2B, s0  }
0xc3: {  	[sflag:s0] =	ssyncadd.remote.s32 $0x1  }
0xc4: {  	_ =	sfence.sel $0xFFFF  }
0xc5: {  	[dreg:$0x0] =	wrdreg $0xFFFFFFFF;
	(pc) =	sbr.abs _section_cstart, $3  }
0xc6: {  	[dreg:$0x1] =	wrdreg $0xFFFFFFFF  }
0xc7: {  	_ =	task.clear_ibuf [dreg:s8], $0x2FFFF;
	_ =	strace $0x9FFFFFFF  }
0xc8: {  	(tm) =	ssettm $0x7FFFFFFF  }
0xc9: {  	_ =	shalt  }
tec
execute0_lowered:
.L_overlay_start_1:
0x0: {  	(tag) =	ssettag $0x1  }
0x1: {  	s1 =	srdreg.scid  }
0x2: {  	s0 =	stileid.u32;
	s3 =	rddreg [dreg:$0x0]  }
0x3: {  	s5 =	rddreg [dreg:$0x1];
	s2 =	sand.u32 $0x1, s1;
	s31 =	sshll.u32 s0, $0x1  }
0x4: {  	s1 =	rddreg [dreg:$0x2];
	s4 =	sor.u32 s2, s31  }
0x5: {  	s7 =	ssub.s32 $0x2, s2;
	s2 =	simm.s32 $0x0;
	s6 =	smul.u32 $0x620, s4  }
0x6: {  	s8 =	sshrl.u32 s7, $0x1;
	[smem:$0x7FF] =	sst s2  }
0x7: {  	s4 =	sshll.u32 s4, $0x4;
	s7 =	ssub.s32 s7, s8;
	s6 =	smin.u32 s6, $0xBD30  }
0x8: {  	_ =	strace $0x80000047;
	s4 =	sadd.s32 s5, s4;
	s6 =	sshrl.u32 s6, $0x3  }
0x9: {  	v0 =	vimm.s32 $0x1;
	v1 =	vimm.s32 $0x0;
	s5 =	smax.u32 s7, $0x1;
	s3 =	sadd.s32 s3, s6;
	s6 =	simm.s32 $0x1  }
.LBB2_1:
0xa: {  	[tilespmem:s2], [sflag:$0x1] =	stream.linear.gather [hbm4b:s3+s2], $0x620, $0x38;
	[tilespmem:$0x680] =	vst v63  }
0xb: {  	_ =	swait.ge [sflag:s6], $0x620  }
0xc: {  	[sflag:s6] =	ssyncset.done $0x0  }
0xd: {  	[sflag:s6] =	ssyncadd.s32 $0xFFFFF9E0  }
0xe: {  	v2 =	vld [tilespmem:$0x0]  }
0xf: {  	v3 =	vld [tilespmem:$0x10]  }
0x10: {  	v4 =	vld [tilespmem:$0x20]  }
0x11: {  	v15 =	vld [tilespmem:$0x30]  }
0x12: {  	v16 =	vld [tilespmem:$0x40]  }
0x13: {  	v20 =	vld [tilespmem:$0x50]  }
0x14: {  	v9 =	vld [tilespmem:$0x60]  }
0x15: {  	v23 =	vld [tilespmem:$0x70]  }
0x16: {  	v26 =	vld [tilespmem:$0x80]  }
0x17: {  	v29 =	vld [tilespmem:$0x90]  }
0x18: {  	v32 =	vld [tilespmem:$0xA0]  }
0x19: {  	v36 =	vld [tilespmem:$0xB0]  }
0x1a: {  	v39 =	vld [tilespmem:$0xC0];
	v5 =	vand.u32 $0x1F, v2  }
0x1b: {  	v42 =	vld [tilespmem:$0xD0];
	vm0 =	vlt.s32 v2, $0x20;
	v6 =	vand.u32 $0x1F, v3;
	vm1 =	vgt.s32 v2, $0x1F  }
0x1c: {  	v46 =	vld [tilespmem:$0xE0];
	vm2 =	vlt.s32 v3, $0x20;
	vm15 =	vgt.s32 v3, $0x1F;
	v3 =	vand.u32 $0x1F, v4  }
0x1d: {  	v49 =	vld [tilespmem:$0xF0];
	vm4 =	vlt.s32 v4, $0x20;
	vm5 =	vgt.s32 v4, $0x1F;
	v19 =	vand.u32 $0x1F, v15  }
0x1e: {  	v52 =	vld [tilespmem:$0x100];
	vm6 =	vlt.s32 v15, $0x20;
	vm7 =	vgt.s32 v15, $0x1F;
	v21 =	vand.u32 $0x1F, v16  }
0x1f: {  	v56 =	vld [tilespmem:$0x110];
	vm8 =	vlt.s32 v16, $0x20;
	vm9 =	vgt.s32 v16, $0x1F;
	v22 =	vand.u32 $0x1F, v20  }
0x20: {  	v59 =	vld [tilespmem:$0x120];
	vm10 =	vlt.s32 v20, $0x20;
	vm11 =	vgt.s32 v20, $0x1F;
	v25 =	vand.u32 $0x1F, v9  }
0x21: {  	v62 =	vld [tilespmem:$0x130];
	vm12 =	vlt.s32 v9, $0x20;
	vm13 =	vgt.s32 v9, $0x1F;
	v28 =	vand.u32 $0x1F, v23  }
0x22: {  	vm14 =	vlt.s32 v23, $0x20;
	v31 =	vand.u32 $0x1F, v26;
	v35 =	vand.u32 $0x1F, v29  }
0x23: {  	v38 =	vand.u32 $0x1F, v32;
	v41 =	vand.u32 $0x1F, v36;
	v45 =	vand.u32 $0x1F, v39  }
0x24: {  	v48 =	vand.u32 $0x1F, v42;
	v51 =	vand.u32 $0x1F, v46;
	v55 =	vand.u32 $0x1F, v49  }
0x25: {  	v58 =	vand.u32 $0x1F, v52;
	v61 =	vand.u32 $0x1F, v56;
	v11 =	vand.u32 $0x1F, v59  }
0x26: {  	v14 =	vand.u32 $0x1F, v62;
	v5 =	vshll.u32 v0, v5;
	v2 =	vshll.u32 v0, v6  }
0x27: {  	v3 =	vshll.u32 v0, v3;
	v6 =	vshll.u32 v0, v21;
	v27 =	vshll.u32 v0, v25  }
0x28: {  	v37 =	vshll.u32 v0, v35;
	v47 =	vshll.u32 v0, v45;
	v57 =	vshll.u32 v0, v55  }
0x29: {  	v13 =	vshll.u32 v0, v11;
	v7 =	vnsel vm0, $0x0, v5;
	v5 =	vnsel vm1, $0x0, v5  }
0x2a: {  	v8 =	vnsel vm2, $0x0, v2;
	v2 =	vnsel vm15, $0x0, v2;
	v17 =	vnsel vm4, $0x0, v3  }
0x2b: {  	v12 =	vld [tilespmem:$0x140];
	v3 =	vnsel vm5, $0x0, v3;
	vm15 =	vgt.s32 v23, $0x1F;
	vm4 =	vlt.s32 v26, $0x20  }
0x2c: {  	v15 =	vld [tilespmem:$0x150];
	vm5 =	vgt.s32 v26, $0x1F;
	v7 =	vor.u32 v7, v8;
	v2 =	vor.u32 v5, v2  }
0x2d: {  	v8 =	vshll.u32 v0, v28;
	v18 =	vor.u32 v17, v7;
	v2 =	vor.u32 v3, v2  }
0x2e: {  	v3 =	vshll.u32 v0, v19;
	v30 =	vnsel vm14, $0x0, v8;
	v33 =	vnsel vm15, $0x0, v8  }
0x2f: {  	v8 =	vshll.u32 v0, v38;
	vm14 =	vlt.s32 v42, $0x20;
	vm15 =	vgt.s32 v42, $0x1F  }
0x30: {  	v17 =	vand.u32 $0x1F, v12;
	v5 =	vnsel vm6, $0x0, v3;
	v3 =	vnsel vm7, $0x0, v3  }
0x31: {  	vm6 =	vlt.s32 v29, $0x20;
	vm7 =	vgt.s32 v29, $0x1F;
	v21 =	vand.u32 $0x1F, v15  }
0x32: {  	v4 =	vor.u32 v5, v18;
	v2 =	vor.u32 v3, v2;
	v3 =	vnsel vm8, $0x0, v6  }
0x33: {  	v6 =	vnsel vm9, $0x0, v6;
	vm8 =	vlt.s32 v32, $0x20;
	vm9 =	vgt.s32 v32, $0x1F  }
0x34: {  	v23 =	vshll.u32 v0, v21;
	v3 =	vor.u32 v3, v4;
	v4 =	vshll.u32 v0, v22  }
0x35: {  	v2 =	vor.u32 v6, v2;
	v6 =	vnsel vm12, $0x0, v27;
	v40 =	vnsel vm8, $0x0, v8  }
0x36: {  	v43 =	vnsel vm9, $0x0, v8;
	vm12 =	vlt.s32 v39, $0x20;
	v8 =	vshll.u32 v0, v48  }
0x37: {  	vm8 =	vlt.s32 v52, $0x20;
	vm9 =	vgt.s32 v52, $0x1F;
	v24 =	vnsel vm10, $0x0, v4  }
0x38: {  	v4 =	vnsel vm11, $0x0, v4;
	vm10 =	vlt.s32 v36, $0x20;
	vm11 =	vgt.s32 v36, $0x1F  }
0x39: {  	v25 =	vld [tilespmem:$0x180];
	v50 =	vnsel vm14, $0x0, v8;
	v53 =	vnsel vm15, $0x0, v8;
	v8 =	vshll.u32 v0, v58  }
0x3a: {  	v28 =	vld [tilespmem:$0x190];
	vm14 =	vlt.s32 v62, $0x20;
	vm15 =	vgt.s32 v62, $0x1F;
	v3 =	vor.u32 v24, v3  }
0x3b: {  	v2 =	vor.u32 v4, v2;
	v4 =	vnsel vm13, $0x0, v27;
	vm13 =	vgt.s32 v39, $0x1F  }
0x3c: {  	v60 =	vnsel vm8, $0x0, v8;
	v63 =	vnsel vm9, $0x0, v8;
	v8 =	vshll.u32 v0, v14  }
0x3d: {  	v18 =	vld [tilespmem:$0x160];
	v3 =	vor.u32 v6, v3;
	v2 =	vor.u32 v4, v2;
	v4 =	vshll.u32 v0, v31  }
0x3e: {  	v6 =	vnsel vm6, $0x0, v37;
	vm6 =	vlt.s32 v49, $0x20;
	v16 =	vnsel vm14, $0x0, v8  }
0x3f: {  	v19 =	vnsel vm15, $0x0, v8;
	v31 =	vand.u32 $0x1F, v25;
	vm14 =	vlt.s32 v28, $0x20  }
0x40: {  	v22 =	vld [tilespmem:$0x170];
	vm15 =	vgt.s32 v28, $0x1F;
	v3 =	vor.u32 v30, v3;
	v2 =	vor.u32 v33, v2  }
0x41: {  	v32 =	vld [tilespmem:$0x1A0];
	v34 =	vnsel vm4, $0x0, v4;
	v4 =	vnsel vm5, $0x0, v4;
	vm4 =	vlt.s32 v46, $0x20  }
0x42: {  	vm5 =	vgt.s32 v46, $0x1F;
	v24 =	vand.u32 $0x1F, v18;
	vm8 =	vlt.s32 v18, $0x20  }
0x43: {  	v35 =	vld [tilespmem:$0x1B0];
	vm9 =	vgt.s32 v18, $0x1F;
	v33 =	vshll.u32 v0, v31;
	v3 =	vor.u32 v34, v3  }
0x44: {  	v38 =	vld [tilespmem:$0x1C0];
	v2 =	vor.u32 v4, v2;
	v4 =	vnsel vm7, $0x0, v37;
	vm7 =	vgt.s32 v49, $0x1F  }
0x45: {  	v8 =	vshll.u32 v0, v24;
	v27 =	vand.u32 $0x1F, v22;
	v34 =	vand.u32 $0x1F, v28  }
0x46: {  	v37 =	vand.u32 $0x1F, v32;
	v3 =	vor.u32 v6, v3;
	v2 =	vor.u32 v4, v2  }
0x47: {  	v4 =	vshll.u32 v0, v41;
	v6 =	vnsel vm12, $0x0, v47;
	vm12 =	vlt.s32 v59, $0x20  }
0x48: {  	v48 =	vld [tilespmem:$0x1F0];
	v26 =	vnsel vm8, $0x0, v8;
	v29 =	vnsel vm9, $0x0, v8;
	v8 =	vshll.u32 v0, v34  }
0x49: {  	v41 =	vand.u32 $0x1F, v35;
	vm8 =	vlt.s32 v38, $0x20;
	vm9 =	vgt.s32 v38, $0x1F  }
0x4a: {  	v42 =	vld [tilespmem:$0x1D0];
	v3 =	vor.u32 v40, v3;
	v2 =	vor.u32 v43, v2;
	v44 =	vnsel vm10, $0x0, v4  }
0x4b: {  	v4 =	vnsel vm11, $0x0, v4;
	vm10 =	vlt.s32 v56, $0x20;
	vm11 =	vgt.s32 v56, $0x1F  }
0x4c: {  	v45 =	vld [tilespmem:$0x1E0];
	v36 =	vnsel vm14, $0x0, v8;
	v39 =	vnsel vm15, $0x0, v8;
	v43 =	vshll.u32 v0, v41  }
0x4d: {  	vm14 =	vlt.s32 v48, $0x20;
	vm15 =	vgt.s32 v48, $0x1F;
	v3 =	vor.u32 v44, v3  }
0x4e: {  	v2 =	vor.u32 v4, v2;
	v4 =	vnsel vm13, $0x0, v47;
	vm13 =	vgt.s32 v59, $0x1F  }
0x4f: {  	v44 =	vand.u32 $0x1F, v38;
	v47 =	vand.u32 $0x1F, v42;
	v3 =	vor.u32 v6, v3  }
0x50: {  	v58 =	vld [tilespmem:$0x220];
	v2 =	vor.u32 v4, v2;
	v4 =	vshll.u32 v0, v51;
	v6 =	vnsel vm6, $0x0, v57  }
0x51: {  	vm6 =	vlt.s32 v15, $0x20;
	v8 =	vshll.u32 v0, v44;
	v51 =	vand.u32 $0x1F, v45  }
0x52: {  	v52 =	vld [tilespmem:$0x200];
	v3 =	vor.u32 v50, v3;
	v2 =	vor.u32 v53, v2;
	v54 =	vnsel vm4, $0x0, v4  }
0x53: {  	v62 =	vld [tilespmem:$0x230];
	v4 =	vnsel vm5, $0x0, v4;
	vm4 =	vlt.s32 v12, $0x20;
	vm5 =	vgt.s32 v12, $0x1F  }
0x54: {  	v46 =	vnsel vm8, $0x0, v8;
	v49 =	vnsel vm9, $0x0, v8;
	v53 =	vshll.u32 v0, v51  }
0x55: {  	v55 =	vld [tilespmem:$0x210];
	v12 =	vand.u32 $0x1F, v58;
	vm8 =	vlt.s32 v58, $0x20;
	vm9 =	vgt.s32 v58, $0x1F  }
0x56: {  	v3 =	vor.u32 v54, v3;
	v2 =	vor.u32 v4, v2;
	v4 =	vnsel vm7, $0x0, v57  }
0x57: {  	vm7 =	vgt.s32 v15, $0x1F;
	v54 =	vand.u32 $0x1F, v48;
	v57 =	vand.u32 $0x1F, v52  }
0x58: {  	v15 =	vand.u32 $0x1F, v62;
	v3 =	vor.u32 v6, v3;
	v2 =	vor.u32 v4, v2  }
0x59: {  	v4 =	vshll.u32 v0, v61;
	v6 =	vnsel vm12, $0x0, v13;
	vm12 =	vlt.s32 v25, $0x20  }
0x5a: {  	v8 =	vshll.u32 v0, v54;
	v61 =	vand.u32 $0x1F, v55;
	v3 =	vor.u32 v60, v3  }
0x5b: {  	v2 =	vor.u32 v63, v2;
	v10 =	vnsel vm10, $0x0, v4;
	v4 =	vnsel vm11, $0x0, v4  }
0x5c: {  	vm10 =	vlt.s32 v22, $0x20;
	vm11 =	vgt.s32 v22, $0x1F;
	v56 =	vnsel vm14, $0x0, v8  }
0x5d: {  	v59 =	vnsel vm15, $0x0, v8;
	v63 =	vshll.u32 v0, v61;
	v8 =	vshll.u32 v0, v12  }
0x5e: {  	v3 =	vor.u32 v10, v3;
	v2 =	vor.u32 v4, v2;
	v4 =	vnsel vm13, $0x0, v13  }
0x5f: {  	vm13 =	vgt.s32 v25, $0x1F;
	v14 =	vnsel vm8, $0x0, v8;
	v3 =	vor.u32 v6, v3  }
0x60: {  	v2 =	vor.u32 v4, v2;
	v4 =	vshll.u32 v0, v17;
	v6 =	vnsel vm6, $0x0, v23  }
0x61: {  	vm6 =	vlt.s32 v35, $0x20;
	v17 =	vnsel vm9, $0x0, v8;
	v3 =	vor.u32 v16, v3  }
0x62: {  	v2 =	vor.u32 v19, v2;
	v20 =	vnsel vm4, $0x0, v4;
	v4 =	vnsel vm5, $0x0, v4  }
0x63: {  	v13 =	vld [tilespmem:$0x240];
	vm4 =	vlt.s32 v32, $0x20;
	vm5 =	vgt.s32 v32, $0x1F;
	v3 =	vor.u32 v20, v3  }
0x64: {  	v2 =	vor.u32 v4, v2;
	v4 =	vnsel vm7, $0x0, v23;
	vm7 =	vgt.s32 v35, $0x1F  }
0x65: {  	v3 =	vor.u32 v6, v3;
	v2 =	vor.u32 v4, v2;
	v4 =	vshll.u32 v0, v27  }
0x66: {  	v6 =	vnsel vm12, $0x0, v33;
	vm12 =	vlt.s32 v45, $0x20;
	v3 =	vor.u32 v26, v3  }
0x67: {  	v16 =	vld [tilespmem:$0x250];
	v2 =	vor.u32 v29, v2;
	v30 =	vnsel vm10, $0x0, v4;
	v4 =	vnsel vm11, $0x0, v4  }
0x68: {  	vm10 =	vlt.s32 v42, $0x20;
	vm11 =	vgt.s32 v42, $0x1F;
	v19 =	vand.u32 $0x1F, v13  }
0x69: {  	v3 =	vor.u32 v30, v3;
	v2 =	vor.u32 v4, v2;
	v4 =	vnsel vm13, $0x0, v33  }
0x6a: {  	v20 =	vld [tilespmem:$0x260];
	vm13 =	vgt.s32 v45, $0x1F;
	v21 =	vshll.u32 v0, v19;
	v3 =	vor.u32 v6, v3  }
0x6b: {  	v23 =	vld [tilespmem:$0x270];
	v2 =	vor.u32 v4, v2;
	v4 =	vshll.u32 v0, v37;
	v6 =	vnsel vm6, $0x0, v43  }
0x6c: {  	vm6 =	vlt.s32 v55, $0x20;
	v22 =	vand.u32 $0x1F, v16;
	vm14 =	vlt.s32 v16, $0x20  }
0x6d: {  	vm15 =	vgt.s32 v16, $0x1F;
	v3 =	vor.u32 v36, v3;
	v2 =	vor.u32 v39, v2  }
0x6e: {  	v40 =	vnsel vm4, $0x0, v4;
	v4 =	vnsel vm5, $0x0, v4;
	vm4 =	vlt.s32 v52, $0x20  }
0x6f: {  	v26 =	vld [tilespmem:$0x280];
	vm5 =	vgt.s32 v52, $0x1F;
	v8 =	vshll.u32 v0, v22;
	v25 =	vand.u32 $0x1F, v20  }
0x70: {  	v29 =	vand.u32 $0x1F, v23;
	v3 =	vor.u32 v40, v3;
	v2 =	vor.u32 v4, v2  }
0x71: {  	v4 =	vnsel vm7, $0x0, v43;
	vm7 =	vgt.s32 v55, $0x1F;
	v24 =	vnsel vm14, $0x0, v8  }
0x72: {  	v30 =	vld [tilespmem:$0x290];
	v27 =	vnsel vm15, $0x0, v8;
	v31 =	vshll.u32 v0, v29;
	v3 =	vor.u32 v6, v3  }
0x73: {  	v33 =	vld [tilespmem:$0x2A0];
	v2 =	vor.u32 v4, v2;
	v4 =	vshll.u32 v0, v47;
	v6 =	vnsel vm12, $0x0, v53  }
0x74: {  	vm12 =	vlt.s32 v13, $0x20;
	v32 =	vand.u32 $0x1F, v26;
	vm8 =	vlt.s32 v26, $0x20  }
0x75: {  	vm9 =	vgt.s32 v26, $0x1F;
	v3 =	vor.u32 v46, v3;
	v2 =	vor.u32 v49, v2  }
0x76: {  	v50 =	vnsel vm10, $0x0, v4;
	v4 =	vnsel vm11, $0x0, v4;
	vm10 =	vlt.s32 v62, $0x20  }
0x77: {  	v36 =	vld [tilespmem:$0x2B0];
	vm11 =	vgt.s32 v62, $0x1F;
	v8 =	vshll.u32 v0, v32;
	v35 =	vand.u32 $0x1F, v30  }
0x78: {  	v39 =	vand.u32 $0x1F, v33;
	v3 =	vor.u32 v50, v3;
	v2 =	vor.u32 v4, v2  }
0x79: {  	v4 =	vnsel vm13, $0x0, v53;
	vm13 =	vgt.s32 v13, $0x1F;
	v34 =	vnsel vm8, $0x0, v8  }
0x7a: {  	v40 =	vld [tilespmem:$0x2C0];
	v37 =	vnsel vm9, $0x0, v8;
	v41 =	vshll.u32 v0, v39;
	v3 =	vor.u32 v6, v3  }
0x7b: {  	v43 =	vld [tilespmem:$0x2D0];
	v2 =	vor.u32 v4, v2;
	v4 =	vshll.u32 v0, v57;
	v6 =	vnsel vm6, $0x0, v63  }
0x7c: {  	vm6 =	vlt.s32 v23, $0x20;
	v42 =	vand.u32 $0x1F, v36;
	vm14 =	vlt.s32 v36, $0x20  }
0x7d: {  	vm15 =	vgt.s32 v36, $0x1F;
	v3 =	vor.u32 v56, v3;
	v2 =	vor.u32 v59, v2  }
0x7e: {  	v60 =	vnsel vm4, $0x0, v4;
	v4 =	vnsel vm5, $0x0, v4;
	vm4 =	vlt.s32 v20, $0x20  }
0x7f: {  	v46 =	vld [tilespmem:$0x2E0];
	vm5 =	vgt.s32 v20, $0x1F;
	v8 =	vshll.u32 v0, v42;
	v45 =	vand.u32 $0x1F, v40  }
0x80: {  	v49 =	vand.u32 $0x1F, v43;
	v3 =	vor.u32 v60, v3;
	v2 =	vor.u32 v4, v2  }
0x81: {  	v4 =	vnsel vm7, $0x0, v63;
	vm7 =	vgt.s32 v23, $0x1F;
	v44 =	vnsel vm14, $0x0, v8  }
0x82: {  	v50 =	vld [tilespmem:$0x2F0];
	v47 =	vnsel vm15, $0x0, v8;
	v51 =	vshll.u32 v0, v49;
	v3 =	vor.u32 v6, v3  }
0x83: {  	v53 =	vld [tilespmem:$0x300];
	v2 =	vor.u32 v4, v2;
	v4 =	vshll.u32 v0, v15;
	v6 =	vnsel vm12, $0x0, v21  }
0x84: {  	vm12 =	vlt.s32 v33, $0x20;
	v52 =	vand.u32 $0x1F, v46;
	vm8 =	vlt.s32 v46, $0x20  }
0x85: {  	v12 =	vld [tilespmem:$0x340];
	vm9 =	vgt.s32 v46, $0x1F;
	v3 =	vor.u32 v14, v3;
	v2 =	vor.u32 v17, v2  }
0x86: {  	v16 =	vld [tilespmem:$0x350];
	v18 =	vnsel vm10, $0x0, v4;
	v4 =	vnsel vm11, $0x0, v4;
	vm10 =	vlt.s32 v30, $0x20  }
0x87: {  	vm11 =	vgt.s32 v30, $0x1F;
	v8 =	vshll.u32 v0, v52;
	v55 =	vand.u32 $0x1F, v50  }
0x88: {  	v56 =	vld [tilespmem:$0x310];
	v59 =	vand.u32 $0x1F, v53;
	v3 =	vor.u32 v18, v3;
	v2 =	vor.u32 v4, v2  }
0x89: {  	v19 =	vld [tilespmem:$0x360];
	v4 =	vnsel vm13, $0x0, v21;
	vm13 =	vgt.s32 v33, $0x1F;
	v54 =	vnsel vm8, $0x0, v8  }
0x8a: {  	v57 =	vnsel vm9, $0x0, v8;
	v61 =	vshll.u32 v0, v59;
	v18 =	vand.u32 $0x1F, v12  }
0x8b: {  	v60 =	vld [tilespmem:$0x320];
	vm8 =	vlt.s32 v12, $0x20;
	vm9 =	vgt.s32 v12, $0x1F;
	v21 =	vand.u32 $0x1F, v16  }
0x8c: {  	v63 =	vld [tilespmem:$0x330];
	v3 =	vor.u32 v6, v3;
	v2 =	vor.u32 v4, v2;
	v4 =	vshll.u32 v0, v25  }
0x8d: {  	v6 =	vnsel vm6, $0x0, v31;
	vm6 =	vlt.s32 v43, $0x20;
	v62 =	vand.u32 $0x1F, v56  }
0x8e: {  	vm14 =	vlt.s32 v56, $0x20;
	vm15 =	vgt.s32 v56, $0x1F;
	v25 =	vand.u32 $0x1F, v19  }
0x8f: {  	v3 =	vor.u32 v24, v3;
	v2 =	vor.u32 v27, v2;
	v28 =	vnsel vm4, $0x0, v4  }
0x90: {  	v22 =	vld [tilespmem:$0x370];
	v4 =	vnsel vm5, $0x0, v4;
	vm4 =	vlt.s32 v40, $0x20;
	vm5 =	vgt.s32 v40, $0x1F  }
0x91: {  	v26 =	vld [tilespmem:$0x380];
	v8 =	vshll.u32 v0, v62;
	v11 =	vand.u32 $0x1F, v60;
	v15 =	vand.u32 $0x1F, v63  }
0x92: {  	v27 =	vshll.u32 v0, v25;
	v3 =	vor.u32 v28, v3;
	v2 =	vor.u32 v4, v2  }
0x93: {  	v29 =	vld [tilespmem:$0x390];
	v4 =	vnsel vm7, $0x0, v31;
	vm7 =	vgt.s32 v43, $0x1F;
	v10 =	vnsel vm14, $0x0, v8  }
0x94: {  	v32 =	vld [tilespmem:$0x3A0];
	v13 =	vnsel vm15, $0x0, v8;
	v17 =	vshll.u32 v0, v15;
	v8 =	vshll.u32 v0, v18  }
0x95: {  	v28 =	vand.u32 $0x1F, v22;
	vm14 =	vlt.s32 v22, $0x20;
	vm15 =	vgt.s32 v22, $0x1F  }
0x96: {  	v31 =	vand.u32 $0x1F, v26;
	v3 =	vor.u32 v6, v3;
	v2 =	vor.u32 v4, v2  }
0x97: {  	v4 =	vshll.u32 v0, v35;
	v6 =	vnsel vm12, $0x0, v41;
	vm12 =	vlt.s32 v53, $0x20  }
0x98: {  	v42 =	vld [tilespmem:$0x3D0];
	v20 =	vnsel vm8, $0x0, v8;
	v23 =	vnsel vm9, $0x0, v8;
	v8 =	vshll.u32 v0, v28  }
0x99: {  	v35 =	vand.u32 $0x1F, v29;
	vm8 =	vlt.s32 v32, $0x20;
	vm9 =	vgt.s32 v32, $0x1F  }
0x9a: {  	v36 =	vld [tilespmem:$0x3B0];
	v3 =	vor.u32 v34, v3;
	v2 =	vor.u32 v37, v2;
	v38 =	vnsel vm10, $0x0, v4  }
0x9b: {  	v4 =	vnsel vm11, $0x0, v4;
	vm10 =	vlt.s32 v50, $0x20;
	vm11 =	vgt.s32 v50, $0x1F  }
0x9c: {  	v39 =	vld [tilespmem:$0x3C0];
	v30 =	vnsel vm14, $0x0, v8;
	v33 =	vnsel vm15, $0x0, v8;
	v37 =	vshll.u32 v0, v35  }
0x9d: {  	vm14 =	vlt.s32 v42, $0x20;
	vm15 =	vgt.s32 v42, $0x1F;
	v3 =	vor.u32 v38, v3  }
0x9e: {  	v2 =	vor.u32 v4, v2;
	v4 =	vnsel vm13, $0x0, v41;
	vm13 =	vgt.s32 v53, $0x1F  }
0x9f: {  	v38 =	vand.u32 $0x1F, v32;
	v41 =	vand.u32 $0x1F, v36;
	v3 =	vor.u32 v6, v3  }
0xa0: {  	v52 =	vld [tilespmem:$0x400];
	v2 =	vor.u32 v4, v2;
	v4 =	vshll.u32 v0, v45;
	v6 =	vnsel vm6, $0x0, v51  }
0xa1: {  	vm6 =	vlt.s32 v63, $0x20;
	v8 =	vshll.u32 v0, v38;
	v45 =	vand.u32 $0x1F, v39  }
0xa2: {  	v46 =	vld [tilespmem:$0x3E0];
	v3 =	vor.u32 v44, v3;
	v2 =	vor.u32 v47, v2;
	v48 =	vnsel vm4, $0x0, v4  }
0xa3: {  	v4 =	vnsel vm5, $0x0, v4;
	vm4 =	vlt.s32 v60, $0x20;
	vm5 =	vgt.s32 v60, $0x1F  }
0xa4: {  	v49 =	vld [tilespmem:$0x3F0];
	v40 =	vnsel vm8, $0x0, v8;
	v43 =	vnsel vm9, $0x0, v8;
	v47 =	vshll.u32 v0, v45  }
0xa5: {  	vm8 =	vlt.s32 v52, $0x20;
	vm9 =	vgt.s32 v52, $0x1F;
	v3 =	vor.u32 v48, v3  }
0xa6: {  	v2 =	vor.u32 v4, v2;
	v4 =	vnsel vm7, $0x0, v51;
	vm7 =	vgt.s32 v63, $0x1F  }
0xa7: {  	v48 =	vand.u32 $0x1F, v42;
	v51 =	vand.u32 $0x1F, v46;
	v3 =	vor.u32 v6, v3  }
0xa8: {  	v62 =	vld [tilespmem:$0x430];
	v2 =	vor.u32 v4, v2;
	v4 =	vshll.u32 v0, v55;
	v6 =	vnsel vm12, $0x0, v61  }
0xa9: {  	vm12 =	vlt.s32 v19, $0x20;
	v8 =	vshll.u32 v0, v48;
	v55 =	vand.u32 $0x1F, v49  }
0xaa: {  	v56 =	vld [tilespmem:$0x410];
	v3 =	vor.u32 v54, v3;
	v2 =	vor.u32 v57, v2;
	v58 =	vnsel vm10, $0x0, v4  }
0xab: {  	v4 =	vnsel vm11, $0x0, v4;
	vm10 =	vlt.s32 v16, $0x20;
	vm11 =	vgt.s32 v16, $0x1F  }
0xac: {  	v59 =	vld [tilespmem:$0x420];
	v50 =	vnsel vm14, $0x0, v8;
	v53 =	vnsel vm15, $0x0, v8;
	v57 =	vshll.u32 v0, v55  }
0xad: {  	vm14 =	vlt.s32 v62, $0x20;
	vm15 =	vgt.s32 v62, $0x1F;
	v3 =	vor.u32 v58, v3  }
0xae: {  	v2 =	vor.u32 v4, v2;
	v4 =	vnsel vm13, $0x0, v61;
	vm13 =	vgt.s32 v19, $0x1F  }
0xaf: {  	v58 =	vand.u32 $0x1F, v52;
	v61 =	vand.u32 $0x1F, v56;
	v3 =	vor.u32 v6, v3  }
0xb0: {  	v18 =	vld [tilespmem:$0x460];
	v2 =	vor.u32 v4, v2;
	v4 =	vshll.u32 v0, v11;
	v6 =	vnsel vm6, $0x0, v17  }
0xb1: {  	vm6 =	vlt.s32 v29, $0x20;
	v8 =	vshll.u32 v0, v58;
	v11 =	vand.u32 $0x1F, v59  }
0xb2: {  	v12 =	vld [tilespmem:$0x440];
	v3 =	vor.u32 v10, v3;
	v2 =	vor.u32 v13, v2;
	v14 =	vnsel vm4, $0x0, v4  }
0xb3: {  	v4 =	vnsel vm5, $0x0, v4;
	vm4 =	vlt.s32 v26, $0x20;
	vm5 =	vgt.s32 v26, $0x1F  }
0xb4: {  	v15 =	vld [tilespmem:$0x450];
	v60 =	vnsel vm8, $0x0, v8;
	v63 =	vnsel vm9, $0x0, v8;
	v13 =	vshll.u32 v0, v11  }
0xb5: {  	vm8 =	vlt.s32 v18, $0x20;
	vm9 =	vgt.s32 v18, $0x1F;
	v3 =	vor.u32 v14, v3  }
0xb6: {  	v2 =	vor.u32 v4, v2;
	v4 =	vnsel vm7, $0x0, v17;
	vm7 =	vgt.s32 v29, $0x1F  }
0xb7: {  	v14 =	vand.u32 $0x1F, v62;
	v17 =	vand.u32 $0x1F, v12;
	v3 =	vor.u32 v6, v3  }
0xb8: {  	v28 =	vld [tilespmem:$0x490];
	v2 =	vor.u32 v4, v2;
	v4 =	vshll.u32 v0, v21;
	v6 =	vnsel vm12, $0x0, v27  }
0xb9: {  	vm12 =	vlt.s32 v39, $0x20;
	v8 =	vshll.u32 v0, v14;
	v21 =	vand.u32 $0x1F, v15  }
0xba: {  	v22 =	vld [tilespmem:$0x470];
	v3 =	vor.u32 v20, v3;
	v2 =	vor.u32 v23, v2;
	v24 =	vnsel vm10, $0x0, v4  }
0xbb: {  	v4 =	vnsel vm11, $0x0, v4;
	vm10 =	vlt.s32 v36, $0x20;
	vm11 =	vgt.s32 v36, $0x1F  }
0xbc: {  	v25 =	vld [tilespmem:$0x480];
	v16 =	vnsel vm14, $0x0, v8;
	v19 =	vnsel vm15, $0x0, v8;
	v23 =	vshll.u32 v0, v21  }
0xbd: {  	vm14 =	vlt.s32 v28, $0x20;
	vm15 =	vgt.s32 v28, $0x1F;
	v3 =	vor.u32 v24, v3  }
0xbe: {  	v2 =	vor.u32 v4, v2;
	v4 =	vnsel vm13, $0x0, v27;
	vm13 =	vgt.s32 v39, $0x1F  }
0xbf: {  	v24 =	vand.u32 $0x1F, v18;
	v27 =	vand.u32 $0x1F, v22;
	v3 =	vor.u32 v6, v3  }
0xc0: {  	v38 =	vld [tilespmem:$0x4C0];
	v2 =	vor.u32 v4, v2;
	v4 =	vshll.u32 v0, v31;
	v6 =	vnsel vm6, $0x0, v37  }
0xc1: {  	vm6 =	vlt.s32 v49, $0x20;
	v8 =	vshll.u32 v0, v24;
	v31 =	vand.u32 $0x1F, v25  }
0xc2: {  	v32 =	vld [tilespmem:$0x4A0];
	v3 =	vor.u32 v30, v3;
	v2 =	vor.u32 v33, v2;
	v34 =	vnsel vm4, $0x0, v4  }
0xc3: {  	v4 =	vnsel vm5, $0x0, v4;
	vm4 =	vlt.s32 v46, $0x20;
	vm5 =	vgt.s32 v46, $0x1F  }
0xc4: {  	v35 =	vld [tilespmem:$0x4B0];
	v26 =	vnsel vm8, $0x0, v8;
	v29 =	vnsel vm9, $0x0, v8;
	v33 =	vshll.u32 v0, v31  }
0xc5: {  	vm8 =	vlt.s32 v38, $0x20;
	vm9 =	vgt.s32 v38, $0x1F;
	v3 =	vor.u32 v34, v3  }
0xc6: {  	v2 =	vor.u32 v4, v2;
	v4 =	vnsel vm7, $0x0, v37;
	vm7 =	vgt.s32 v49, $0x1F  }
0xc7: {  	v34 =	vand.u32 $0x1F, v28;
	v37 =	vand.u32 $0x1F, v32;
	v3 =	vor.u32 v6, v3  }
0xc8: {  	v48 =	vld [tilespmem:$0x4F0];
	v2 =	vor.u32 v4, v2;
	v4 =	vshll.u32 v0, v41;
	v6 =	vnsel vm12, $0x0, v47  }
0xc9: {  	vm12 =	vlt.s32 v59, $0x20;
	v8 =	vshll.u32 v0, v34;
	v41 =	vand.u32 $0x1F, v35  }
0xca: {  	v42 =	vld [tilespmem:$0x4D0];
	v3 =	vor.u32 v40, v3;
	v2 =	vor.u32 v43, v2;
	v44 =	vnsel vm10, $0x0, v4  }
0xcb: {  	v4 =	vnsel vm11, $0x0, v4;
	vm10 =	vlt.s32 v56, $0x20;
	vm11 =	vgt.s32 v56, $0x1F  }
0xcc: {  	v45 =	vld [tilespmem:$0x4E0];
	v36 =	vnsel vm14, $0x0, v8;
	v39 =	vnsel vm15, $0x0, v8;
	v43 =	vshll.u32 v0, v41  }
0xcd: {  	vm14 =	vlt.s32 v48, $0x20;
	vm15 =	vgt.s32 v48, $0x1F;
	v3 =	vor.u32 v44, v3  }
0xce: {  	v2 =	vor.u32 v4, v2;
	v4 =	vnsel vm13, $0x0, v47;
	vm13 =	vgt.s32 v59, $0x1F  }
0xcf: {  	v44 =	vand.u32 $0x1F, v38;
	v47 =	vand.u32 $0x1F, v42;
	v3 =	vor.u32 v6, v3  }
0xd0: {  	v58 =	vld [tilespmem:$0x520];
	v2 =	vor.u32 v4, v2;
	v4 =	vshll.u32 v0, v51;
	v6 =	vnsel vm6, $0x0, v57  }
0xd1: {  	vm6 =	vlt.s32 v15, $0x20;
	v8 =	vshll.u32 v0, v44;
	v51 =	vand.u32 $0x1F, v45  }
0xd2: {  	v52 =	vld [tilespmem:$0x500];
	v3 =	vor.u32 v50, v3;
	v2 =	vor.u32 v53, v2;
	v54 =	vnsel vm4, $0x0, v4  }
0xd3: {  	v62 =	vld [tilespmem:$0x530];
	v4 =	vnsel vm5, $0x0, v4;
	vm4 =	vlt.s32 v12, $0x20;
	vm5 =	vgt.s32 v12, $0x1F  }
0xd4: {  	v46 =	vnsel vm8, $0x0, v8;
	v49 =	vnsel vm9, $0x0, v8;
	v53 =	vshll.u32 v0, v51  }
0xd5: {  	v55 =	vld [tilespmem:$0x510];
	v12 =	vand.u32 $0x1F, v58;
	vm8 =	vlt.s32 v58, $0x20;
	vm9 =	vgt.s32 v58, $0x1F  }
0xd6: {  	v3 =	vor.u32 v54, v3;
	v2 =	vor.u32 v4, v2;
	v4 =	vnsel vm7, $0x0, v57  }
0xd7: {  	vm7 =	vgt.s32 v15, $0x1F;
	v54 =	vand.u32 $0x1F, v48;
	v57 =	vand.u32 $0x1F, v52  }
0xd8: {  	v15 =	vand.u32 $0x1F, v62;
	v3 =	vor.u32 v6, v3;
	v2 =	vor.u32 v4, v2  }
0xd9: {  	v4 =	vshll.u32 v0, v61;
	v6 =	vnsel vm12, $0x0, v13;
	vm12 =	vlt.s32 v25, $0x20  }
0xda: {  	v8 =	vshll.u32 v0, v54;
	v61 =	vand.u32 $0x1F, v55;
	v3 =	vor.u32 v60, v3  }
0xdb: {  	v2 =	vor.u32 v63, v2;
	v10 =	vnsel vm10, $0x0, v4;
	v4 =	vnsel vm11, $0x0, v4  }
0xdc: {  	vm10 =	vlt.s32 v22, $0x20;
	vm11 =	vgt.s32 v22, $0x1F;
	v56 =	vnsel vm14, $0x0, v8  }
0xdd: {  	v59 =	vnsel vm15, $0x0, v8;
	v63 =	vshll.u32 v0, v61;
	v8 =	vshll.u32 v0, v12  }
0xde: {  	v3 =	vor.u32 v10, v3;
	v2 =	vor.u32 v4, v2;
	v4 =	vnsel vm13, $0x0, v13  }
0xdf: {  	vm13 =	vgt.s32 v25, $0x1F;
	v14 =	vnsel vm8, $0x0, v8;
	v3 =	vor.u32 v6, v3  }
0xe0: {  	v2 =	vor.u32 v4, v2;
	v4 =	vshll.u32 v0, v17;
	v6 =	vnsel vm6, $0x0, v23  }
0xe1: {  	vm6 =	vlt.s32 v35, $0x20;
	v17 =	vnsel vm9, $0x0, v8;
	v3 =	vor.u32 v16, v3  }
0xe2: {  	v2 =	vor.u32 v19, v2;
	v20 =	vnsel vm4, $0x0, v4;
	v4 =	vnsel vm5, $0x0, v4  }
0xe3: {  	v13 =	vld [tilespmem:$0x540];
	vm4 =	vlt.s32 v32, $0x20;
	vm5 =	vgt.s32 v32, $0x1F;
	v3 =	vor.u32 v20, v3  }
0xe4: {  	v2 =	vor.u32 v4, v2;
	v4 =	vnsel vm7, $0x0, v23;
	vm7 =	vgt.s32 v35, $0x1F  }
0xe5: {  	v3 =	vor.u32 v6, v3;
	v2 =	vor.u32 v4, v2;
	v4 =	vshll.u32 v0, v27  }
0xe6: {  	v6 =	vnsel vm12, $0x0, v33;
	vm12 =	vlt.s32 v45, $0x20;
	v3 =	vor.u32 v26, v3  }
0xe7: {  	v16 =	vld [tilespmem:$0x550];
	v2 =	vor.u32 v29, v2;
	v30 =	vnsel vm10, $0x0, v4;
	v4 =	vnsel vm11, $0x0, v4  }
0xe8: {  	vm10 =	vlt.s32 v42, $0x20;
	vm11 =	vgt.s32 v42, $0x1F;
	v19 =	vand.u32 $0x1F, v13  }
0xe9: {  	v3 =	vor.u32 v30, v3;
	v2 =	vor.u32 v4, v2;
	v4 =	vnsel vm13, $0x0, v33  }
0xea: {  	v20 =	vld [tilespmem:$0x560];
	vm13 =	vgt.s32 v45, $0x1F;
	v21 =	vshll.u32 v0, v19;
	v3 =	vor.u32 v6, v3  }
0xeb: {  	v23 =	vld [tilespmem:$0x570];
	v2 =	vor.u32 v4, v2;
	v4 =	vshll.u32 v0, v37;
	v6 =	vnsel vm6, $0x0, v43  }
0xec: {  	vm6 =	vlt.s32 v55, $0x20;
	v22 =	vand.u32 $0x1F, v16;
	vm14 =	vlt.s32 v16, $0x20  }
0xed: {  	vm15 =	vgt.s32 v16, $0x1F;
	v3 =	vor.u32 v36, v3;
	v2 =	vor.u32 v39, v2  }
0xee: {  	v40 =	vnsel vm4, $0x0, v4;
	v4 =	vnsel vm5, $0x0, v4;
	vm4 =	vlt.s32 v52, $0x20  }
0xef: {  	v26 =	vld [tilespmem:$0x580];
	vm5 =	vgt.s32 v52, $0x1F;
	v8 =	vshll.u32 v0, v22;
	v25 =	vand.u32 $0x1F, v20  }
0xf0: {  	v29 =	vand.u32 $0x1F, v23;
	v3 =	vor.u32 v40, v3;
	v2 =	vor.u32 v4, v2  }
0xf1: {  	v4 =	vnsel vm7, $0x0, v43;
	vm7 =	vgt.s32 v55, $0x1F;
	v24 =	vnsel vm14, $0x0, v8  }
0xf2: {  	v30 =	vld [tilespmem:$0x590];
	v27 =	vnsel vm15, $0x0, v8;
	v31 =	vshll.u32 v0, v29;
	v3 =	vor.u32 v6, v3  }
0xf3: {  	v33 =	vld [tilespmem:$0x5A0];
	v2 =	vor.u32 v4, v2;
	v4 =	vshll.u32 v0, v47;
	v6 =	vnsel vm12, $0x0, v53  }
0xf4: {  	vm12 =	vlt.s32 v13, $0x20;
	v32 =	vand.u32 $0x1F, v26;
	vm8 =	vlt.s32 v26, $0x20  }
0xf5: {  	vm9 =	vgt.s32 v26, $0x1F;
	v3 =	vor.u32 v46, v3;
	v2 =	vor.u32 v49, v2  }
0xf6: {  	v50 =	vnsel vm10, $0x0, v4;
	v4 =	vnsel vm11, $0x0, v4;
	vm10 =	vlt.s32 v62, $0x20  }
0xf7: {  	v36 =	vld [tilespmem:$0x5B0];
	vm11 =	vgt.s32 v62, $0x1F;
	v8 =	vshll.u32 v0, v32;
	v35 =	vand.u32 $0x1F, v30  }
0xf8: {  	v39 =	vand.u32 $0x1F, v33;
	v3 =	vor.u32 v50, v3;
	v2 =	vor.u32 v4, v2  }
0xf9: {  	v4 =	vnsel vm13, $0x0, v53;
	vm13 =	vgt.s32 v13, $0x1F;
	v34 =	vnsel vm8, $0x0, v8  }
0xfa: {  	v40 =	vld [tilespmem:$0x5C0];
	v37 =	vnsel vm9, $0x0, v8;
	v41 =	vshll.u32 v0, v39;
	v3 =	vor.u32 v6, v3  }
0xfb: {  	v43 =	vld [tilespmem:$0x5D0];
	v2 =	vor.u32 v4, v2;
	v4 =	vshll.u32 v0, v57;
	v6 =	vnsel vm6, $0x0, v63  }
0xfc: {  	vm6 =	vlt.s32 v23, $0x20;
	v42 =	vand.u32 $0x1F, v36;
	vm14 =	vlt.s32 v36, $0x20  }
0xfd: {  	vm15 =	vgt.s32 v36, $0x1F;
	v3 =	vor.u32 v56, v3;
	v2 =	vor.u32 v59, v2  }
0xfe: {  	v60 =	vnsel vm4, $0x0, v4;
	v4 =	vnsel vm5, $0x0, v4;
	vm4 =	vlt.s32 v20, $0x20  }
0xff: {  	v46 =	vld [tilespmem:$0x5E0];
	vm5 =	vgt.s32 v20, $0x1F;
	v8 =	vshll.u32 v0, v42;
	v45 =	vand.u32 $0x1F, v40  }
0x100: {  	v49 =	vand.u32 $0x1F, v43;
	v3 =	vor.u32 v60, v3;
	v2 =	vor.u32 v4, v2  }
0x101: {  	v4 =	vnsel vm7, $0x0, v63;
	vm7 =	vgt.s32 v23, $0x1F;
	v44 =	vnsel vm14, $0x0, v8  }
0x102: {  	v50 =	vld [tilespmem:$0x5F0];
	v47 =	vnsel vm15, $0x0, v8;
	v51 =	vshll.u32 v0, v49;
	v3 =	vor.u32 v6, v3  }
0x103: {  	v53 =	vld [tilespmem:$0x600];
	v2 =	vor.u32 v4, v2;
	v4 =	vshll.u32 v0, v15;
	v6 =	vnsel vm12, $0x0, v21  }
0x104: {  	vm12 =	vlt.s32 v33, $0x20;
	v52 =	vand.u32 $0x1F, v46;
	vm8 =	vlt.s32 v46, $0x20  }
0x105: {  	vm9 =	vgt.s32 v46, $0x1F;
	v3 =	vor.u32 v14, v3;
	v2 =	vor.u32 v17, v2  }
0x106: {  	v18 =	vnsel vm10, $0x0, v4;
	v4 =	vnsel vm11, $0x0, v4;
	vm10 =	vlt.s32 v30, $0x20  }
0x107: {  	v56 =	vld [tilespmem:$0x610];
	vm11 =	vgt.s32 v30, $0x1F;
	v8 =	vshll.u32 v0, v52;
	v55 =	vand.u32 $0x1F, v50  }
0x108: {  	v59 =	vand.u32 $0x1F, v53;
	v3 =	vor.u32 v18, v3;
	v2 =	vor.u32 v4, v2  }
0x109: {  	v4 =	vnsel vm13, $0x0, v21;
	vm13 =	vgt.s32 v33, $0x1F;
	v54 =	vnsel vm8, $0x0, v8  }
0x10a: {  	v57 =	vnsel vm9, $0x0, v8;
	v60 =	vshll.u32 v0, v59;
	v3 =	vor.u32 v6, v3  }
0x10b: {  	v2 =	vor.u32 v4, v2;
	v4 =	vshll.u32 v0, v25;
	v6 =	vnsel vm6, $0x0, v31  }
0x10c: {  	vm6 =	vlt.s32 v43, $0x20;
	v61 =	vand.u32 $0x1F, v56;
	vm14 =	vlt.s32 v56, $0x20  }
0x10d: {  	vm15 =	vgt.s32 v56, $0x1F;
	v3 =	vor.u32 v24, v3;
	v2 =	vor.u32 v27, v2  }
0x10e: {  	v28 =	vnsel vm4, $0x0, v4;
	v4 =	vnsel vm5, $0x0, v4;
	vm4 =	vlt.s32 v40, $0x20  }
0x10f: {  	vm5 =	vgt.s32 v40, $0x1F;
	v7 =	vshll.u32 v0, v61;
	v3 =	vor.u32 v28, v3  }
0x110: {  	v2 =	vor.u32 v4, v2;
	v4 =	vnsel vm7, $0x0, v31;
	vm7 =	vgt.s32 v43, $0x1F  }
0x111: {  	v62 =	vnsel vm14, $0x0, v7;
	v3 =	vor.u32 v6, v3;
	v2 =	vor.u32 v4, v2  }
0x112: {  	v4 =	vshll.u32 v0, v35;
	v6 =	vnsel vm12, $0x0, v41;
	vm12 =	vlt.s32 v53, $0x20  }
0x113: {  	v3 =	vor.u32 v34, v3;
	v2 =	vor.u32 v37, v2;
	v38 =	vnsel vm10, $0x0, v4  }
0x114: {  	v4 =	vnsel vm11, $0x0, v4;
	vm10 =	vlt.s32 v50, $0x20;
	vm11 =	vgt.s32 v50, $0x1F  }
0x115: {  	v3 =	vor.u32 v38, v3;
	v2 =	vor.u32 v4, v2;
	v4 =	vnsel vm13, $0x0, v41  }
0x116: {  	vm13 =	vgt.s32 v53, $0x1F;
	v3 =	vor.u32 v6, v3;
	v2 =	vor.u32 v4, v2  }
0x117: {  	v4 =	vshll.u32 v0, v45;
	v6 =	vnsel vm6, $0x0, v51;
	v3 =	vor.u32 v44, v3  }
0x118: {  	v2 =	vor.u32 v47, v2;
	v48 =	vnsel vm4, $0x0, v4;
	v4 =	vnsel vm5, $0x0, v4  }
0x119: {  	[tilespmem:$0x20] =	vst v1;
	v3 =	vor.u32 v48, v3;
	v2 =	vor.u32 v4, v2;
	v4 =	vnsel vm7, $0x0, v51  }
0x11a: {  	[tilespmem:$0x30] =	vst v1;
	v3 =	vor.u32 v6, v3;
	v2 =	vor.u32 v4, v2;
	v4 =	vshll.u32 v0, v55  }
0x11b: {  	[tilespmem:$0x40] =	vst v1;
	v6 =	vnsel vm12, $0x0, v60;
	v3 =	vor.u32 v54, v3;
	v58 =	vnsel vm10, $0x0, v4  }
0x11c: {  	[tilespmem:$0x50] =	vst v1;
	v2 =	vor.u32 v57, v2;
	v4 =	vnsel vm11, $0x0, v4;
	v3 =	vor.u32 v58, v3  }
0x11d: {  	[tilespmem:$0x60] =	vst v1;
	v2 =	vor.u32 v4, v2;
	v4 =	vnsel vm13, $0x0, v60;
	v3 =	vor.u32 v6, v3  }
0x11e: {  	[tilespmem:$0x70] =	vst v1;
	v63 =	vnsel vm15, $0x0, v7;
	v2 =	vor.u32 v4, v2;
	v3 =	vor.u32 v62, v3  }
0x11f: {  	p0 =	sne.s32 s5, $0x1;
	v2 =	vor.u32 v63, v2;
	[tilespmem:$0x0] =	vst v3  }
.Ltmp0:
0x120: {  	[tilespmem:$0x10] =	vst v2;
	(pc) =	sbr.rel @p0 .LBB2_1-.Ltmp0, $4  }
0x121: {  	[hbm4b:s4+s2] =	stream.linear.scatter [tilespmem:s2], [sflag:$0x1], $0x80, $0x38;
	[tilespmem:$0x680] =	vst v63  }
0x122: {  	_ =	swait.ge [sflag:s6], $0x80  }
0x123: {  	[sflag:s6] =	ssyncset.done $0x0  }
0x124: {  	s5 =	sadd.s32 $0xFFFFFFFF, s5;
	[sflag:s6] =	ssyncadd.s32 $0xFFFFFF80  }
0x125: {  	_ =	sfence.sel $0x180000  }
0x126: {  	[bflag:$0x0] =	sbarrier.arrive $0xFFFF  }
0x127: {  	p0 =	sne.s32 s0, $0x0;
	_ =	strace $0x90000047  }
0x128: {  	s0 =	sadd.s32 @!p0 $0x100000, s1;
	[bflag:$0x2] =	sbarrier.arrive $0xFFFF  }
0x129: {  	[sflag:s0] =	ssyncadd.tile.s32 @!p0 $0x1;
	_ =	shalt  }
.Lfunc_end2:
_tile_overlayer_lowered:
.L_overlay_start_2:
0x12a: {  	(tag) =	ssettag $0x2  }
0x12b: {  	s0 =	rddreg [dreg:$0x0];
	s2 =	stileid.u32  }
0x12c: {  	s1 =	rddreg [dreg:$0x1];
	p0 =	sne.s32 s2, $0x0  }
0x12d: {  	s3 =	rddreg [dreg:$0x2];
	[bflag:$0x3] =	sbarrier.arrive $0xFFFF;
	s2 =	simm.s32 @!p0 $0x1C01  }
0x12e: {  	[timem:s3], [sflag:s2] =	dma.local @!p0 [hbm:s0], s1  }
0x12f: {  	s0 =	simm.s32 @!p0 $0x1  }
0x130: {  	_ =	swait.ge @!p0 [sflag:s0], s1  }
0x131: {  	s1 =	ssub.s32 @!p0 $0x0, s1;
	[sflag:s0] =	ssyncset.done @!p0 $0x0  }
0x132: {  	[sflag:s0] =	ssyncadd.s32 @!p0 s1  }
0x133: {  	[bflag:$0x3] =	sbarrier.arrive $0xFFFF  }
0x134: {  	_ =	shalt  }

</sc_bundles>
